<compile_context>
chip_gen: v7x
topology: tpu7x:2x2x1
jax: 0.10.2.dev20260603
libtpu: 0.0.44.dev20260713+nightly
codegen_flags: <defaults>
</compile_context>

<pallas_src>
import functools

import jax
import jax.numpy as jnp
from jax import lax
from jax.experimental import pallas as pl
from jax.experimental.pallas import tpu as pltpu
from jax.experimental.pallas import tpu_sc as plsc

_NC = 2
_NS = 16
_NW = _NC * _NS
_CHUNK = 128
_PASS = 40
_PAD = 8


def _pad_edges(idx, n):
    e = idx.shape[0]
    per_w = e // _NW
    k = -(-per_w // _CHUNK)
    k = -(-k // _PASS) * _PASS
    pad = k * _CHUNK - per_w
    pad_idx = n + (jnp.arange(_NW * pad, dtype=jnp.int32) % _PAD)
    two_d = jnp.concatenate(
        [idx.reshape(_NW, per_w), pad_idx.reshape(_NW, pad)], axis=1)
    return two_d.reshape(_NW, k, _CHUNK)


def _sc_mesh():
    return plsc.VectorSubcoreMesh(core_axis_name="c", subcore_axis_name="s",
                                  num_cores=_NC, num_subcores=_NS)


def _copy_rows_sharded(sid, src, dst, n):
    per = (n // _NS) // 8 * 8
    tail = n - per * _NS
    pltpu.sync_copy(src.at[pl.ds(sid * per, per)], dst.at[pl.ds(sid * per, per)])
    if tail:
        @pl.when(sid == 0)
        def _():
            pltpu.sync_copy(src.at[pl.ds(per * _NS, tail)],
                            dst.at[pl.ds(per * _NS, tail)])


def _deg_body(dstc_hbm, ones_hbm, zeros_hbm, out_hbm, didx, ones_v, deg_sp):
    cid = lax.axis_index("c")
    sid = lax.axis_index("s")
    np_ = zeros_hbm.shape[0]
    _copy_rows_sharded(sid, zeros_hbm, deg_sp, np_)
    wid = cid * _NS + sid
    pltpu.sync_copy(dstc_hbm.at[wid], didx)
    pltpu.sync_copy(ones_hbm, ones_v)
    plsc.subcore_barrier()

    def body(g, carry):
        pltpu.sync_copy(ones_v, deg_sp.at[didx.at[g]], add=True)
        return carry

    lax.fori_loop(0, dstc_hbm.shape[1], body, 0)
    plsc.subcore_barrier()
    _copy_rows_sharded(sid, deg_sp, out_hbm.at[cid], np_)


def _sc_deg(dst, n, h):
    dstc = _pad_edges(dst, n)
    np_ = n + _PAD
    k = pl.kernel(
        _deg_body,
        out_type=jax.ShapeDtypeStruct((_NC, np_, h), jnp.float32),
        mesh=_sc_mesh(),
        scratch_types=[
            pltpu.VMEM(dstc.shape[1:], jnp.int32),
            pltpu.VMEM((_CHUNK, h), jnp.float32),
            pltpu.VMEM_SHARED((np_, h), jnp.float32),
        ],
    )
    return k(dstc, jnp.ones((_CHUNK, h), jnp.float32),
             jnp.zeros((np_, h), jnp.float32))


def _agg_body(y_hbm, srcc_hbm, dstc_hbm, zeros_hbm, out_hbm,
              sidx, didx, rows0, rows1, acc_sp, sem_a, sem_b):
    cid = lax.axis_index("c")
    sid = lax.axis_index("s")
    np_ = y_hbm.shape[0]
    _copy_rows_sharded(sid, zeros_hbm, acc_sp, np_)
    plsc.subcore_barrier()
    wid = cid * _NS + sid
    npass = srcc_hbm.shape[1] // _PASS

    def pass_body(p, carry):
        pltpu.sync_copy(srcc_hbm.at[wid, pl.ds(p * _PASS, _PASS)], sidx)
        pltpu.sync_copy(dstc_hbm.at[wid, pl.ds(p * _PASS, _PASS)], didx)
        pltpu.async_copy(y_hbm.at[sidx.at[0]], rows0, sem_a)
        pltpu.async_copy(y_hbm.at[sidx.at[1]], rows1, sem_b)

        def body(k, c):
            g = 2 * k
            pltpu.make_async_copy(y_hbm.at[sidx.at[0]], rows0, sem_a).wait()
            pltpu.sync_copy(rows0, acc_sp.at[didx.at[g]], add=True)

            @pl.when(g + 2 < _PASS)
            def _():
                pltpu.async_copy(y_hbm.at[sidx.at[g + 2]], rows0, sem_a)

            pltpu.make_async_copy(y_hbm.at[sidx.at[1]], rows1, sem_b).wait()
            pltpu.sync_copy(rows1, acc_sp.at[didx.at[g + 1]], add=True)

            @pl.when(g + 3 < _PASS)
            def _():
                pltpu.async_copy(y_hbm.at[sidx.at[g + 3]], rows1, sem_b)

            return c

        lax.fori_loop(0, _PASS // 2, body, 0)
        return carry

    lax.fori_loop(0, npass, pass_body, 0)
    plsc.subcore_barrier()
    _copy_rows_sharded(sid, acc_sp, out_hbm.at[cid], np_)


def _sc_agg(y_pad, src, dst, n, h):
    srcc = _pad_edges(src, n)
    dstc = _pad_edges(dst, n)
    assert srcc.shape[1] % _PASS == 0
    np_ = n + _PAD
    k = pl.kernel(
        _agg_body,
        out_type=jax.ShapeDtypeStruct((_NC, np_, h), jnp.float32),
        mesh=_sc_mesh(),
        scratch_types=[
            pltpu.VMEM((_PASS, _CHUNK), jnp.int32),
            pltpu.VMEM((_PASS, _CHUNK), jnp.int32),
            pltpu.VMEM((_CHUNK, h), jnp.float32),
            pltpu.VMEM((_CHUNK, h), jnp.float32),
            pltpu.VMEM_SHARED((np_, h), jnp.float32),
            pltpu.SemaphoreType.DMA,
            pltpu.SemaphoreType.DMA,
        ],
    )
    return k(y_pad, srcc, dstc, jnp.zeros((np_, h), jnp.float32))


_BLK = 1112


def _mm_body(x_ref, w_ref, o_ref):
    o_ref[...] = jnp.dot(x_ref[...], w_ref[...],
                         preferred_element_type=jnp.float32,
                         precision=lax.Precision.HIGHEST)


def _tc_matmul(x, w):
    np_, d = x.shape
    return pl.pallas_call(
        _mm_body,
        grid=(np_ // _BLK,),
        in_specs=[
            pl.BlockSpec((_BLK, d), lambda i: (i, 0)),
            pl.BlockSpec((d, d), lambda i: (0, 0)),
        ],
        out_specs=pl.BlockSpec((_BLK, d), lambda i: (i, 0)),
        out_shape=jax.ShapeDtypeStruct((np_, d), jnp.float32),
    )(x, w)


def _scale_body(dp_ref, xw_ref, dinv_ref, y_ref):
    deg = dp_ref[0, :, 0:1] + dp_ref[1, :, 0:1] + 1.0
    dinv = lax.rsqrt(jnp.maximum(deg, 1.0))
    dinv_ref[...] = dinv
    y_ref[...] = xw_ref[...] * dinv


def _tc_scale(deg_parts, xw):
    np_, d = xw.shape
    return pl.pallas_call(
        _scale_body,
        grid=(np_ // _BLK,),
        in_specs=[
            pl.BlockSpec((_NC, _BLK, d), lambda i: (0, i, 0)),
            pl.BlockSpec((_BLK, d), lambda i: (i, 0)),
        ],
        out_specs=[
            pl.BlockSpec((_BLK, 1), lambda i: (i, 0)),
            pl.BlockSpec((_BLK, d), lambda i: (i, 0)),
        ],
        out_shape=[
            jax.ShapeDtypeStruct((np_, 1), jnp.float32),
            jax.ShapeDtypeStruct((np_, d), jnp.float32),
        ],
    )(deg_parts, xw)


def _layer_body(add_residual, want_y,
                p_ref, y_ref, h_ref, dinv_ref, b_ref, g_ref, beta_ref, w_ref,
                *out_refs):
    dinv = dinv_ref[...]
    t = (p_ref[0] + p_ref[1] + y_ref[...]) * dinv + b_ref[...]
    m = jnp.mean(t, axis=1, keepdims=True)
    v = jnp.mean((t - m) ** 2, axis=1, keepdims=True)
    t = (t - m) * lax.rsqrt(v + 1e-5) * g_ref[...] + beta_ref[...]
    t = jnp.maximum(t, 0.0)
    if add_residual:
        t = t + h_ref[...]
    out_refs[0][...] = t
    if want_y:
        out_refs[1][...] = jnp.dot(
            t, w_ref[...], preferred_element_type=jnp.float32,
            precision=lax.Precision.HIGHEST) * dinv


def _tc_layer(parts, y, h, dinv, b, g, beta, w_next, add_residual, want_y):
    np_, d = y.shape
    grid = np_ // _BLK
    out_shape = [jax.ShapeDtypeStruct((np_, d), jnp.float32)]
    out_specs = [pl.BlockSpec((_BLK, d), lambda i: (i, 0))]
    if want_y:
        out_shape.append(jax.ShapeDtypeStruct((np_, d), jnp.float32))
        out_specs.append(pl.BlockSpec((_BLK, d), lambda i: (i, 0)))
    return pl.pallas_call(
        functools.partial(_layer_body, add_residual, want_y),
        grid=(grid,),
        in_specs=[
            pl.BlockSpec((_NC, _BLK, d), lambda i: (0, i, 0)),
            pl.BlockSpec((_BLK, d), lambda i: (i, 0)),
            pl.BlockSpec((_BLK, d), lambda i: (i, 0)),
            pl.BlockSpec((_BLK, 1), lambda i: (i, 0)),
            pl.BlockSpec((1, d), lambda i: (0, 0)),
            pl.BlockSpec((1, d), lambda i: (0, 0)),
            pl.BlockSpec((1, d), lambda i: (0, 0)),
            pl.BlockSpec((d, d), lambda i: (0, 0)),
        ],
        out_specs=out_specs,
        out_shape=out_shape,
    )(parts, y, h, dinv, b, g, beta, w_next)


def _head_body(ngroups, h_ref, batch_ref, bn1g, bn1b, fc1w, fc1b,
               bn2g, bn2b, fc2w, fc2b, out_ref, pooled_acc, cnt_acc):
    i = pl.program_id(0)
    blk = h_ref.shape[0]

    @pl.when(i == 0)
    def _():
        pooled_acc[...] = jnp.zeros_like(pooled_acc)
        cnt_acc[...] = jnp.zeros_like(cnt_acc)

    onehot = (lax.broadcasted_iota(jnp.int32, (blk, ngroups), 1)
              == batch_ref[...]).astype(jnp.float32)
    pooled_acc[...] += lax.dot_general(
        onehot, h_ref[...], (((0,), (0,)), ((), ())),
        preferred_element_type=jnp.float32, precision=lax.Precision.HIGHEST)
    cnt_acc[...] += lax.dot_general(
        onehot, jnp.ones((blk, 1), jnp.float32), (((0,), (0,)), ((), ())),
        preferred_element_type=jnp.float32)

    @pl.when(i == pl.num_programs(0) - 1)
    def _():
        pooled = pooled_acc[...] / jnp.maximum(cnt_acc[...], 1.0)
        m = jnp.mean(pooled, axis=0, keepdims=True)
        v = jnp.mean((pooled - m) ** 2, axis=0, keepdims=True)
        t = (pooled - m) * lax.rsqrt(v + 1e-5) * bn1g[...] + bn1b[...]
        t = jnp.maximum(t, 0.0)
        t = jnp.dot(t, fc1w[...], preferred_element_type=jnp.float32,
                    precision=lax.Precision.HIGHEST) + fc1b[...]
        m2 = jnp.mean(t, axis=0, keepdims=True)
        v2 = jnp.mean((t - m2) ** 2, axis=0, keepdims=True)
        t = (t - m2) * lax.rsqrt(v2 + 1e-5) * bn2g[...] + bn2b[...]
        t = jnp.maximum(t, 0.0)
        out_ref[...] = jnp.dot(
            t, fc2w[...], preferred_element_type=jnp.float32,
            precision=lax.Precision.HIGHEST) + fc2b[...]


def _tc_head(h, batch2d, bn1_g, bn1_b, fc1_W, fc1_b, bn2_g, bn2_b,
             fc2_W, fc2_b, ngroups):
    n, d = h.shape
    dh = fc1_W.shape[1]
    grid = n // _BLK
    return pl.pallas_call(
        functools.partial(_head_body, ngroups),
        grid=(grid,),
        in_specs=[
            pl.BlockSpec((_BLK, d), lambda i: (i, 0)),
            pl.BlockSpec((_BLK, 1), lambda i: (i, 0)),
            pl.BlockSpec((1, d), lambda i: (0, 0)),
            pl.BlockSpec((1, d), lambda i: (0, 0)),
            pl.BlockSpec((d, dh), lambda i: (0, 0)),
            pl.BlockSpec((1, dh), lambda i: (0, 0)),
            pl.BlockSpec((1, dh), lambda i: (0, 0)),
            pl.BlockSpec((1, dh), lambda i: (0, 0)),
            pl.BlockSpec((dh, 1), lambda i: (0, 0)),
            pl.BlockSpec((1, 1), lambda i: (0, 0)),
        ],
        out_specs=pl.BlockSpec((ngroups, 1), lambda i: (0, 0)),
        out_shape=jax.ShapeDtypeStruct((ngroups, 1), jnp.float32),
        scratch_shapes=[
            pltpu.VMEM((ngroups, d), jnp.float32),
            pltpu.VMEM((ngroups, 1), jnp.float32),
        ],
        compiler_params=pltpu.CompilerParams(
            dimension_semantics=("arbitrary",)),
    )(h, batch2d, bn1_g, bn1_b, fc1_W, fc1_b, bn2_g, bn2_b, fc2_W, fc2_b)


def kernel(x, Ws, bs, ln_g, ln_b, bn1_g, bn1_b, fc1_W, fc1_b,
           bn2_g, bn2_b, fc2_W, fc2_b, edge_index, batch):
    n, d = x.shape
    nlayers = Ws.shape[0]
    ngroups = 64
    src = edge_index[0]
    dst = edge_index[1]

    x_pad = jnp.pad(x, ((0, _PAD), (0, 0)))
    batch_pad = jnp.pad(batch.astype(jnp.int32).reshape(n, 1),
                        ((0, _PAD), (0, 0)), constant_values=-1)

    deg_parts = _sc_deg(dst, n, d)
    xw0 = _tc_matmul(x_pad, Ws[0])
    dinv, y = _tc_scale(deg_parts, xw0)

    h = x_pad
    for i in range(nlayers):
        parts = _sc_agg(y, src, dst, n, d)
        last = i == nlayers - 1
        w_next = Ws[i + 1] if not last else Ws[i]
        outs = _tc_layer(parts, y, h, dinv,
                         bs[i].reshape(1, d), ln_g[i].reshape(1, d),
                         ln_b[i].reshape(1, d), w_next,
                         add_residual=(i > 0), want_y=not last)
        if last:
            h = outs[0]
        else:
            h, y = outs

    return _tc_head(h, batch_pad,
                    bn1_g.reshape(1, d), bn1_b.reshape(1, d),
                    fc1_W, fc1_b.reshape(1, -1),
                    bn2_g.reshape(1, -1), bn2_b.reshape(1, -1),
                    fc2_W, fc2_b.reshape(1, 1), ngroups)

# --- scband reference (transcript-rebuilt; emitter-appended) ---
"""Pipeline reference for scband-modern-mpnn-28441273434169 (READ-ONLY COPY).

The authoritative reference and input builder live on the scoring server;
editing this copy changes nothing except your own understanding.
"""

import jax, jax.numpy as jnp
import numpy as np

N = 10000
E = 320000
D = 128
H = 128
L = 4
G = 64


def setup_inputs(seed: int = 0) -> dict:
    key = jax.random.key(seed)
    ks = jax.random.split(key, 8)
    scale = 0.05
    x = jax.random.normal(ks[0], (N, D), dtype=jnp.float32)
    edge_index = jax.random.randint(ks[1], (2, E), 0, N, dtype=jnp.int32)
    batch = jnp.sort(jax.random.randint(ks[2], (N,), 0, G, dtype=jnp.int32))
    Ws = jax.random.normal(ks[3], (L, H, H), dtype=jnp.float32) * scale
    bs = jnp.zeros((L, H), dtype=jnp.float32)
    ln_g = jnp.ones((L, H), dtype=jnp.float32)
    ln_b = jnp.zeros((L, H), dtype=jnp.float32)
    bn1_g = jnp.ones((H,), dtype=jnp.float32)
    bn1_b = jnp.zeros((H,), dtype=jnp.float32)
    fc1_W = jax.random.normal(ks[4], (H, H // 2), dtype=jnp.float32) * scale
    fc1_b = jnp.zeros((H // 2,), dtype=jnp.float32)
    bn2_g = jnp.ones((H // 2,), dtype=jnp.float32)
    bn2_b = jnp.zeros((H // 2,), dtype=jnp.float32)
    fc2_W = jax.random.normal(ks[5], (H // 2, 1), dtype=jnp.float32) * scale
    fc2_b = jnp.zeros((1,), dtype=jnp.float32)
    return {"x": x, "Ws": Ws, "bs": bs, "ln_g": ln_g, "ln_b": ln_b,
            "bn1_g": bn1_g, "bn1_b": bn1_b, "fc1_W": fc1_W, "fc1_b": fc1_b,
            "bn2_g": bn2_g, "bn2_b": bn2_b, "fc2_W": fc2_W, "fc2_b": fc2_b,
            "edge_index": edge_index, "batch": batch}


def _layernorm(x, g, b):
    m = jnp.mean(x, axis=-1, keepdims=True)
    v = jnp.mean((x - m) ** 2, axis=-1, keepdims=True)
    return (x - m) * jax.lax.rsqrt(v + 1e-5) * g + b


def _batchnorm(x, g, b):
    m = jnp.mean(x, axis=0)
    v = jnp.mean((x - m) ** 2, axis=0)
    return (x - m) * jax.lax.rsqrt(v + 1e-5) * g + b


def _gcn_conv(x, src, dst, W, b):
    # PyG GCNConv: x' = D^-1/2 (A + I) D^-1/2 X W + b  (self-loops already in src/dst)
    xw = x @ W
    n = x.shape[0]
    deg = jnp.zeros((n,), xw.dtype).at[dst].add(1.0)
    dinv = jax.lax.rsqrt(jnp.maximum(deg, 1.0))
    norm = dinv[src] * dinv[dst]
    out = jnp.zeros_like(xw).at[dst].add(xw[src] * norm[:, None])
    return out + b


def _forward(x, Ws, bs, ln_g, ln_b, bn1_g, bn1_b, fc1_W, fc1_b, bn2_g, bn2_b, fc2_W, fc2_b, edge_index, batch):
    n = x.shape[0]
    loops = jnp.arange(n, dtype=edge_index.dtype)
    src = jnp.concatenate([edge_index[0], loops])
    dst = jnp.concatenate([edge_index[1], loops])
    h = x
    for i in range(L):
        residual = h if (i > 0 and h.shape[-1] == H) else None
        h = _gcn_conv(h, src, dst, Ws[i], bs[i])
        h = _layernorm(h, ln_g[i], ln_b[i])
        h = jax.nn.relu(h)
        # dropout p=0.0 -> identity
        if residual is not None:
            h = h + residual
    cnt = jnp.zeros((G,), h.dtype).at[batch].add(1.0)
    pooled = jax.ops.segment_sum(h, batch, num_segments=G) / jnp.maximum(cnt, 1.0)[:, None]
    g = jax.nn.relu(_batchnorm(pooled, bn1_g, bn1_b))
    g = g @ fc1_W + fc1_b
    g = jax.nn.relu(_batchnorm(g, bn2_g, bn2_b))
    out = g @ fc2_W + fc2_b
    return out


def reference(x, Ws, bs, ln_g, ln_b, bn1_g, bn1_b, fc1_W, fc1_b, bn2_g, bn2_b, fc2_W, fc2_b, edge_index, batch):
    return _forward(x, Ws, bs, ln_g, ln_b, bn1_g, bn1_b, fc1_W, fc1_b, bn2_g, bn2_b, fc2_W, fc2_b, edge_index, batch)

if __name__ == "__main__":
    import jax
    _d = setup_inputs()
    print(jax.jit(kernel)(*tuple(_d.values())))

</pallas_src>

<mosaic_0001>
#map = affine_map<(d0, d1) -> (0, 0, 0)>
#map1 = affine_map<(d0, d1) -> (0, 0)>
module attributes {stable_mosaic.version = 14 : i64} {
  func.func @_deg_body(%arg0: i32, %arg1: i32, %arg2: memref<32x80x128xi32, #tpu.memory_space<hbm>>, %arg3: memref<128x128xf32, #tpu.memory_space<hbm>>, %arg4: memref<10008x128xf32, #tpu.memory_space<hbm>>, %arg5: memref<2x10008x128xf32, #tpu.memory_space<hbm>>, %arg6: memref<80x128xi32, #tpu.memory_space<vmem>>, %arg7: memref<128x128xf32, #tpu.memory_space<vmem>>, %arg8: memref<10008x128xf32, #tpu.memory_space<vmem_shared>>) attributes {dimension_semantics = [#tpu.dimension_semantics<core_parallel>, #tpu.dimension_semantics<subcore_parallel>], iteration_bounds = array<i64: 2, 16>, scalar_prefetch = 0 : i64, scratch_operands = 3 : i64, tpu.core_type = #tpu.core_type<sc_vector_subcore>, window_params = [{transform_indices = #map}, {transform_indices = #map1}, {transform_indices = #map1}, {transform_indices = #map}]} {
    %mul3A = arith.constant 624 : i32
    %mul3A_0 = arith.muli %arg1, %mul3A : i32
    %mul3A_1 = arith.constant 624 : i32
    %mul3A_2 = arith.muli %arg1, %mul3A_1 : i32
    "tpu.region"() ({
      %run_scoped3A = tpu.sem_alloc : memref<!tpu.dma_semaphore, #tpu.memory_space<semaphore_mem>>
      %dma_start3A = arith.constant 0 : i32
      %dma_start3A_22 = tpu.memref_slice %arg8[%mul3A_2, %dma_start3A] : memref<10008x128xf32, #tpu.memory_space<vmem_shared>> -> memref<624x128xf32, #tpu.memory_space<vmem_shared>>
      %dma_start3A_23 = arith.constant 0 : i32
      %dma_start3A_24 = tpu.memref_slice %arg4[%mul3A_0, %dma_start3A_23] : memref<10008x128xf32, #tpu.memory_space<hbm>> -> memref<624x128xf32, #tpu.memory_space<hbm>>
      tpu.enqueue_dma source(%dma_start3A_24 : memref<624x128xf32, #tpu.memory_space<hbm>>) target(%dma_start3A_22 : memref<624x128xf32, #tpu.memory_space<vmem_shared>>) target_semaphore(%run_scoped3A : memref<!tpu.dma_semaphore, #tpu.memory_space<semaphore_mem>>)
      %dma_wait3A = arith.constant 0 : i32
      %dma_wait3A_25 = tpu.memref_slice %arg8[%mul3A_2, %dma_wait3A] : memref<10008x128xf32, #tpu.memory_space<vmem_shared>> -> memref<624x128xf32, #tpu.memory_space<vmem_shared>>
      %dma_wait3A_26 = arith.constant 0 : i32
      %dma_wait3A_27 = tpu.memref_slice %arg4[%mul3A_0, %dma_wait3A_26] : memref<10008x128xf32, #tpu.memory_space<hbm>> -> memref<624x128xf32, #tpu.memory_space<hbm>>
      tpu.wait_dma2 semaphore(%run_scoped3A : memref<!tpu.dma_semaphore, #tpu.memory_space<semaphore_mem>>) src(%dma_wait3A_27 : memref<624x128xf32, #tpu.memory_space<hbm>>) dst(%dma_wait3A_25 : memref<624x128xf32, #tpu.memory_space<vmem_shared>>)
      tpu.yield
    }) : () -> ()
    %eq3A = arith.constant 0 : i32
    %eq3A_3 = arith.cmpi eq, %arg1, %eq3A : i32
    %convert_element_type3A = arith.extui %eq3A_3 : i1 to i32
    %cond3A = arith.constant 0 : i32
    %cond3A_4 = arith.cmpi ne, %convert_element_type3A, %cond3A : i32
    scf.if %cond3A_4 {
      "tpu.region"() ({
        %run_scoped3A = tpu.sem_alloc : memref<!tpu.dma_semaphore, #tpu.memory_space<semaphore_mem>>
        %dma_start3A = arith.constant 9984 : i32
        %dma_start3A_22 = arith.constant 0 : i32
        %dma_start3A_23 = tpu.memref_slice %arg8[%dma_start3A, %dma_start3A_22] : memref<10008x128xf32, #tpu.memory_space<vmem_shared>> -> memref<24x128xf32, #tpu.memory_space<vmem_shared>>
        %dma_start3A_24 = arith.constant 9984 : i32
        %dma_start3A_25 = arith.constant 0 : i32
        %dma_start3A_26 = tpu.memref_slice %arg4[%dma_start3A_24, %dma_start3A_25] : memref<10008x128xf32, #tpu.memory_space<hbm>> -> memref<24x128xf32, #tpu.memory_space<hbm>>
        tpu.enqueue_dma source(%dma_start3A_26 : memref<24x128xf32, #tpu.memory_space<hbm>>) target(%dma_start3A_23 : memref<24x128xf32, #tpu.memory_space<vmem_shared>>) target_semaphore(%run_scoped3A : memref<!tpu.dma_semaphore, #tpu.memory_space<semaphore_mem>>)
        %dma_wait3A = arith.constant 9984 : i32
        %dma_wait3A_27 = arith.constant 0 : i32
        %dma_wait3A_28 = tpu.memref_slice %arg8[%dma_wait3A, %dma_wait3A_27] : memref<10008x128xf32, #tpu.memory_space<vmem_shared>> -> memref<24x128xf32, #tpu.memory_space<vmem_shared>>
        %dma_wait3A_29 = arith.constant 9984 : i32
        %dma_wait3A_30 = arith.constant 0 : i32
        %dma_wait3A_31 = tpu.memref_slice %arg4[%dma_wait3A_29, %dma_wait3A_30] : memref<10008x128xf32, #tpu.memory_space<hbm>> -> memref<24x128xf32, #tpu.memory_space<hbm>>
        tpu.wait_dma2 semaphore(%run_scoped3A : memref<!tpu.dma_semaphore, #tpu.memory_space<semaphore_mem>>) src(%dma_wait3A_31 : memref<24x128xf32, #tpu.memory_space<hbm>>) dst(%dma_wait3A_28 : memref<24x128xf32, #tpu.memory_space<vmem_shared>>)
        tpu.yield
      }) : () -> ()
    } else {
    }
    %mul3A_5 = arith.constant 16 : i32
    %mul3A_6 = arith.muli %arg0, %mul3A_5 : i32
    %add3A = arith.addi %mul3A_6, %arg1 : i32
    "tpu.region"() ({
      %run_scoped3A = tpu.sem_alloc : memref<!tpu.dma_semaphore, #tpu.memory_space<semaphore_mem>>
      %dma_start3A = arith.constant 0 : i32
      %dma_start3A_22 = arith.constant 0 : i32
      %dma_start3A_23 = tpu.memref_slice %arg2[%add3A, %dma_start3A, %dma_start3A_22] : memref<32x80x128xi32, #tpu.memory_space<hbm>> -> memref<1x80x128xi32, #tpu.memory_space<hbm>>
      %dma_start3A_24 = tpu.memref_squeeze %dma_start3A_23 : memref<1x80x128xi32, #tpu.memory_space<hbm>> -> memref<80x128xi32, #tpu.memory_space<hbm>>
      %dma_start3A_25 = arith.constant 0 : i32
      %dma_start3A_26 = arith.constant 0 : i32
      %dma_start3A_27 = tpu.memref_slice %arg2[%add3A, %dma_start3A_25, %dma_start3A_26] : memref<32x80x128xi32, #tpu.memory_space<hbm>> -> memref<1x80x128xi32, #tpu.memory_space<hbm>>
      %dma_start3A_28 = tpu.memref_squeeze %dma_start3A_27 : memref<1x80x128xi32, #tpu.memory_space<hbm>> -> memref<80x128xi32, #tpu.memory_space<hbm>>
      tpu.enqueue_dma source(%dma_start3A_28 : memref<80x128xi32, #tpu.memory_space<hbm>>) target(%arg6 : memref<80x128xi32, #tpu.memory_space<vmem>>) target_semaphore(%run_scoped3A : memref<!tpu.dma_semaphore, #tpu.memory_space<semaphore_mem>>)
      %dma_wait3A = arith.constant 0 : i32
      %dma_wait3A_29 = arith.constant 0 : i32
      %dma_wait3A_30 = tpu.memref_slice %arg2[%add3A, %dma_wait3A, %dma_wait3A_29] : memref<32x80x128xi32, #tpu.memory_space<hbm>> -> memref<1x80x128xi32, #tpu.memory_space<hbm>>
      %dma_wait3A_31 = tpu.memref_squeeze %dma_wait3A_30 : memref<1x80x128xi32, #tpu.memory_space<hbm>> -> memref<80x128xi32, #tpu.memory_space<hbm>>
      %dma_wait3A_32 = arith.constant 0 : i32
      %dma_wait3A_33 = arith.constant 0 : i32
      %dma_wait3A_34 = tpu.memref_slice %arg2[%add3A, %dma_wait3A_32, %dma_wait3A_33] : memref<32x80x128xi32, #tpu.memory_space<hbm>> -> memref<1x80x128xi32, #tpu.memory_space<hbm>>
      %dma_wait3A_35 = tpu.memref_squeeze %dma_wait3A_34 : memref<1x80x128xi32, #tpu.memory_space<hbm>> -> memref<80x128xi32, #tpu.memory_space<hbm>>
      tpu.wait_dma2 semaphore(%run_scoped3A : memref<!tpu.dma_semaphore, #tpu.memory_space<semaphore_mem>>) src(%dma_wait3A_35 : memref<80x128xi32, #tpu.memory_space<hbm>>) dst(%arg6 : memref<80x128xi32, #tpu.memory_space<vmem>>)
      tpu.yield
    }) : () -> ()
    "tpu.region"() ({
      %run_scoped3A = tpu.sem_alloc : memref<!tpu.dma_semaphore, #tpu.memory_space<semaphore_mem>>
      tpu.enqueue_dma source(%arg3 : memref<128x128xf32, #tpu.memory_space<hbm>>) target(%arg7 : memref<128x128xf32, #tpu.memory_space<vmem>>) target_semaphore(%run_scoped3A : memref<!tpu.dma_semaphore, #tpu.memory_space<semaphore_mem>>)
      tpu.wait_dma2 semaphore(%run_scoped3A : memref<!tpu.dma_semaphore, #tpu.memory_space<semaphore_mem>>) src(%arg3 : memref<128x128xf32, #tpu.memory_space<hbm>>) dst(%arg7 : memref<128x128xf32, #tpu.memory_space<vmem>>)
      tpu.yield
    }) : () -> ()
    %barrier3A = arith.constant 0 : index
    tpu.barrier barrier_id(%barrier3A)
    %scan3A = arith.constant 0 : i32
    %scan3A_7 = arith.constant 0 : i32
    %scan3A_8 = arith.constant 80 : i32
    %scan3A_9 = arith.addi %scan3A_7, %scan3A_8 : i32
    %scan3A_10 = arith.constant 1 : i32
    scf.for %scan3A_22 = %scan3A_7 to %scan3A_9 step %scan3A_10  : i32 {
      "tpu.region"() ({
        %run_scoped3A = tpu.sem_alloc : memref<!tpu.dma_semaphore, #tpu.memory_space<semaphore_mem>>
        %dma_start3A = arith.constant 0 : i32
        %dma_start3A_23 = tpu.memref_slice %arg6[%scan3A_22, %dma_start3A] : memref<80x128xi32, #tpu.memory_space<vmem>> -> memref<1x128xi32, #tpu.memory_space<vmem>>
        %dma_start3A_24 = tpu.memref_squeeze %dma_start3A_23 : memref<1x128xi32, #tpu.memory_space<vmem>> -> memref<128xi32, #tpu.memory_space<vmem>>
        %dma_start3A_25 = arith.constant 0 : i32
        %dma_start3A_26 = arith.constant 0 : i32
        %dma_start3A_27 = tpu.memref_slice %arg8[%dma_start3A_25, %dma_start3A_26] : memref<10008x128xf32, #tpu.memory_space<vmem_shared>> -> memref<10008x128xf32, #tpu.memory_space<vmem_shared>>
        tpu.enqueue_indirect_dma source(%arg7 : memref<128x128xf32, #tpu.memory_space<vmem>>) target(%dma_start3A_27 : memref<10008x128xf32, #tpu.memory_space<vmem_shared>>) offsets(%dma_start3A_24 : memref<128xi32, #tpu.memory_space<vmem>>) semaphore(%run_scoped3A : memref<!tpu.dma_semaphore, #tpu.memory_space<semaphore_mem>>) {add = true}
        %dma_wait3A = arith.constant 0 : i32
        %dma_wait3A_28 = tpu.memref_slice %arg6[%scan3A_22, %dma_wait3A] : memref<80x128xi32, #tpu.memory_space<vmem>> -> memref<1x128xi32, #tpu.memory_space<vmem>>
        %dma_wait3A_29 = tpu.memref_squeeze %dma_wait3A_28 : memref<1x128xi32, #tpu.memory_space<vmem>> -> memref<128xi32, #tpu.memory_space<vmem>>
        %dma_wait3A_30 = arith.constant 0 : i32
        %dma_wait3A_31 = arith.constant 0 : i32
        %dma_wait3A_32 = tpu.memref_slice %arg8[%dma_wait3A_30, %dma_wait3A_31] : memref<10008x128xf32, #tpu.memory_space<vmem_shared>> -> memref<10008x128xf32, #tpu.memory_space<vmem_shared>>
        tpu.wait_indirect_dma semaphore(%run_scoped3A : memref<!tpu.dma_semaphore, #tpu.memory_space<semaphore_mem>>) src(%arg7 : memref<128x128xf32, #tpu.memory_space<vmem>>) dst(%dma_wait3A_32 : memref<10008x128xf32, #tpu.memory_space<vmem_shared>>)
        tpu.yield
      }) : () -> ()
    }
    %scan3A_11 = arith.constant 80 : i32
    %barrier3A_12 = arith.constant 0 : index
    tpu.barrier barrier_id(%barrier3A_12)
    %mul3A_13 = arith.constant 624 : i32
    %mul3A_14 = arith.muli %arg1, %mul3A_13 : i32
    %mul3A_15 = arith.constant 624 : i32
    %mul3A_16 = arith.muli %arg1, %mul3A_15 : i32
    "tpu.region"() ({
      %run_scoped3A = tpu.sem_alloc : memref<!tpu.dma_semaphore, #tpu.memory_space<semaphore_mem>>
      %dma_start3A = arith.constant 0 : i32
      %dma_start3A_22 = arith.constant 0 : i32
      %dma_start3A_23 = tpu.memref_slice %arg5[%arg0, %dma_start3A, %dma_start3A_22] : memref<2x10008x128xf32, #tpu.memory_space<hbm>> -> memref<1x10008x128xf32, #tpu.memory_space<hbm>>
      %dma_start3A_24 = tpu.memref_squeeze %dma_start3A_23 : memref<1x10008x128xf32, #tpu.memory_space<hbm>> -> memref<10008x128xf32, #tpu.memory_space<hbm>>
      %dma_start3A_25 = arith.constant 0 : i32
      %dma_start3A_26 = tpu.memref_slice %dma_start3A_24[%mul3A_16, %dma_start3A_25] : memref<10008x128xf32, #tpu.memory_space<hbm>> -> memref<624x128xf32, #tpu.memory_space<hbm>>
      %dma_start3A_27 = arith.constant 0 : i32
      %dma_start3A_28 = tpu.memref_slice %arg8[%mul3A_14, %dma_start3A_27] : memref<10008x128xf32, #tpu.memory_space<vmem_shared>> -> memref<624x128xf32, #tpu.memory_space<vmem_shared>>
      tpu.enqueue_dma source(%dma_start3A_28 : memref<624x128xf32, #tpu.memory_space<vmem_shared>>) target(%dma_start3A_26 : memref<624x128xf32, #tpu.memory_space<hbm>>) target_semaphore(%run_scoped3A : memref<!tpu.dma_semaphore, #tpu.memory_space<semaphore_mem>>)
      %dma_wait3A = arith.constant 0 : i32
      %dma_wait3A_29 = arith.constant 0 : i32
      %dma_wait3A_30 = tpu.memref_slice %arg5[%arg0, %dma_wait3A, %dma_wait3A_29] : memref<2x10008x128xf32, #tpu.memory_space<hbm>> -> memref<1x10008x128xf32, #tpu.memory_space<hbm>>
      %dma_wait3A_31 = tpu.memref_squeeze %dma_wait3A_30 : memref<1x10008x128xf32, #tpu.memory_space<hbm>> -> memref<10008x128xf32, #tpu.memory_space<hbm>>
      %dma_wait3A_32 = arith.constant 0 : i32
      %dma_wait3A_33 = tpu.memref_slice %dma_wait3A_31[%mul3A_16, %dma_wait3A_32] : memref<10008x128xf32, #tpu.memory_space<hbm>> -> memref<624x128xf32, #tpu.memory_space<hbm>>
      %dma_wait3A_34 = arith.constant 0 : i32
      %dma_wait3A_35 = tpu.memref_slice %arg8[%mul3A_14, %dma_wait3A_34] : memref<10008x128xf32, #tpu.memory_space<vmem_shared>> -> memref<624x128xf32, #tpu.memory_space<vmem_shared>>
      tpu.wait_dma2 semaphore(%run_scoped3A : memref<!tpu.dma_semaphore, #tpu.memory_space<semaphore_mem>>) src(%dma_wait3A_35 : memref<624x128xf32, #tpu.memory_space<vmem_shared>>) dst(%dma_wait3A_33 : memref<624x128xf32, #tpu.memory_space<hbm>>)
      tpu.yield
    }) : () -> ()
    %eq3A_17 = arith.constant 0 : i32
    %eq3A_18 = arith.cmpi eq, %arg1, %eq3A_17 : i32
    %convert_element_type3A_19 = arith.extui %eq3A_18 : i1 to i32
    %cond3A_20 = arith.constant 0 : i32
    %cond3A_21 = arith.cmpi ne, %convert_element_type3A_19, %cond3A_20 : i32
    scf.if %cond3A_21 {
      "tpu.region"() ({
        %run_scoped3A = tpu.sem_alloc : memref<!tpu.dma_semaphore, #tpu.memory_space<semaphore_mem>>
        %dma_start3A = arith.constant 0 : i32
        %dma_start3A_22 = arith.constant 0 : i32
        %dma_start3A_23 = tpu.memref_slice %arg5[%arg0, %dma_start3A, %dma_start3A_22] : memref<2x10008x128xf32, #tpu.memory_space<hbm>> -> memref<1x10008x128xf32, #tpu.memory_space<hbm>>
        %dma_start3A_24 = tpu.memref_squeeze %dma_start3A_23 : memref<1x10008x128xf32, #tpu.memory_space<hbm>> -> memref<10008x128xf32, #tpu.memory_space<hbm>>
        %dma_start3A_25 = arith.constant 9984 : i32
        %dma_start3A_26 = arith.constant 0 : i32
        %dma_start3A_27 = tpu.memref_slice %dma_start3A_24[%dma_start3A_25, %dma_start3A_26] : memref<10008x128xf32, #tpu.memory_space<hbm>> -> memref<24x128xf32, #tpu.memory_space<hbm>>
        %dma_start3A_28 = arith.constant 9984 : i32
        %dma_start3A_29 = arith.constant 0 : i32
        %dma_start3A_30 = tpu.memref_slice %arg8[%dma_start3A_28, %dma_start3A_29] : memref<10008x128xf32, #tpu.memory_space<vmem_shared>> -> memref<24x128xf32, #tpu.memory_space<vmem_shared>>
        tpu.enqueue_dma source(%dma_start3A_30 : memref<24x128xf32, #tpu.memory_space<vmem_shared>>) target(%dma_start3A_27 : memref<24x128xf32, #tpu.memory_space<hbm>>) target_semaphore(%run_scoped3A : memref<!tpu.dma_semaphore, #tpu.memory_space<semaphore_mem>>)
        %dma_wait3A = arith.constant 0 : i32
        %dma_wait3A_31 = arith.constant 0 : i32
        %dma_wait3A_32 = tpu.memref_slice %arg5[%arg0, %dma_wait3A, %dma_wait3A_31] : memref<2x10008x128xf32, #tpu.memory_space<hbm>> -> memref<1x10008x128xf32, #tpu.memory_space<hbm>>
        %dma_wait3A_33 = tpu.memref_squeeze %dma_wait3A_32 : memref<1x10008x128xf32, #tpu.memory_space<hbm>> -> memref<10008x128xf32, #tpu.memory_space<hbm>>
        %dma_wait3A_34 = arith.constant 9984 : i32
        %dma_wait3A_35 = arith.constant 0 : i32
        %dma_wait3A_36 = tpu.memref_slice %dma_wait3A_33[%dma_wait3A_34, %dma_wait3A_35] : memref<10008x128xf32, #tpu.memory_space<hbm>> -> memref<24x128xf32, #tpu.memory_space<hbm>>
        %dma_wait3A_37 = arith.constant 9984 : i32
        %dma_wait3A_38 = arith.constant 0 : i32
        %dma_wait3A_39 = tpu.memref_slice %arg8[%dma_wait3A_37, %dma_wait3A_38] : memref<10008x128xf32, #tpu.memory_space<vmem_shared>> -> memref<24x128xf32, #tpu.memory_space<vmem_shared>>
        tpu.wait_dma2 semaphore(%run_scoped3A : memref<!tpu.dma_semaphore, #tpu.memory_space<semaphore_mem>>) src(%dma_wait3A_39 : memref<24x128xf32, #tpu.memory_space<vmem_shared>>) dst(%dma_wait3A_36 : memref<24x128xf32, #tpu.memory_space<hbm>>)
        tpu.yield
      }) : () -> ()
    } else {
    }
    return
  }
}

#map = affine_map<(d0, d1) -> (0, 0)>
#map1 = affine_map<(d0, d1) -> (0, 0, 0)>
module attributes {stable_mosaic.version = 14 : i64} {
  func.func @_agg_body(%arg0: i32, %arg1: i32, %arg2: memref<10008x128xf32, #tpu.memory_space<hbm>>, %arg3: memref<32x80x128xi32, #tpu.memory_space<hbm>>, %arg4: memref<32x80x128xi32, #tpu.memory_space<hbm>>, %arg5: memref<10008x128xf32, #tpu.memory_space<hbm>>, %arg6: memref<2x10008x128xf32, #tpu.memory_space<hbm>>, %arg7: memref<40x128xi32, #tpu.memory_space<vmem>>, %arg8: memref<40x128xi32, #tpu.memory_space<vmem>>, %arg9: memref<128x128xf32, #tpu.memory_space<vmem>>, %arg10: memref<128x128xf32, #tpu.memory_space<vmem>>, %arg11: memref<10008x128xf32, #tpu.memory_space<vmem_shared>>, %arg12: memref<!tpu.dma_semaphore, #tpu.memory_space<semaphore_mem>>, %arg13: memref<!tpu.dma_semaphore, #tpu.memory_space<semaphore_mem>>) attributes {dimension_semantics = [#tpu.dimension_semantics<core_parallel>, #tpu.dimension_semantics<subcore_parallel>], iteration_bounds = array<i64: 2, 16>, scalar_prefetch = 0 : i64, scratch_operands = 7 : i64, tpu.core_type = #tpu.core_type<sc_vector_subcore>, window_params = [{transform_indices = #map}, {transform_indices = #map1}, {transform_indices = #map1}, {transform_indices = #map}, {transform_indices = #map1}]} {
    %mul3A = arith.constant 624 : i32
    %mul3A_0 = arith.muli %arg1, %mul3A : i32
    %mul3A_1 = arith.constant 624 : i32
    %mul3A_2 = arith.muli %arg1, %mul3A_1 : i32
    "tpu.region"() ({
      %run_scoped3A = tpu.sem_alloc : memref<!tpu.dma_semaphore, #tpu.memory_space<semaphore_mem>>
      %dma_start3A = arith.constant 0 : i32
      %dma_start3A_22 = tpu.memref_slice %arg11[%mul3A_2, %dma_start3A] : memref<10008x128xf32, #tpu.memory_space<vmem_shared>> -> memref<624x128xf32, #tpu.memory_space<vmem_shared>>
      %dma_start3A_23 = arith.constant 0 : i32
      %dma_start3A_24 = tpu.memref_slice %arg5[%mul3A_0, %dma_start3A_23] : memref<10008x128xf32, #tpu.memory_space<hbm>> -> memref<624x128xf32, #tpu.memory_space<hbm>>
      tpu.enqueue_dma source(%dma_start3A_24 : memref<624x128xf32, #tpu.memory_space<hbm>>) target(%dma_start3A_22 : memref<624x128xf32, #tpu.memory_space<vmem_shared>>) target_semaphore(%run_scoped3A : memref<!tpu.dma_semaphore, #tpu.memory_space<semaphore_mem>>)
      %dma_wait3A = arith.constant 0 : i32
      %dma_wait3A_25 = tpu.memref_slice %arg11[%mul3A_2, %dma_wait3A] : memref<10008x128xf32, #tpu.memory_space<vmem_shared>> -> memref<624x128xf32, #tpu.memory_space<vmem_shared>>
      %dma_wait3A_26 = arith.constant 0 : i32
      %dma_wait3A_27 = tpu.memref_slice %arg5[%mul3A_0, %dma_wait3A_26] : memref<10008x128xf32, #tpu.memory_space<hbm>> -> memref<624x128xf32, #tpu.memory_space<hbm>>
      tpu.wait_dma2 semaphore(%run_scoped3A : memref<!tpu.dma_semaphore, #tpu.memory_space<semaphore_mem>>) src(%dma_wait3A_27 : memref<624x128xf32, #tpu.memory_space<hbm>>) dst(%dma_wait3A_25 : memref<624x128xf32, #tpu.memory_space<vmem_shared>>)
      tpu.yield
    }) : () -> ()
    %eq3A = arith.constant 0 : i32
    %eq3A_3 = arith.cmpi eq, %arg1, %eq3A : i32
    %convert_element_type3A = arith.extui %eq3A_3 : i1 to i32
    %cond3A = arith.constant 0 : i32
    %cond3A_4 = arith.cmpi ne, %convert_element_type3A, %cond3A : i32
    scf.if %cond3A_4 {
      "tpu.region"() ({
        %run_scoped3A = tpu.sem_alloc : memref<!tpu.dma_semaphore, #tpu.memory_space<semaphore_mem>>
        %dma_start3A = arith.constant 9984 : i32
        %dma_start3A_22 = arith.constant 0 : i32
        %dma_start3A_23 = tpu.memref_slice %arg11[%dma_start3A, %dma_start3A_22] : memref<10008x128xf32, #tpu.memory_space<vmem_shared>> -> memref<24x128xf32, #tpu.memory_space<vmem_shared>>
        %dma_start3A_24 = arith.constant 9984 : i32
        %dma_start3A_25 = arith.constant 0 : i32
        %dma_start3A_26 = tpu.memref_slice %arg5[%dma_start3A_24, %dma_start3A_25] : memref<10008x128xf32, #tpu.memory_space<hbm>> -> memref<24x128xf32, #tpu.memory_space<hbm>>
        tpu.enqueue_dma source(%dma_start3A_26 : memref<24x128xf32, #tpu.memory_space<hbm>>) target(%dma_start3A_23 : memref<24x128xf32, #tpu.memory_space<vmem_shared>>) target_semaphore(%run_scoped3A : memref<!tpu.dma_semaphore, #tpu.memory_space<semaphore_mem>>)
        %dma_wait3A = arith.constant 9984 : i32
        %dma_wait3A_27 = arith.constant 0 : i32
        %dma_wait3A_28 = tpu.memref_slice %arg11[%dma_wait3A, %dma_wait3A_27] : memref<10008x128xf32, #tpu.memory_space<vmem_shared>> -> memref<24x128xf32, #tpu.memory_space<vmem_shared>>
        %dma_wait3A_29 = arith.constant 9984 : i32
        %dma_wait3A_30 = arith.constant 0 : i32
        %dma_wait3A_31 = tpu.memref_slice %arg5[%dma_wait3A_29, %dma_wait3A_30] : memref<10008x128xf32, #tpu.memory_space<hbm>> -> memref<24x128xf32, #tpu.memory_space<hbm>>
        tpu.wait_dma2 semaphore(%run_scoped3A : memref<!tpu.dma_semaphore, #tpu.memory_space<semaphore_mem>>) src(%dma_wait3A_31 : memref<24x128xf32, #tpu.memory_space<hbm>>) dst(%dma_wait3A_28 : memref<24x128xf32, #tpu.memory_space<vmem_shared>>)
        tpu.yield
      }) : () -> ()
    } else {
    }
    %barrier3A = arith.constant 0 : index
    tpu.barrier barrier_id(%barrier3A)
    %mul3A_5 = arith.constant 16 : i32
    %mul3A_6 = arith.muli %arg0, %mul3A_5 : i32
    %add3A = arith.addi %mul3A_6, %arg1 : i32
    %scan3A = arith.constant 0 : i32
    %scan3A_7 = arith.constant 0 : i32
    %scan3A_8 = arith.constant 2 : i32
    %scan3A_9 = arith.addi %scan3A_7, %scan3A_8 : i32
    %scan3A_10 = arith.constant 1 : i32
    scf.for %scan3A_22 = %scan3A_7 to %scan3A_9 step %scan3A_10  : i32 {
      %mul3A_23 = arith.constant 40 : i32
      %mul3A_24 = arith.muli %scan3A_22, %mul3A_23 : i32
      "tpu.region"() ({
        %run_scoped3A = tpu.sem_alloc : memref<!tpu.dma_semaphore, #tpu.memory_space<semaphore_mem>>
        %dma_start3A_46 = arith.constant 0 : i32
        %dma_start3A_47 = tpu.memref_slice %arg3[%add3A, %mul3A_24, %dma_start3A_46] : memref<32x80x128xi32, #tpu.memory_space<hbm>> -> memref<1x40x128xi32, #tpu.memory_space<hbm>>
        %dma_start3A_48 = tpu.memref_squeeze %dma_start3A_47 : memref<1x40x128xi32, #tpu.memory_space<hbm>> -> memref<40x128xi32, #tpu.memory_space<hbm>>
        %dma_start3A_49 = arith.constant 0 : i32
        %dma_start3A_50 = tpu.memref_slice %arg3[%add3A, %mul3A_24, %dma_start3A_49] : memref<32x80x128xi32, #tpu.memory_space<hbm>> -> memref<1x40x128xi32, #tpu.memory_space<hbm>>
        %dma_start3A_51 = tpu.memref_squeeze %dma_start3A_50 : memref<1x40x128xi32, #tpu.memory_space<hbm>> -> memref<40x128xi32, #tpu.memory_space<hbm>>
        tpu.enqueue_dma source(%dma_start3A_51 : memref<40x128xi32, #tpu.memory_space<hbm>>) target(%arg7 : memref<40x128xi32, #tpu.memory_space<vmem>>) target_semaphore(%run_scoped3A : memref<!tpu.dma_semaphore, #tpu.memory_space<semaphore_mem>>)
        %dma_wait3A = arith.constant 0 : i32
        %dma_wait3A_52 = tpu.memref_slice %arg3[%add3A, %mul3A_24, %dma_wait3A] : memref<32x80x128xi32, #tpu.memory_space<hbm>> -> memref<1x40x128xi32, #tpu.memory_space<hbm>>
        %dma_wait3A_53 = tpu.memref_squeeze %dma_wait3A_52 : memref<1x40x128xi32, #tpu.memory_space<hbm>> -> memref<40x128xi32, #tpu.memory_space<hbm>>
        %dma_wait3A_54 = arith.constant 0 : i32
        %dma_wait3A_55 = tpu.memref_slice %arg3[%add3A, %mul3A_24, %dma_wait3A_54] : memref<32x80x128xi32, #tpu.memory_space<hbm>> -> memref<1x40x128xi32, #tpu.memory_space<hbm>>
        %dma_wait3A_56 = tpu.memref_squeeze %dma_wait3A_55 : memref<1x40x128xi32, #tpu.memory_space<hbm>> -> memref<40x128xi32, #tpu.memory_space<hbm>>
        tpu.wait_dma2 semaphore(%run_scoped3A : memref<!tpu.dma_semaphore, #tpu.memory_space<semaphore_mem>>) src(%dma_wait3A_56 : memref<40x128xi32, #tpu.memory_space<hbm>>) dst(%arg7 : memref<40x128xi32, #tpu.memory_space<vmem>>)
        tpu.yield
      }) : () -> ()
      %mul3A_25 = arith.constant 40 : i32
      %mul3A_26 = arith.muli %scan3A_22, %mul3A_25 : i32
      "tpu.region"() ({
        %run_scoped3A = tpu.sem_alloc : memref<!tpu.dma_semaphore, #tpu.memory_space<semaphore_mem>>
        %dma_start3A_46 = arith.constant 0 : i32
        %dma_start3A_47 = tpu.memref_slice %arg4[%add3A, %mul3A_26, %dma_start3A_46] : memref<32x80x128xi32, #tpu.memory_space<hbm>> -> memref<1x40x128xi32, #tpu.memory_space<hbm>>
        %dma_start3A_48 = tpu.memref_squeeze %dma_start3A_47 : memref<1x40x128xi32, #tpu.memory_space<hbm>> -> memref<40x128xi32, #tpu.memory_space<hbm>>
        %dma_start3A_49 = arith.constant 0 : i32
        %dma_start3A_50 = tpu.memref_slice %arg4[%add3A, %mul3A_26, %dma_start3A_49] : memref<32x80x128xi32, #tpu.memory_space<hbm>> -> memref<1x40x128xi32, #tpu.memory_space<hbm>>
        %dma_start3A_51 = tpu.memref_squeeze %dma_start3A_50 : memref<1x40x128xi32, #tpu.memory_space<hbm>> -> memref<40x128xi32, #tpu.memory_space<hbm>>
        tpu.enqueue_dma source(%dma_start3A_51 : memref<40x128xi32, #tpu.memory_space<hbm>>) target(%arg8 : memref<40x128xi32, #tpu.memory_space<vmem>>) target_semaphore(%run_scoped3A : memref<!tpu.dma_semaphore, #tpu.memory_space<semaphore_mem>>)
        %dma_wait3A = arith.constant 0 : i32
        %dma_wait3A_52 = tpu.memref_slice %arg4[%add3A, %mul3A_26, %dma_wait3A] : memref<32x80x128xi32, #tpu.memory_space<hbm>> -> memref<1x40x128xi32, #tpu.memory_space<hbm>>
        %dma_wait3A_53 = tpu.memref_squeeze %dma_wait3A_52 : memref<1x40x128xi32, #tpu.memory_space<hbm>> -> memref<40x128xi32, #tpu.memory_space<hbm>>
        %dma_wait3A_54 = arith.constant 0 : i32
        %dma_wait3A_55 = tpu.memref_slice %arg4[%add3A, %mul3A_26, %dma_wait3A_54] : memref<32x80x128xi32, #tpu.memory_space<hbm>> -> memref<1x40x128xi32, #tpu.memory_space<hbm>>
        %dma_wait3A_56 = tpu.memref_squeeze %dma_wait3A_55 : memref<1x40x128xi32, #tpu.memory_space<hbm>> -> memref<40x128xi32, #tpu.memory_space<hbm>>
        tpu.wait_dma2 semaphore(%run_scoped3A : memref<!tpu.dma_semaphore, #tpu.memory_space<semaphore_mem>>) src(%dma_wait3A_56 : memref<40x128xi32, #tpu.memory_space<hbm>>) dst(%arg8 : memref<40x128xi32, #tpu.memory_space<vmem>>)
        tpu.yield
      }) : () -> ()
      %dma_start3A = arith.constant 0 : i32
      %dma_start3A_27 = arith.constant 0 : i32
      %dma_start3A_28 = tpu.memref_slice %arg7[%dma_start3A, %dma_start3A_27] : memref<40x128xi32, #tpu.memory_space<vmem>> -> memref<1x128xi32, #tpu.memory_space<vmem>>
      %dma_start3A_29 = tpu.memref_squeeze %dma_start3A_28 : memref<1x128xi32, #tpu.memory_space<vmem>> -> memref<128xi32, #tpu.memory_space<vmem>>
      %dma_start3A_30 = arith.constant 0 : i32
      %dma_start3A_31 = arith.constant 0 : i32
      %dma_start3A_32 = tpu.memref_slice %arg2[%dma_start3A_30, %dma_start3A_31] : memref<10008x128xf32, #tpu.memory_space<hbm>> -> memref<10008x128xf32, #tpu.memory_space<hbm>>
      tpu.enqueue_indirect_dma source(%dma_start3A_32 : memref<10008x128xf32, #tpu.memory_space<hbm>>) target(%arg9 : memref<128x128xf32, #tpu.memory_space<vmem>>) offsets(%dma_start3A_29 : memref<128xi32, #tpu.memory_space<vmem>>) semaphore(%arg12 : memref<!tpu.dma_semaphore, #tpu.memory_space<semaphore_mem>>)
      %dma_start3A_33 = arith.constant 1 : i32
      %dma_start3A_34 = arith.constant 0 : i32
      %dma_start3A_35 = tpu.memref_slice %arg7[%dma_start3A_33, %dma_start3A_34] : memref<40x128xi32, #tpu.memory_space<vmem>> -> memref<1x128xi32, #tpu.memory_space<vmem>>
      %dma_start3A_36 = tpu.memref_squeeze %dma_start3A_35 : memref<1x128xi32, #tpu.memory_space<vmem>> -> memref<128xi32, #tpu.memory_space<vmem>>
      %dma_start3A_37 = arith.constant 0 : i32
      %dma_start3A_38 = arith.constant 0 : i32
      %dma_start3A_39 = tpu.memref_slice %arg2[%dma_start3A_37, %dma_start3A_38] : memref<10008x128xf32, #tpu.memory_space<hbm>> -> memref<10008x128xf32, #tpu.memory_space<hbm>>
      tpu.enqueue_indirect_dma source(%dma_start3A_39 : memref<10008x128xf32, #tpu.memory_space<hbm>>) target(%arg10 : memref<128x128xf32, #tpu.memory_space<vmem>>) offsets(%dma_start3A_36 : memref<128xi32, #tpu.memory_space<vmem>>) semaphore(%arg13 : memref<!tpu.dma_semaphore, #tpu.memory_space<semaphore_mem>>)
      %scan3A_40 = arith.constant 0 : i32
      %scan3A_41 = arith.constant 0 : i32
      %scan3A_42 = arith.constant 20 : i32
      %scan3A_43 = arith.addi %scan3A_41, %scan3A_42 : i32
      %scan3A_44 = arith.constant 1 : i32
      scf.for %scan3A_46 = %scan3A_41 to %scan3A_43 step %scan3A_44  : i32 {
        %mul3A_47 = arith.constant 2 : i32
        %mul3A_48 = arith.muli %mul3A_47, %scan3A_46 : i32
        %dma_wait3A = arith.constant 0 : i32
        %dma_wait3A_49 = arith.constant 0 : i32
        %dma_wait3A_50 = tpu.memref_slice %arg7[%dma_wait3A, %dma_wait3A_49] : memref<40x128xi32, #tpu.memory_space<vmem>> -> memref<1x128xi32, #tpu.memory_space<vmem>>
        %dma_wait3A_51 = tpu.memref_squeeze %dma_wait3A_50 : memref<1x128xi32, #tpu.memory_space<vmem>> -> memref<128xi32, #tpu.memory_space<vmem>>
        %dma_wait3A_52 = arith.constant 0 : i32
        %dma_wait3A_53 = arith.constant 0 : i32
        %dma_wait3A_54 = tpu.memref_slice %arg2[%dma_wait3A_52, %dma_wait3A_53] : memref<10008x128xf32, #tpu.memory_space<hbm>> -> memref<10008x128xf32, #tpu.memory_space<hbm>>
        tpu.wait_indirect_dma semaphore(%arg12 : memref<!tpu.dma_semaphore, #tpu.memory_space<semaphore_mem>>) src(%dma_wait3A_54 : memref<10008x128xf32, #tpu.memory_space<hbm>>) dst(%arg9 : memref<128x128xf32, #tpu.memory_space<vmem>>)
        "tpu.region"() ({
          %run_scoped3A = tpu.sem_alloc : memref<!tpu.dma_semaphore, #tpu.memory_space<semaphore_mem>>
          %dma_start3A_77 = arith.constant 0 : i32
          %dma_start3A_78 = tpu.memref_slice %arg8[%mul3A_48, %dma_start3A_77] : memref<40x128xi32, #tpu.memory_space<vmem>> -> memref<1x128xi32, #tpu.memory_space<vmem>>
          %dma_start3A_79 = tpu.memref_squeeze %dma_start3A_78 : memref<1x128xi32, #tpu.memory_space<vmem>> -> memref<128xi32, #tpu.memory_space<vmem>>
          %dma_start3A_80 = arith.constant 0 : i32
          %dma_start3A_81 = arith.constant 0 : i32
          %dma_start3A_82 = tpu.memref_slice %arg11[%dma_start3A_80, %dma_start3A_81] : memref<10008x128xf32, #tpu.memory_space<vmem_shared>> -> memref<10008x128xf32, #tpu.memory_space<vmem_shared>>
          tpu.enqueue_indirect_dma source(%arg9 : memref<128x128xf32, #tpu.memory_space<vmem>>) target(%dma_start3A_82 : memref<10008x128xf32, #tpu.memory_space<vmem_shared>>) offsets(%dma_start3A_79 : memref<128xi32, #tpu.memory_space<vmem>>) semaphore(%run_scoped3A : memref<!tpu.dma_semaphore, #tpu.memory_space<semaphore_mem>>) {add = true}
          %dma_wait3A_83 = arith.constant 0 : i32
          %dma_wait3A_84 = tpu.memref_slice %arg8[%mul3A_48, %dma_wait3A_83] : memref<40x128xi32, #tpu.memory_space<vmem>> -> memref<1x128xi32, #tpu.memory_space<vmem>>
          %dma_wait3A_85 = tpu.memref_squeeze %dma_wait3A_84 : memref<1x128xi32, #tpu.memory_space<vmem>> -> memref<128xi32, #tpu.memory_space<vmem>>
          %dma_wait3A_86 = arith.constant 0 : i32
          %dma_wait3A_87 = arith.constant 0 : i32
          %dma_wait3A_88 = tpu.memref_slice %arg11[%dma_wait3A_86, %dma_wait3A_87] : memref<10008x128xf32, #tpu.memory_space<vmem_shared>> -> memref<10008x128xf32, #tpu.memory_space<vmem_shared>>
          tpu.wait_indirect_dma semaphore(%run_scoped3A : memref<!tpu.dma_semaphore, #tpu.memory_space<semaphore_mem>>) src(%arg9 : memref<128x128xf32, #tpu.memory_space<vmem>>) dst(%dma_wait3A_88 : memref<10008x128xf32, #tpu.memory_space<vmem_shared>>)
          tpu.yield
        }) : () -> ()
        %add3A_55 = arith.constant 2 : i32
        %add3A_56 = arith.addi %mul3A_48, %add3A_55 : i32
        %lt3A = arith.constant 40 : i32
        %lt3A_57 = arith.cmpi slt, %add3A_56, %lt3A : i32
        %convert_element_type3A_58 = arith.extui %lt3A_57 : i1 to i32
        %cond3A_59 = arith.constant 0 : i32
        %cond3A_60 = arith.cmpi ne, %convert_element_type3A_58, %cond3A_59 : i32
        scf.if %cond3A_60 {
          %add3A_77 = arith.constant 2 : i32
          %add3A_78 = arith.addi %mul3A_48, %add3A_77 : i32
          %dma_start3A_79 = arith.constant 0 : i32
          %dma_start3A_80 = tpu.memref_slice %arg7[%add3A_78, %dma_start3A_79] : memref<40x128xi32, #tpu.memory_space<vmem>> -> memref<1x128xi32, #tpu.memory_space<vmem>>
          %dma_start3A_81 = tpu.memref_squeeze %dma_start3A_80 : memref<1x128xi32, #tpu.memory_space<vmem>> -> memref<128xi32, #tpu.memory_space<vmem>>
          %dma_start3A_82 = arith.constant 0 : i32
          %dma_start3A_83 = arith.constant 0 : i32
          %dma_start3A_84 = tpu.memref_slice %arg2[%dma_start3A_82, %dma_start3A_83] : memref<10008x128xf32, #tpu.memory_space<hbm>> -> memref<10008x128xf32, #tpu.memory_space<hbm>>
          tpu.enqueue_indirect_dma source(%dma_start3A_84 : memref<10008x128xf32, #tpu.memory_space<hbm>>) target(%arg9 : memref<128x128xf32, #tpu.memory_space<vmem>>) offsets(%dma_start3A_81 : memref<128xi32, #tpu.memory_space<vmem>>) semaphore(%arg12 : memref<!tpu.dma_semaphore, #tpu.memory_space<semaphore_mem>>)
        } else {
        }
        %dma_wait3A_61 = arith.constant 1 : i32
        %dma_wait3A_62 = arith.constant 0 : i32
        %dma_wait3A_63 = tpu.memref_slice %arg7[%dma_wait3A_61, %dma_wait3A_62] : memref<40x128xi32, #tpu.memory_space<vmem>> -> memref<1x128xi32, #tpu.memory_space<vmem>>
        %dma_wait3A_64 = tpu.memref_squeeze %dma_wait3A_63 : memref<1x128xi32, #tpu.memory_space<vmem>> -> memref<128xi32, #tpu.memory_space<vmem>>
        %dma_wait3A_65 = arith.constant 0 : i32
        %dma_wait3A_66 = arith.constant 0 : i32
        %dma_wait3A_67 = tpu.memref_slice %arg2[%dma_wait3A_65, %dma_wait3A_66] : memref<10008x128xf32, #tpu.memory_space<hbm>> -> memref<10008x128xf32, #tpu.memory_space<hbm>>
        tpu.wait_indirect_dma semaphore(%arg13 : memref<!tpu.dma_semaphore, #tpu.memory_space<semaphore_mem>>) src(%dma_wait3A_67 : memref<10008x128xf32, #tpu.memory_space<hbm>>) dst(%arg10 : memref<128x128xf32, #tpu.memory_space<vmem>>)
        %add3A_68 = arith.constant 1 : i32
        %add3A_69 = arith.addi %mul3A_48, %add3A_68 : i32
        "tpu.region"() ({
          %run_scoped3A = tpu.sem_alloc : memref<!tpu.dma_semaphore, #tpu.memory_space<semaphore_mem>>
          %dma_start3A_77 = arith.constant 0 : i32
          %dma_start3A_78 = tpu.memref_slice %arg8[%add3A_69, %dma_start3A_77] : memref<40x128xi32, #tpu.memory_space<vmem>> -> memref<1x128xi32, #tpu.memory_space<vmem>>
          %dma_start3A_79 = tpu.memref_squeeze %dma_start3A_78 : memref<1x128xi32, #tpu.memory_space<vmem>> -> memref<128xi32, #tpu.memory_space<vmem>>
          %dma_start3A_80 = arith.constant 0 : i32
          %dma_start3A_81 = arith.constant 0 : i32
          %dma_start3A_82 = tpu.memref_slice %arg11[%dma_start3A_80, %dma_start3A_81] : memref<10008x128xf32, #tpu.memory_space<vmem_shared>> -> memref<10008x128xf32, #tpu.memory_space<vmem_shared>>
          tpu.enqueue_indirect_dma source(%arg10 : memref<128x128xf32, #tpu.memory_space<vmem>>) target(%dma_start3A_82 : memref<10008x128xf32, #tpu.memory_space<vmem_shared>>) offsets(%dma_start3A_79 : memref<128xi32, #tpu.memory_space<vmem>>) semaphore(%run_scoped3A : memref<!tpu.dma_semaphore, #tpu.memory_space<semaphore_mem>>) {add = true}
          %dma_wait3A_83 = arith.constant 0 : i32
          %dma_wait3A_84 = tpu.memref_slice %arg8[%add3A_69, %dma_wait3A_83] : memref<40x128xi32, #tpu.memory_space<vmem>> -> memref<1x128xi32, #tpu.memory_space<vmem>>
          %dma_wait3A_85 = tpu.memref_squeeze %dma_wait3A_84 : memref<1x128xi32, #tpu.memory_space<vmem>> -> memref<128xi32, #tpu.memory_space<vmem>>
          %dma_wait3A_86 = arith.constant 0 : i32
          %dma_wait3A_87 = arith.constant 0 : i32
          %dma_wait3A_88 = tpu.memref_slice %arg11[%dma_wait3A_86, %dma_wait3A_87] : memref<10008x128xf32, #tpu.memory_space<vmem_shared>> -> memref<10008x128xf32, #tpu.memory_space<vmem_shared>>
          tpu.wait_indirect_dma semaphore(%run_scoped3A : memref<!tpu.dma_semaphore, #tpu.memory_space<semaphore_mem>>) src(%arg10 : memref<128x128xf32, #tpu.memory_space<vmem>>) dst(%dma_wait3A_88 : memref<10008x128xf32, #tpu.memory_space<vmem_shared>>)
          tpu.yield
        }) : () -> ()
        %add3A_70 = arith.constant 3 : i32
        %add3A_71 = arith.addi %mul3A_48, %add3A_70 : i32
        %lt3A_72 = arith.constant 40 : i32
        %lt3A_73 = arith.cmpi slt, %add3A_71, %lt3A_72 : i32
        %convert_element_type3A_74 = arith.extui %lt3A_73 : i1 to i32
        %cond3A_75 = arith.constant 0 : i32
        %cond3A_76 = arith.cmpi ne, %convert_element_type3A_74, %cond3A_75 : i32
        scf.if %cond3A_76 {
          %add3A_77 = arith.constant 3 : i32
          %add3A_78 = arith.addi %mul3A_48, %add3A_77 : i32
          %dma_start3A_79 = arith.constant 0 : i32
          %dma_start3A_80 = tpu.memref_slice %arg7[%add3A_78, %dma_start3A_79] : memref<40x128xi32, #tpu.memory_space<vmem>> -> memref<1x128xi32, #tpu.memory_space<vmem>>
          %dma_start3A_81 = tpu.memref_squeeze %dma_start3A_80 : memref<1x128xi32, #tpu.memory_space<vmem>> -> memref<128xi32, #tpu.memory_space<vmem>>
          %dma_start3A_82 = arith.constant 0 : i32
          %dma_start3A_83 = arith.constant 0 : i32
          %dma_start3A_84 = tpu.memref_slice %arg2[%dma_start3A_82, %dma_start3A_83] : memref<10008x128xf32, #tpu.memory_space<hbm>> -> memref<10008x128xf32, #tpu.memory_space<hbm>>
          tpu.enqueue_indirect_dma source(%dma_start3A_84 : memref<10008x128xf32, #tpu.memory_space<hbm>>) target(%arg10 : memref<128x128xf32, #tpu.memory_space<vmem>>) offsets(%dma_start3A_81 : memref<128xi32, #tpu.memory_space<vmem>>) semaphore(%arg13 : memref<!tpu.dma_semaphore, #tpu.memory_space<semaphore_mem>>)
        } else {
        }
      }
      %scan3A_45 = arith.constant 20 : i32
    }
    %scan3A_11 = arith.constant 2 : i32
    %barrier3A_12 = arith.constant 0 : index
    tpu.barrier barrier_id(%barrier3A_12)
    %mul3A_13 = arith.constant 624 : i32
    %mul3A_14 = arith.muli %arg1, %mul3A_13 : i32
    %mul3A_15 = arith.constant 624 : i32
    %mul3A_16 = arith.muli %arg1, %mul3A_15 : i32
    "tpu.region"() ({
      %run_scoped3A = tpu.sem_alloc : memref<!tpu.dma_semaphore, #tpu.memory_space<semaphore_mem>>
      %dma_start3A = arith.constant 0 : i32
      %dma_start3A_22 = arith.constant 0 : i32
      %dma_start3A_23 = tpu.memref_slice %arg6[%arg0, %dma_start3A, %dma_start3A_22] : memref<2x10008x128xf32, #tpu.memory_space<hbm>> -> memref<1x10008x128xf32, #tpu.memory_space<hbm>>
      %dma_start3A_24 = tpu.memref_squeeze %dma_start3A_23 : memref<1x10008x128xf32, #tpu.memory_space<hbm>> -> memref<10008x128xf32, #tpu.memory_space<hbm>>
      %dma_start3A_25 = arith.constant 0 : i32
      %dma_start3A_26 = tpu.memref_slice %dma_start3A_24[%mul3A_16, %dma_start3A_25] : memref<10008x128xf32, #tpu.memory_space<hbm>> -> memref<624x128xf32, #tpu.memory_space<hbm>>
      %dma_start3A_27 = arith.constant 0 : i32
      %dma_start3A_28 = tpu.memref_slice %arg11[%mul3A_14, %dma_start3A_27] : memref<10008x128xf32, #tpu.memory_space<vmem_shared>> -> memref<624x128xf32, #tpu.memory_space<vmem_shared>>
      tpu.enqueue_dma source(%dma_start3A_28 : memref<624x128xf32, #tpu.memory_space<vmem_shared>>) target(%dma_start3A_26 : memref<624x128xf32, #tpu.memory_space<hbm>>) target_semaphore(%run_scoped3A : memref<!tpu.dma_semaphore, #tpu.memory_space<semaphore_mem>>)
      %dma_wait3A = arith.constant 0 : i32
      %dma_wait3A_29 = arith.constant 0 : i32
      %dma_wait3A_30 = tpu.memref_slice %arg6[%arg0, %dma_wait3A, %dma_wait3A_29] : memref<2x10008x128xf32, #tpu.memory_space<hbm>> -> memref<1x10008x128xf32, #tpu.memory_space<hbm>>
      %dma_wait3A_31 = tpu.memref_squeeze %dma_wait3A_30 : memref<1x10008x128xf32, #tpu.memory_space<hbm>> -> memref<10008x128xf32, #tpu.memory_space<hbm>>
      %dma_wait3A_32 = arith.constant 0 : i32
      %dma_wait3A_33 = tpu.memref_slice %dma_wait3A_31[%mul3A_16, %dma_wait3A_32] : memref<10008x128xf32, #tpu.memory_space<hbm>> -> memref<624x128xf32, #tpu.memory_space<hbm>>
      %dma_wait3A_34 = arith.constant 0 : i32
      %dma_wait3A_35 = tpu.memref_slice %arg11[%mul3A_14, %dma_wait3A_34] : memref<10008x128xf32, #tpu.memory_space<vmem_shared>> -> memref<624x128xf32, #tpu.memory_space<vmem_shared>>
      tpu.wait_dma2 semaphore(%run_scoped3A : memref<!tpu.dma_semaphore, #tpu.memory_space<semaphore_mem>>) src(%dma_wait3A_35 : memref<624x128xf32, #tpu.memory_space<vmem_shared>>) dst(%dma_wait3A_33 : memref<624x128xf32, #tpu.memory_space<hbm>>)
      tpu.yield
    }) : () -> ()
    %eq3A_17 = arith.constant 0 : i32
    %eq3A_18 = arith.cmpi eq, %arg1, %eq3A_17 : i32
    %convert_element_type3A_19 = arith.extui %eq3A_18 : i1 to i32
    %cond3A_20 = arith.constant 0 : i32
    %cond3A_21 = arith.cmpi ne, %convert_element_type3A_19, %cond3A_20 : i32
    scf.if %cond3A_21 {
      "tpu.region"() ({
        %run_scoped3A = tpu.sem_alloc : memref<!tpu.dma_semaphore, #tpu.memory_space<semaphore_mem>>
        %dma_start3A = arith.constant 0 : i32
        %dma_start3A_22 = arith.constant 0 : i32
        %dma_start3A_23 = tpu.memref_slice %arg6[%arg0, %dma_start3A, %dma_start3A_22] : memref<2x10008x128xf32, #tpu.memory_space<hbm>> -> memref<1x10008x128xf32, #tpu.memory_space<hbm>>
        %dma_start3A_24 = tpu.memref_squeeze %dma_start3A_23 : memref<1x10008x128xf32, #tpu.memory_space<hbm>> -> memref<10008x128xf32, #tpu.memory_space<hbm>>
        %dma_start3A_25 = arith.constant 9984 : i32
        %dma_start3A_26 = arith.constant 0 : i32
        %dma_start3A_27 = tpu.memref_slice %dma_start3A_24[%dma_start3A_25, %dma_start3A_26] : memref<10008x128xf32, #tpu.memory_space<hbm>> -> memref<24x128xf32, #tpu.memory_space<hbm>>
        %dma_start3A_28 = arith.constant 9984 : i32
        %dma_start3A_29 = arith.constant 0 : i32
        %dma_start3A_30 = tpu.memref_slice %arg11[%dma_start3A_28, %dma_start3A_29] : memref<10008x128xf32, #tpu.memory_space<vmem_shared>> -> memref<24x128xf32, #tpu.memory_space<vmem_shared>>
        tpu.enqueue_dma source(%dma_start3A_30 : memref<24x128xf32, #tpu.memory_space<vmem_shared>>) target(%dma_start3A_27 : memref<24x128xf32, #tpu.memory_space<hbm>>) target_semaphore(%run_scoped3A : memref<!tpu.dma_semaphore, #tpu.memory_space<semaphore_mem>>)
        %dma_wait3A = arith.constant 0 : i32
        %dma_wait3A_31 = arith.constant 0 : i32
        %dma_wait3A_32 = tpu.memref_slice %arg6[%arg0, %dma_wait3A, %dma_wait3A_31] : memref<2x10008x128xf32, #tpu.memory_space<hbm>> -> memref<1x10008x128xf32, #tpu.memory_space<hbm>>
        %dma_wait3A_33 = tpu.memref_squeeze %dma_wait3A_32 : memref<1x10008x128xf32, #tpu.memory_space<hbm>> -> memref<10008x128xf32, #tpu.memory_space<hbm>>
        %dma_wait3A_34 = arith.constant 9984 : i32
        %dma_wait3A_35 = arith.constant 0 : i32
        %dma_wait3A_36 = tpu.memref_slice %dma_wait3A_33[%dma_wait3A_34, %dma_wait3A_35] : memref<10008x128xf32, #tpu.memory_space<hbm>> -> memref<24x128xf32, #tpu.memory_space<hbm>>
        %dma_wait3A_37 = arith.constant 9984 : i32
        %dma_wait3A_38 = arith.constant 0 : i32
        %dma_wait3A_39 = tpu.memref_slice %arg11[%dma_wait3A_37, %dma_wait3A_38] : memref<10008x128xf32, #tpu.memory_space<vmem_shared>> -> memref<24x128xf32, #tpu.memory_space<vmem_shared>>
        tpu.wait_dma2 semaphore(%run_scoped3A : memref<!tpu.dma_semaphore, #tpu.memory_space<semaphore_mem>>) src(%dma_wait3A_39 : memref<24x128xf32, #tpu.memory_space<vmem_shared>>) dst(%dma_wait3A_36 : memref<24x128xf32, #tpu.memory_space<hbm>>)
        tpu.yield
      }) : () -> ()
    } else {
    }
    return
  }
}

#map = affine_map<(d0, d1) -> (0, 0)>
#map1 = affine_map<(d0, d1) -> (0, 0, 0)>
module attributes {stable_mosaic.version = 14 : i64} {
  func.func @_agg_body(%arg0: i32, %arg1: i32, %arg2: memref<10008x128xf32, #tpu.memory_space<hbm>>, %arg3: memref<32x80x128xi32, #tpu.memory_space<hbm>>, %arg4: memref<32x80x128xi32, #tpu.memory_space<hbm>>, %arg5: memref<10008x128xf32, #tpu.memory_space<hbm>>, %arg6: memref<2x10008x128xf32, #tpu.memory_space<hbm>>, %arg7: memref<40x128xi32, #tpu.memory_space<vmem>>, %arg8: memref<40x128xi32, #tpu.memory_space<vmem>>, %arg9: memref<128x128xf32, #tpu.memory_space<vmem>>, %arg10: memref<128x128xf32, #tpu.memory_space<vmem>>, %arg11: memref<10008x128xf32, #tpu.memory_space<vmem_shared>>, %arg12: memref<!tpu.dma_semaphore, #tpu.memory_space<semaphore_mem>>, %arg13: memref<!tpu.dma_semaphore, #tpu.memory_space<semaphore_mem>>) attributes {dimension_semantics = [#tpu.dimension_semantics<core_parallel>, #tpu.dimension_semantics<subcore_parallel>], iteration_bounds = array<i64: 2, 16>, scalar_prefetch = 0 : i64, scratch_operands = 7 : i64, tpu.core_type = #tpu.core_type<sc_vector_subcore>, window_params = [{transform_indices = #map}, {transform_indices = #map1}, {transform_indices = #map1}, {transform_indices = #map}, {transform_indices = #map1}]} {
    %mul3A = arith.constant 624 : i32
    %mul3A_0 = arith.muli %arg1, %mul3A : i32
    %mul3A_1 = arith.constant 624 : i32
    %mul3A_2 = arith.muli %arg1, %mul3A_1 : i32
    "tpu.region"() ({
      %run_scoped3A = tpu.sem_alloc : memref<!tpu.dma_semaphore, #tpu.memory_space<semaphore_mem>>
      %dma_start3A = arith.constant 0 : i32
      %dma_start3A_22 = tpu.memref_slice %arg11[%mul3A_2, %dma_start3A] : memref<10008x128xf32, #tpu.memory_space<vmem_shared>> -> memref<624x128xf32, #tpu.memory_space<vmem_shared>>
      %dma_start3A_23 = arith.constant 0 : i32
      %dma_start3A_24 = tpu.memref_slice %arg5[%mul3A_0, %dma_start3A_23] : memref<10008x128xf32, #tpu.memory_space<hbm>> -> memref<624x128xf32, #tpu.memory_space<hbm>>
      tpu.enqueue_dma source(%dma_start3A_24 : memref<624x128xf32, #tpu.memory_space<hbm>>) target(%dma_start3A_22 : memref<624x128xf32, #tpu.memory_space<vmem_shared>>) target_semaphore(%run_scoped3A : memref<!tpu.dma_semaphore, #tpu.memory_space<semaphore_mem>>)
      %dma_wait3A = arith.constant 0 : i32
      %dma_wait3A_25 = tpu.memref_slice %arg11[%mul3A_2, %dma_wait3A] : memref<10008x128xf32, #tpu.memory_space<vmem_shared>> -> memref<624x128xf32, #tpu.memory_space<vmem_shared>>
      %dma_wait3A_26 = arith.constant 0 : i32
      %dma_wait3A_27 = tpu.memref_slice %arg5[%mul3A_0, %dma_wait3A_26] : memref<10008x128xf32, #tpu.memory_space<hbm>> -> memref<624x128xf32, #tpu.memory_space<hbm>>
      tpu.wait_dma2 semaphore(%run_scoped3A : memref<!tpu.dma_semaphore, #tpu.memory_space<semaphore_mem>>) src(%dma_wait3A_27 : memref<624x128xf32, #tpu.memory_space<hbm>>) dst(%dma_wait3A_25 : memref<624x128xf32, #tpu.memory_space<vmem_shared>>)
      tpu.yield
    }) : () -> ()
    %eq3A = arith.constant 0 : i32
    %eq3A_3 = arith.cmpi eq, %arg1, %eq3A : i32
    %convert_element_type3A = arith.extui %eq3A_3 : i1 to i32
    %cond3A = arith.constant 0 : i32
    %cond3A_4 = arith.cmpi ne, %convert_element_type3A, %cond3A : i32
    scf.if %cond3A_4 {
      "tpu.region"() ({
        %run_scoped3A = tpu.sem_alloc : memref<!tpu.dma_semaphore, #tpu.memory_space<semaphore_mem>>
        %dma_start3A = arith.constant 9984 : i32
        %dma_start3A_22 = arith.constant 0 : i32
        %dma_start3A_23 = tpu.memref_slice %arg11[%dma_start3A, %dma_start3A_22] : memref<10008x128xf32, #tpu.memory_space<vmem_shared>> -> memref<24x128xf32, #tpu.memory_space<vmem_shared>>
        %dma_start3A_24 = arith.constant 9984 : i32
        %dma_start3A_25 = arith.constant 0 : i32
        %dma_start3A_26 = tpu.memref_slice %arg5[%dma_start3A_24, %dma_start3A_25] : memref<10008x128xf32, #tpu.memory_space<hbm>> -> memref<24x128xf32, #tpu.memory_space<hbm>>
        tpu.enqueue_dma source(%dma_start3A_26 : memref<24x128xf32, #tpu.memory_space<hbm>>) target(%dma_start3A_23 : memref<24x128xf32, #tpu.memory_space<vmem_shared>>) target_semaphore(%run_scoped3A : memref<!tpu.dma_semaphore, #tpu.memory_space<semaphore_mem>>)
        %dma_wait3A = arith.constant 9984 : i32
        %dma_wait3A_27 = arith.constant 0 : i32
        %dma_wait3A_28 = tpu.memref_slice %arg11[%dma_wait3A, %dma_wait3A_27] : memref<10008x128xf32, #tpu.memory_space<vmem_shared>> -> memref<24x128xf32, #tpu.memory_space<vmem_shared>>
        %dma_wait3A_29 = arith.constant 9984 : i32
        %dma_wait3A_30 = arith.constant 0 : i32
        %dma_wait3A_31 = tpu.memref_slice %arg5[%dma_wait3A_29, %dma_wait3A_30] : memref<10008x128xf32, #tpu.memory_space<hbm>> -> memref<24x128xf32, #tpu.memory_space<hbm>>
        tpu.wait_dma2 semaphore(%run_scoped3A : memref<!tpu.dma_semaphore, #tpu.memory_space<semaphore_mem>>) src(%dma_wait3A_31 : memref<24x128xf32, #tpu.memory_space<hbm>>) dst(%dma_wait3A_28 : memref<24x128xf32, #tpu.memory_space<vmem_shared>>)
        tpu.yield
      }) : () -> ()
    } else {
    }
    %barrier3A = arith.constant 0 : index
    tpu.barrier barrier_id(%barrier3A)
    %mul3A_5 = arith.constant 16 : i32
    %mul3A_6 = arith.muli %arg0, %mul3A_5 : i32
    %add3A = arith.addi %mul3A_6, %arg1 : i32
    %scan3A = arith.constant 0 : i32
    %scan3A_7 = arith.constant 0 : i32
    %scan3A_8 = arith.constant 2 : i32
    %scan3A_9 = arith.addi %scan3A_7, %scan3A_8 : i32
    %scan3A_10 = arith.constant 1 : i32
    scf.for %scan3A_22 = %scan3A_7 to %scan3A_9 step %scan3A_10  : i32 {
      %mul3A_23 = arith.constant 40 : i32
      %mul3A_24 = arith.muli %scan3A_22, %mul3A_23 : i32
      "tpu.region"() ({
        %run_scoped3A = tpu.sem_alloc : memref<!tpu.dma_semaphore, #tpu.memory_space<semaphore_mem>>
        %dma_start3A_46 = arith.constant 0 : i32
        %dma_start3A_47 = tpu.memref_slice %arg3[%add3A, %mul3A_24, %dma_start3A_46] : memref<32x80x128xi32, #tpu.memory_space<hbm>> -> memref<1x40x128xi32, #tpu.memory_space<hbm>>
        %dma_start3A_48 = tpu.memref_squeeze %dma_start3A_47 : memref<1x40x128xi32, #tpu.memory_space<hbm>> -> memref<40x128xi32, #tpu.memory_space<hbm>>
        %dma_start3A_49 = arith.constant 0 : i32
        %dma_start3A_50 = tpu.memref_slice %arg3[%add3A, %mul3A_24, %dma_start3A_49] : memref<32x80x128xi32, #tpu.memory_space<hbm>> -> memref<1x40x128xi32, #tpu.memory_space<hbm>>
        %dma_start3A_51 = tpu.memref_squeeze %dma_start3A_50 : memref<1x40x128xi32, #tpu.memory_space<hbm>> -> memref<40x128xi32, #tpu.memory_space<hbm>>
        tpu.enqueue_dma source(%dma_start3A_51 : memref<40x128xi32, #tpu.memory_space<hbm>>) target(%arg7 : memref<40x128xi32, #tpu.memory_space<vmem>>) target_semaphore(%run_scoped3A : memref<!tpu.dma_semaphore, #tpu.memory_space<semaphore_mem>>)
        %dma_wait3A = arith.constant 0 : i32
        %dma_wait3A_52 = tpu.memref_slice %arg3[%add3A, %mul3A_24, %dma_wait3A] : memref<32x80x128xi32, #tpu.memory_space<hbm>> -> memref<1x40x128xi32, #tpu.memory_space<hbm>>
        %dma_wait3A_53 = tpu.memref_squeeze %dma_wait3A_52 : memref<1x40x128xi32, #tpu.memory_space<hbm>> -> memref<40x128xi32, #tpu.memory_space<hbm>>
        %dma_wait3A_54 = arith.constant 0 : i32
        %dma_wait3A_55 = tpu.memref_slice %arg3[%add3A, %mul3A_24, %dma_wait3A_54] : memref<32x80x128xi32, #tpu.memory_space<hbm>> -> memref<1x40x128xi32, #tpu.memory_space<hbm>>
        %dma_wait3A_56 = tpu.memref_squeeze %dma_wait3A_55 : memref<1x40x128xi32, #tpu.memory_space<hbm>> -> memref<40x128xi32, #tpu.memory_space<hbm>>
        tpu.wait_dma2 semaphore(%run_scoped3A : memref<!tpu.dma_semaphore, #tpu.memory_space<semaphore_mem>>) src(%dma_wait3A_56 : memref<40x128xi32, #tpu.memory_space<hbm>>) dst(%arg7 : memref<40x128xi32, #tpu.memory_space<vmem>>)
        tpu.yield
      }) : () -> ()
      %mul3A_25 = arith.constant 40 : i32
      %mul3A_26 = arith.muli %scan3A_22, %mul3A_25 : i32
      "tpu.region"() ({
        %run_scoped3A = tpu.sem_alloc : memref<!tpu.dma_semaphore, #tpu.memory_space<semaphore_mem>>
        %dma_start3A_46 = arith.constant 0 : i32
        %dma_start3A_47 = tpu.memref_slice %arg4[%add3A, %mul3A_26, %dma_start3A_46] : memref<32x80x128xi32, #tpu.memory_space<hbm>> -> memref<1x40x128xi32, #tpu.memory_space<hbm>>
        %dma_start3A_48 = tpu.memref_squeeze %dma_start3A_47 : memref<1x40x128xi32, #tpu.memory_space<hbm>> -> memref<40x128xi32, #tpu.memory_space<hbm>>
        %dma_start3A_49 = arith.constant 0 : i32
        %dma_start3A_50 = tpu.memref_slice %arg4[%add3A, %mul3A_26, %dma_start3A_49] : memref<32x80x128xi32, #tpu.memory_space<hbm>> -> memref<1x40x128xi32, #tpu.memory_space<hbm>>
        %dma_start3A_51 = tpu.memref_squeeze %dma_start3A_50 : memref<1x40x128xi32, #tpu.memory_space<hbm>> -> memref<40x128xi32, #tpu.memory_space<hbm>>
        tpu.enqueue_dma source(%dma_start3A_51 : memref<40x128xi32, #tpu.memory_space<hbm>>) target(%arg8 : memref<40x128xi32, #tpu.memory_space<vmem>>) target_semaphore(%run_scoped3A : memref<!tpu.dma_semaphore, #tpu.memory_space<semaphore_mem>>)
        %dma_wait3A = arith.constant 0 : i32
        %dma_wait3A_52 = tpu.memref_slice %arg4[%add3A, %mul3A_26, %dma_wait3A] : memref<32x80x128xi32, #tpu.memory_space<hbm>> -> memref<1x40x128xi32, #tpu.memory_space<hbm>>
        %dma_wait3A_53 = tpu.memref_squeeze %dma_wait3A_52 : memref<1x40x128xi32, #tpu.memory_space<hbm>> -> memref<40x128xi32, #tpu.memory_space<hbm>>
        %dma_wait3A_54 = arith.constant 0 : i32
        %dma_wait3A_55 = tpu.memref_slice %arg4[%add3A, %mul3A_26, %dma_wait3A_54] : memref<32x80x128xi32, #tpu.memory_space<hbm>> -> memref<1x40x128xi32, #tpu.memory_space<hbm>>
        %dma_wait3A_56 = tpu.memref_squeeze %dma_wait3A_55 : memref<1x40x128xi32, #tpu.memory_space<hbm>> -> memref<40x128xi32, #tpu.memory_space<hbm>>
        tpu.wait_dma2 semaphore(%run_scoped3A : memref<!tpu.dma_semaphore, #tpu.memory_space<semaphore_mem>>) src(%dma_wait3A_56 : memref<40x128xi32, #tpu.memory_space<hbm>>) dst(%arg8 : memref<40x128xi32, #tpu.memory_space<vmem>>)
        tpu.yield
      }) : () -> ()
      %dma_start3A = arith.constant 0 : i32
      %dma_start3A_27 = arith.constant 0 : i32
      %dma_start3A_28 = tpu.memref_slice %arg7[%dma_start3A, %dma_start3A_27] : memref<40x128xi32, #tpu.memory_space<vmem>> -> memref<1x128xi32, #tpu.memory_space<vmem>>
      %dma_start3A_29 = tpu.memref_squeeze %dma_start3A_28 : memref<1x128xi32, #tpu.memory_space<vmem>> -> memref<128xi32, #tpu.memory_space<vmem>>
      %dma_start3A_30 = arith.constant 0 : i32
      %dma_start3A_31 = arith.constant 0 : i32
      %dma_start3A_32 = tpu.memref_slice %arg2[%dma_start3A_30, %dma_start3A_31] : memref<10008x128xf32, #tpu.memory_space<hbm>> -> memref<10008x128xf32, #tpu.memory_space<hbm>>
      tpu.enqueue_indirect_dma source(%dma_start3A_32 : memref<10008x128xf32, #tpu.memory_space<hbm>>) target(%arg9 : memref<128x128xf32, #tpu.memory_space<vmem>>) offsets(%dma_start3A_29 : memref<128xi32, #tpu.memory_space<vmem>>) semaphore(%arg12 : memref<!tpu.dma_semaphore, #tpu.memory_space<semaphore_mem>>)
      %dma_start3A_33 = arith.constant 1 : i32
      %dma_start3A_34 = arith.constant 0 : i32
      %dma_start3A_35 = tpu.memref_slice %arg7[%dma_start3A_33, %dma_start3A_34] : memref<40x128xi32, #tpu.memory_space<vmem>> -> memref<1x128xi32, #tpu.memory_space<vmem>>
      %dma_start3A_36 = tpu.memref_squeeze %dma_start3A_35 : memref<1x128xi32, #tpu.memory_space<vmem>> -> memref<128xi32, #tpu.memory_space<vmem>>
      %dma_start3A_37 = arith.constant 0 : i32
      %dma_start3A_38 = arith.constant 0 : i32
      %dma_start3A_39 = tpu.memref_slice %arg2[%dma_start3A_37, %dma_start3A_38] : memref<10008x128xf32, #tpu.memory_space<hbm>> -> memref<10008x128xf32, #tpu.memory_space<hbm>>
      tpu.enqueue_indirect_dma source(%dma_start3A_39 : memref<10008x128xf32, #tpu.memory_space<hbm>>) target(%arg10 : memref<128x128xf32, #tpu.memory_space<vmem>>) offsets(%dma_start3A_36 : memref<128xi32, #tpu.memory_space<vmem>>) semaphore(%arg13 : memref<!tpu.dma_semaphore, #tpu.memory_space<semaphore_mem>>)
      %scan3A_40 = arith.constant 0 : i32
      %scan3A_41 = arith.constant 0 : i32
      %scan3A_42 = arith.constant 20 : i32
      %scan3A_43 = arith.addi %scan3A_41, %scan3A_42 : i32
      %scan3A_44 = arith.constant 1 : i32
      scf.for %scan3A_46 = %scan3A_41 to %scan3A_43 step %scan3A_44  : i32 {
        %mul3A_47 = arith.constant 2 : i32
        %mul3A_48 = arith.muli %mul3A_47, %scan3A_46 : i32
        %dma_wait3A = arith.constant 0 : i32
        %dma_wait3A_49 = arith.constant 0 : i32
        %dma_wait3A_50 = tpu.memref_slice %arg7[%dma_wait3A, %dma_wait3A_49] : memref<40x128xi32, #tpu.memory_space<vmem>> -> memref<1x128xi32, #tpu.memory_space<vmem>>
        %dma_wait3A_51 = tpu.memref_squeeze %dma_wait3A_50 : memref<1x128xi32, #tpu.memory_space<vmem>> -> memref<128xi32, #tpu.memory_space<vmem>>
        %dma_wait3A_52 = arith.constant 0 : i32
        %dma_wait3A_53 = arith.constant 0 : i32
        %dma_wait3A_54 = tpu.memref_slice %arg2[%dma_wait3A_52, %dma_wait3A_53] : memref<10008x128xf32, #tpu.memory_space<hbm>> -> memref<10008x128xf32, #tpu.memory_space<hbm>>
        tpu.wait_indirect_dma semaphore(%arg12 : memref<!tpu.dma_semaphore, #tpu.memory_space<semaphore_mem>>) src(%dma_wait3A_54 : memref<10008x128xf32, #tpu.memory_space<hbm>>) dst(%arg9 : memref<128x128xf32, #tpu.memory_space<vmem>>)
        "tpu.region"() ({
          %run_scoped3A = tpu.sem_alloc : memref<!tpu.dma_semaphore, #tpu.memory_space<semaphore_mem>>
          %dma_start3A_77 = arith.constant 0 : i32
          %dma_start3A_78 = tpu.memref_slice %arg8[%mul3A_48, %dma_start3A_77] : memref<40x128xi32, #tpu.memory_space<vmem>> -> memref<1x128xi32, #tpu.memory_space<vmem>>
          %dma_start3A_79 = tpu.memref_squeeze %dma_start3A_78 : memref<1x128xi32, #tpu.memory_space<vmem>> -> memref<128xi32, #tpu.memory_space<vmem>>
          %dma_start3A_80 = arith.constant 0 : i32
          %dma_start3A_81 = arith.constant 0 : i32
          %dma_start3A_82 = tpu.memref_slice %arg11[%dma_start3A_80, %dma_start3A_81] : memref<10008x128xf32, #tpu.memory_space<vmem_shared>> -> memref<10008x128xf32, #tpu.memory_space<vmem_shared>>
          tpu.enqueue_indirect_dma source(%arg9 : memref<128x128xf32, #tpu.memory_space<vmem>>) target(%dma_start3A_82 : memref<10008x128xf32, #tpu.memory_space<vmem_shared>>) offsets(%dma_start3A_79 : memref<128xi32, #tpu.memory_space<vmem>>) semaphore(%run_scoped3A : memref<!tpu.dma_semaphore, #tpu.memory_space<semaphore_mem>>) {add = true}
          %dma_wait3A_83 = arith.constant 0 : i32
          %dma_wait3A_84 = tpu.memref_slice %arg8[%mul3A_48, %dma_wait3A_83] : memref<40x128xi32, #tpu.memory_space<vmem>> -> memref<1x128xi32, #tpu.memory_space<vmem>>
          %dma_wait3A_85 = tpu.memref_squeeze %dma_wait3A_84 : memref<1x128xi32, #tpu.memory_space<vmem>> -> memref<128xi32, #tpu.memory_space<vmem>>
          %dma_wait3A_86 = arith.constant 0 : i32
          %dma_wait3A_87 = arith.constant 0 : i32
          %dma_wait3A_88 = tpu.memref_slice %arg11[%dma_wait3A_86, %dma_wait3A_87] : memref<10008x128xf32, #tpu.memory_space<vmem_shared>> -> memref<10008x128xf32, #tpu.memory_space<vmem_shared>>
          tpu.wait_indirect_dma semaphore(%run_scoped3A : memref<!tpu.dma_semaphore, #tpu.memory_space<semaphore_mem>>) src(%arg9 : memref<128x128xf32, #tpu.memory_space<vmem>>) dst(%dma_wait3A_88 : memref<10008x128xf32, #tpu.memory_space<vmem_shared>>)
          tpu.yield
        }) : () -> ()
        %add3A_55 = arith.constant 2 : i32
        %add3A_56 = arith.addi %mul3A_48, %add3A_55 : i32
        %lt3A = arith.constant 40 : i32
        %lt3A_57 = arith.cmpi slt, %add3A_56, %lt3A : i32
        %convert_element_type3A_58 = arith.extui %lt3A_57 : i1 to i32
        %cond3A_59 = arith.constant 0 : i32
        %cond3A_60 = arith.cmpi ne, %convert_element_type3A_58, %cond3A_59 : i32
        scf.if %cond3A_60 {
          %add3A_77 = arith.constant 2 : i32
          %add3A_78 = arith.addi %mul3A_48, %add3A_77 : i32
          %dma_start3A_79 = arith.constant 0 : i32
          %dma_start3A_80 = tpu.memref_slice %arg7[%add3A_78, %dma_start3A_79] : memref<40x128xi32, #tpu.memory_space<vmem>> -> memref<1x128xi32, #tpu.memory_space<vmem>>
          %dma_start3A_81 = tpu.memref_squeeze %dma_start3A_80 : memref<1x128xi32, #tpu.memory_space<vmem>> -> memref<128xi32, #tpu.memory_space<vmem>>
          %dma_start3A_82 = arith.constant 0 : i32
          %dma_start3A_83 = arith.constant 0 : i32
          %dma_start3A_84 = tpu.memref_slice %arg2[%dma_start3A_82, %dma_start3A_83] : memref<10008x128xf32, #tpu.memory_space<hbm>> -> memref<10008x128xf32, #tpu.memory_space<hbm>>
          tpu.enqueue_indirect_dma source(%dma_start3A_84 : memref<10008x128xf32, #tpu.memory_space<hbm>>) target(%arg9 : memref<128x128xf32, #tpu.memory_space<vmem>>) offsets(%dma_start3A_81 : memref<128xi32, #tpu.memory_space<vmem>>) semaphore(%arg12 : memref<!tpu.dma_semaphore, #tpu.memory_space<semaphore_mem>>)
        } else {
        }
        %dma_wait3A_61 = arith.constant 1 : i32
        %dma_wait3A_62 = arith.constant 0 : i32
        %dma_wait3A_63 = tpu.memref_slice %arg7[%dma_wait3A_61, %dma_wait3A_62] : memref<40x128xi32, #tpu.memory_space<vmem>> -> memref<1x128xi32, #tpu.memory_space<vmem>>
        %dma_wait3A_64 = tpu.memref_squeeze %dma_wait3A_63 : memref<1x128xi32, #tpu.memory_space<vmem>> -> memref<128xi32, #tpu.memory_space<vmem>>
        %dma_wait3A_65 = arith.constant 0 : i32
        %dma_wait3A_66 = arith.constant 0 : i32
        %dma_wait3A_67 = tpu.memref_slice %arg2[%dma_wait3A_65, %dma_wait3A_66] : memref<10008x128xf32, #tpu.memory_space<hbm>> -> memref<10008x128xf32, #tpu.memory_space<hbm>>
        tpu.wait_indirect_dma semaphore(%arg13 : memref<!tpu.dma_semaphore, #tpu.memory_space<semaphore_mem>>) src(%dma_wait3A_67 : memref<10008x128xf32, #tpu.memory_space<hbm>>) dst(%arg10 : memref<128x128xf32, #tpu.memory_space<vmem>>)
        %add3A_68 = arith.constant 1 : i32
        %add3A_69 = arith.addi %mul3A_48, %add3A_68 : i32
        "tpu.region"() ({
          %run_scoped3A = tpu.sem_alloc : memref<!tpu.dma_semaphore, #tpu.memory_space<semaphore_mem>>
          %dma_start3A_77 = arith.constant 0 : i32
          %dma_start3A_78 = tpu.memref_slice %arg8[%add3A_69, %dma_start3A_77] : memref<40x128xi32, #tpu.memory_space<vmem>> -> memref<1x128xi32, #tpu.memory_space<vmem>>
          %dma_start3A_79 = tpu.memref_squeeze %dma_start3A_78 : memref<1x128xi32, #tpu.memory_space<vmem>> -> memref<128xi32, #tpu.memory_space<vmem>>
          %dma_start3A_80 = arith.constant 0 : i32
          %dma_start3A_81 = arith.constant 0 : i32
          %dma_start3A_82 = tpu.memref_slice %arg11[%dma_start3A_80, %dma_start3A_81] : memref<10008x128xf32, #tpu.memory_space<vmem_shared>> -> memref<10008x128xf32, #tpu.memory_space<vmem_shared>>
          tpu.enqueue_indirect_dma source(%arg10 : memref<128x128xf32, #tpu.memory_space<vmem>>) target(%dma_start3A_82 : memref<10008x128xf32, #tpu.memory_space<vmem_shared>>) offsets(%dma_start3A_79 : memref<128xi32, #tpu.memory_space<vmem>>) semaphore(%run_scoped3A : memref<!tpu.dma_semaphore, #tpu.memory_space<semaphore_mem>>) {add = true}
          %dma_wait3A_83 = arith.constant 0 : i32
          %dma_wait3A_84 = tpu.memref_slice %arg8[%add3A_69, %dma_wait3A_83] : memref<40x128xi32, #tpu.memory_space<vmem>> -> memref<1x128xi32, #tpu.memory_space<vmem>>
          %dma_wait3A_85 = tpu.memref_squeeze %dma_wait3A_84 : memref<1x128xi32, #tpu.memory_space<vmem>> -> memref<128xi32, #tpu.memory_space<vmem>>
          %dma_wait3A_86 = arith.constant 0 : i32
          %dma_wait3A_87 = arith.constant 0 : i32
          %dma_wait3A_88 = tpu.memref_slice %arg11[%dma_wait3A_86, %dma_wait3A_87] : memref<10008x128xf32, #tpu.memory_space<vmem_shared>> -> memref<10008x128xf32, #tpu.memory_space<vmem_shared>>
          tpu.wait_indirect_dma semaphore(%run_scoped3A : memref<!tpu.dma_semaphore, #tpu.memory_space<semaphore_mem>>) src(%arg10 : memref<128x128xf32, #tpu.memory_space<vmem>>) dst(%dma_wait3A_88 : memref<10008x128xf32, #tpu.memory_space<vmem_shared>>)
          tpu.yield
        }) : () -> ()
        %add3A_70 = arith.constant 3 : i32
        %add3A_71 = arith.addi %mul3A_48, %add3A_70 : i32
        %lt3A_72 = arith.constant 40 : i32
        %lt3A_73 = arith.cmpi slt, %add3A_71, %lt3A_72 : i32
        %convert_element_type3A_74 = arith.extui %lt3A_73 : i1 to i32
        %cond3A_75 = arith.constant 0 : i32
        %cond3A_76 = arith.cmpi ne, %convert_element_type3A_74, %cond3A_75 : i32
        scf.if %cond3A_76 {
          %add3A_77 = arith.constant 3 : i32
          %add3A_78 = arith.addi %mul3A_48, %add3A_77 : i32
          %dma_start3A_79 = arith.constant 0 : i32
          %dma_start3A_80 = tpu.memref_slice %arg7[%add3A_78, %dma_start3A_79] : memref<40x128xi32, #tpu.memory_space<vmem>> -> memref<1x128xi32, #tpu.memory_space<vmem>>
          %dma_start3A_81 = tpu.memref_squeeze %dma_start3A_80 : memref<1x128xi32, #tpu.memory_space<vmem>> -> memref<128xi32, #tpu.memory_space<vmem>>
          %dma_start3A_82 = arith.constant 0 : i32
          %dma_start3A_83 = arith.constant 0 : i32
          %dma_start3A_84 = tpu.memref_slice %arg2[%dma_start3A_82, %dma_start3A_83] : memref<10008x128xf32, #tpu.memory_space<hbm>> -> memref<10008x128xf32, #tpu.memory_space<hbm>>
          tpu.enqueue_indirect_dma source(%dma_start3A_84 : memref<10008x128xf32, #tpu.memory_space<hbm>>) target(%arg10 : memref<128x128xf32, #tpu.memory_space<vmem>>) offsets(%dma_start3A_81 : memref<128xi32, #tpu.memory_space<vmem>>) semaphore(%arg13 : memref<!tpu.dma_semaphore, #tpu.memory_space<semaphore_mem>>)
        } else {
        }
      }
      %scan3A_45 = arith.constant 20 : i32
    }
    %scan3A_11 = arith.constant 2 : i32
    %barrier3A_12 = arith.constant 0 : index
    tpu.barrier barrier_id(%barrier3A_12)
    %mul3A_13 = arith.constant 624 : i32
    %mul3A_14 = arith.muli %arg1, %mul3A_13 : i32
    %mul3A_15 = arith.constant 624 : i32
    %mul3A_16 = arith.muli %arg1, %mul3A_15 : i32
    "tpu.region"() ({
      %run_scoped3A = tpu.sem_alloc : memref<!tpu.dma_semaphore, #tpu.memory_space<semaphore_mem>>
      %dma_start3A = arith.constant 0 : i32
      %dma_start3A_22 = arith.constant 0 : i32
      %dma_start3A_23 = tpu.memref_slice %arg6[%arg0, %dma_start3A, %dma_start3A_22] : memref<2x10008x128xf32, #tpu.memory_space<hbm>> -> memref<1x10008x128xf32, #tpu.memory_space<hbm>>
      %dma_start3A_24 = tpu.memref_squeeze %dma_start3A_23 : memref<1x10008x128xf32, #tpu.memory_space<hbm>> -> memref<10008x128xf32, #tpu.memory_space<hbm>>
      %dma_start3A_25 = arith.constant 0 : i32
      %dma_start3A_26 = tpu.memref_slice %dma_start3A_24[%mul3A_16, %dma_start3A_25] : memref<10008x128xf32, #tpu.memory_space<hbm>> -> memref<624x128xf32, #tpu.memory_space<hbm>>
      %dma_start3A_27 = arith.constant 0 : i32
      %dma_start3A_28 = tpu.memref_slice %arg11[%mul3A_14, %dma_start3A_27] : memref<10008x128xf32, #tpu.memory_space<vmem_shared>> -> memref<624x128xf32, #tpu.memory_space<vmem_shared>>
      tpu.enqueue_dma source(%dma_start3A_28 : memref<624x128xf32, #tpu.memory_space<vmem_shared>>) target(%dma_start3A_26 : memref<624x128xf32, #tpu.memory_space<hbm>>) target_semaphore(%run_scoped3A : memref<!tpu.dma_semaphore, #tpu.memory_space<semaphore_mem>>)
      %dma_wait3A = arith.constant 0 : i32
      %dma_wait3A_29 = arith.constant 0 : i32
      %dma_wait3A_30 = tpu.memref_slice %arg6[%arg0, %dma_wait3A, %dma_wait3A_29] : memref<2x10008x128xf32, #tpu.memory_space<hbm>> -> memref<1x10008x128xf32, #tpu.memory_space<hbm>>
      %dma_wait3A_31 = tpu.memref_squeeze %dma_wait3A_30 : memref<1x10008x128xf32, #tpu.memory_space<hbm>> -> memref<10008x128xf32, #tpu.memory_space<hbm>>
      %dma_wait3A_32 = arith.constant 0 : i32
      %dma_wait3A_33 = tpu.memref_slice %dma_wait3A_31[%mul3A_16, %dma_wait3A_32] : memref<10008x128xf32, #tpu.memory_space<hbm>> -> memref<624x128xf32, #tpu.memory_space<hbm>>
      %dma_wait3A_34 = arith.constant 0 : i32
      %dma_wait3A_35 = tpu.memref_slice %arg11[%mul3A_14, %dma_wait3A_34] : memref<10008x128xf32, #tpu.memory_space<vmem_shared>> -> memref<624x128xf32, #tpu.memory_space<vmem_shared>>
      tpu.wait_dma2 semaphore(%run_scoped3A : memref<!tpu.dma_semaphore, #tpu.memory_space<semaphore_mem>>) src(%dma_wait3A_35 : memref<624x128xf32, #tpu.memory_space<vmem_shared>>) dst(%dma_wait3A_33 : memref<624x128xf32, #tpu.memory_space<hbm>>)
      tpu.yield
    }) : () -> ()
    %eq3A_17 = arith.constant 0 : i32
    %eq3A_18 = arith.cmpi eq, %arg1, %eq3A_17 : i32
    %convert_element_type3A_19 = arith.extui %eq3A_18 : i1 to i32
    %cond3A_20 = arith.constant 0 : i32
    %cond3A_21 = arith.cmpi ne, %convert_element_type3A_19, %cond3A_20 : i32
    scf.if %cond3A_21 {
      "tpu.region"() ({
        %run_scoped3A = tpu.sem_alloc : memref<!tpu.dma_semaphore, #tpu.memory_space<semaphore_mem>>
        %dma_start3A = arith.constant 0 : i32
        %dma_start3A_22 = arith.constant 0 : i32
        %dma_start3A_23 = tpu.memref_slice %arg6[%arg0, %dma_start3A, %dma_start3A_22] : memref<2x10008x128xf32, #tpu.memory_space<hbm>> -> memref<1x10008x128xf32, #tpu.memory_space<hbm>>
        %dma_start3A_24 = tpu.memref_squeeze %dma_start3A_23 : memref<1x10008x128xf32, #tpu.memory_space<hbm>> -> memref<10008x128xf32, #tpu.memory_space<hbm>>
        %dma_start3A_25 = arith.constant 9984 : i32
        %dma_start3A_26 = arith.constant 0 : i32
        %dma_start3A_27 = tpu.memref_slice %dma_start3A_24[%dma_start3A_25, %dma_start3A_26] : memref<10008x128xf32, #tpu.memory_space<hbm>> -> memref<24x128xf32, #tpu.memory_space<hbm>>
        %dma_start3A_28 = arith.constant 9984 : i32
        %dma_start3A_29 = arith.constant 0 : i32
        %dma_start3A_30 = tpu.memref_slice %arg11[%dma_start3A_28, %dma_start3A_29] : memref<10008x128xf32, #tpu.memory_space<vmem_shared>> -> memref<24x128xf32, #tpu.memory_space<vmem_shared>>
        tpu.enqueue_dma source(%dma_start3A_30 : memref<24x128xf32, #tpu.memory_space<vmem_shared>>) target(%dma_start3A_27 : memref<24x128xf32, #tpu.memory_space<hbm>>) target_semaphore(%run_scoped3A : memref<!tpu.dma_semaphore, #tpu.memory_space<semaphore_mem>>)
        %dma_wait3A = arith.constant 0 : i32
        %dma_wait3A_31 = arith.constant 0 : i32
        %dma_wait3A_32 = tpu.memref_slice %arg6[%arg0, %dma_wait3A, %dma_wait3A_31] : memref<2x10008x128xf32, #tpu.memory_space<hbm>> -> memref<1x10008x128xf32, #tpu.memory_space<hbm>>
        %dma_wait3A_33 = tpu.memref_squeeze %dma_wait3A_32 : memref<1x10008x128xf32, #tpu.memory_space<hbm>> -> memref<10008x128xf32, #tpu.memory_space<hbm>>
        %dma_wait3A_34 = arith.constant 9984 : i32
        %dma_wait3A_35 = arith.constant 0 : i32
        %dma_wait3A_36 = tpu.memref_slice %dma_wait3A_33[%dma_wait3A_34, %dma_wait3A_35] : memref<10008x128xf32, #tpu.memory_space<hbm>> -> memref<24x128xf32, #tpu.memory_space<hbm>>
        %dma_wait3A_37 = arith.constant 9984 : i32
        %dma_wait3A_38 = arith.constant 0 : i32
        %dma_wait3A_39 = tpu.memref_slice %arg11[%dma_wait3A_37, %dma_wait3A_38] : memref<10008x128xf32, #tpu.memory_space<vmem_shared>> -> memref<24x128xf32, #tpu.memory_space<vmem_shared>>
        tpu.wait_dma2 semaphore(%run_scoped3A : memref<!tpu.dma_semaphore, #tpu.memory_space<semaphore_mem>>) src(%dma_wait3A_39 : memref<24x128xf32, #tpu.memory_space<vmem_shared>>) dst(%dma_wait3A_36 : memref<24x128xf32, #tpu.memory_space<hbm>>)
        tpu.yield
      }) : () -> ()
    } else {
    }
    return
  }
}

#map = affine_map<(d0, d1) -> (0, 0)>
#map1 = affine_map<(d0, d1) -> (0, 0, 0)>
module attributes {stable_mosaic.version = 14 : i64} {
  func.func @_agg_body(%arg0: i32, %arg1: i32, %arg2: memref<10008x128xf32, #tpu.memory_space<hbm>>, %arg3: memref<32x80x128xi32, #tpu.memory_space<hbm>>, %arg4: memref<32x80x128xi32, #tpu.memory_space<hbm>>, %arg5: memref<10008x128xf32, #tpu.memory_space<hbm>>, %arg6: memref<2x10008x128xf32, #tpu.memory_space<hbm>>, %arg7: memref<40x128xi32, #tpu.memory_space<vmem>>, %arg8: memref<40x128xi32, #tpu.memory_space<vmem>>, %arg9: memref<128x128xf32, #tpu.memory_space<vmem>>, %arg10: memref<128x128xf32, #tpu.memory_space<vmem>>, %arg11: memref<10008x128xf32, #tpu.memory_space<vmem_shared>>, %arg12: memref<!tpu.dma_semaphore, #tpu.memory_space<semaphore_mem>>, %arg13: memref<!tpu.dma_semaphore, #tpu.memory_space<semaphore_mem>>) attributes {dimension_semantics = [#tpu.dimension_semantics<core_parallel>, #tpu.dimension_semantics<subcore_parallel>], iteration_bounds = array<i64: 2, 16>, scalar_prefetch = 0 : i64, scratch_operands = 7 : i64, tpu.core_type = #tpu.core_type<sc_vector_subcore>, window_params = [{transform_indices = #map}, {transform_indices = #map1}, {transform_indices = #map1}, {transform_indices = #map}, {transform_indices = #map1}]} {
    %mul3A = arith.constant 624 : i32
    %mul3A_0 = arith.muli %arg1, %mul3A : i32
    %mul3A_1 = arith.constant 624 : i32
    %mul3A_2 = arith.muli %arg1, %mul3A_1 : i32
    "tpu.region"() ({
      %run_scoped3A = tpu.sem_alloc : memref<!tpu.dma_semaphore, #tpu.memory_space<semaphore_mem>>
      %dma_start3A = arith.constant 0 : i32
      %dma_start3A_22 = tpu.memref_slice %arg11[%mul3A_2, %dma_start3A] : memref<10008x128xf32, #tpu.memory_space<vmem_shared>> -> memref<624x128xf32, #tpu.memory_space<vmem_shared>>
      %dma_start3A_23 = arith.constant 0 : i32
      %dma_start3A_24 = tpu.memref_slice %arg5[%mul3A_0, %dma_start3A_23] : memref<10008x128xf32, #tpu.memory_space<hbm>> -> memref<624x128xf32, #tpu.memory_space<hbm>>
      tpu.enqueue_dma source(%dma_start3A_24 : memref<624x128xf32, #tpu.memory_space<hbm>>) target(%dma_start3A_22 : memref<624x128xf32, #tpu.memory_space<vmem_shared>>) target_semaphore(%run_scoped3A : memref<!tpu.dma_semaphore, #tpu.memory_space<semaphore_mem>>)
      %dma_wait3A = arith.constant 0 : i32
      %dma_wait3A_25 = tpu.memref_slice %arg11[%mul3A_2, %dma_wait3A] : memref<10008x128xf32, #tpu.memory_space<vmem_shared>> -> memref<624x128xf32, #tpu.memory_space<vmem_shared>>
      %dma_wait3A_26 = arith.constant 0 : i32
      %dma_wait3A_27 = tpu.memref_slice %arg5[%mul3A_0, %dma_wait3A_26] : memref<10008x128xf32, #tpu.memory_space<hbm>> -> memref<624x128xf32, #tpu.memory_space<hbm>>
      tpu.wait_dma2 semaphore(%run_scoped3A : memref<!tpu.dma_semaphore, #tpu.memory_space<semaphore_mem>>) src(%dma_wait3A_27 : memref<624x128xf32, #tpu.memory_space<hbm>>) dst(%dma_wait3A_25 : memref<624x128xf32, #tpu.memory_space<vmem_shared>>)
      tpu.yield
    }) : () -> ()
    %eq3A = arith.constant 0 : i32
    %eq3A_3 = arith.cmpi eq, %arg1, %eq3A : i32
    %convert_element_type3A = arith.extui %eq3A_3 : i1 to i32
    %cond3A = arith.constant 0 : i32
    %cond3A_4 = arith.cmpi ne, %convert_element_type3A, %cond3A : i32
    scf.if %cond3A_4 {
      "tpu.region"() ({
        %run_scoped3A = tpu.sem_alloc : memref<!tpu.dma_semaphore, #tpu.memory_space<semaphore_mem>>
        %dma_start3A = arith.constant 9984 : i32
        %dma_start3A_22 = arith.constant 0 : i32
        %dma_start3A_23 = tpu.memref_slice %arg11[%dma_start3A, %dma_start3A_22] : memref<10008x128xf32, #tpu.memory_space<vmem_shared>> -> memref<24x128xf32, #tpu.memory_space<vmem_shared>>
        %dma_start3A_24 = arith.constant 9984 : i32
        %dma_start3A_25 = arith.constant 0 : i32
        %dma_start3A_26 = tpu.memref_slice %arg5[%dma_start3A_24, %dma_start3A_25] : memref<10008x128xf32, #tpu.memory_space<hbm>> -> memref<24x128xf32, #tpu.memory_space<hbm>>
        tpu.enqueue_dma source(%dma_start3A_26 : memref<24x128xf32, #tpu.memory_space<hbm>>) target(%dma_start3A_23 : memref<24x128xf32, #tpu.memory_space<vmem_shared>>) target_semaphore(%run_scoped3A : memref<!tpu.dma_semaphore, #tpu.memory_space<semaphore_mem>>)
        %dma_wait3A = arith.constant 9984 : i32
        %dma_wait3A_27 = arith.constant 0 : i32
        %dma_wait3A_28 = tpu.memref_slice %arg11[%dma_wait3A, %dma_wait3A_27] : memref<10008x128xf32, #tpu.memory_space<vmem_shared>> -> memref<24x128xf32, #tpu.memory_space<vmem_shared>>
        %dma_wait3A_29 = arith.constant 9984 : i32
        %dma_wait3A_30 = arith.constant 0 : i32
        %dma_wait3A_31 = tpu.memref_slice %arg5[%dma_wait3A_29, %dma_wait3A_30] : memref<10008x128xf32, #tpu.memory_space<hbm>> -> memref<24x128xf32, #tpu.memory_space<hbm>>
        tpu.wait_dma2 semaphore(%run_scoped3A : memref<!tpu.dma_semaphore, #tpu.memory_space<semaphore_mem>>) src(%dma_wait3A_31 : memref<24x128xf32, #tpu.memory_space<hbm>>) dst(%dma_wait3A_28 : memref<24x128xf32, #tpu.memory_space<vmem_shared>>)
        tpu.yield
      }) : () -> ()
    } else {
    }
    %barrier3A = arith.constant 0 : index
    tpu.barrier barrier_id(%barrier3A)
    %mul3A_5 = arith.constant 16 : i32
    %mul3A_6 = arith.muli %arg0, %mul3A_5 : i32
    %add3A = arith.addi %mul3A_6, %arg1 : i32
    %scan3A = arith.constant 0 : i32
    %scan3A_7 = arith.constant 0 : i32
    %scan3A_8 = arith.constant 2 : i32
    %scan3A_9 = arith.addi %scan3A_7, %scan3A_8 : i32
    %scan3A_10 = arith.constant 1 : i32
    scf.for %scan3A_22 = %scan3A_7 to %scan3A_9 step %scan3A_10  : i32 {
      %mul3A_23 = arith.constant 40 : i32
      %mul3A_24 = arith.muli %scan3A_22, %mul3A_23 : i32
      "tpu.region"() ({
        %run_scoped3A = tpu.sem_alloc : memref<!tpu.dma_semaphore, #tpu.memory_space<semaphore_mem>>
        %dma_start3A_46 = arith.constant 0 : i32
        %dma_start3A_47 = tpu.memref_slice %arg3[%add3A, %mul3A_24, %dma_start3A_46] : memref<32x80x128xi32, #tpu.memory_space<hbm>> -> memref<1x40x128xi32, #tpu.memory_space<hbm>>
        %dma_start3A_48 = tpu.memref_squeeze %dma_start3A_47 : memref<1x40x128xi32, #tpu.memory_space<hbm>> -> memref<40x128xi32, #tpu.memory_space<hbm>>
        %dma_start3A_49 = arith.constant 0 : i32
        %dma_start3A_50 = tpu.memref_slice %arg3[%add3A, %mul3A_24, %dma_start3A_49] : memref<32x80x128xi32, #tpu.memory_space<hbm>> -> memref<1x40x128xi32, #tpu.memory_space<hbm>>
        %dma_start3A_51 = tpu.memref_squeeze %dma_start3A_50 : memref<1x40x128xi32, #tpu.memory_space<hbm>> -> memref<40x128xi32, #tpu.memory_space<hbm>>
        tpu.enqueue_dma source(%dma_start3A_51 : memref<40x128xi32, #tpu.memory_space<hbm>>) target(%arg7 : memref<40x128xi32, #tpu.memory_space<vmem>>) target_semaphore(%run_scoped3A : memref<!tpu.dma_semaphore, #tpu.memory_space<semaphore_mem>>)
        %dma_wait3A = arith.constant 0 : i32
        %dma_wait3A_52 = tpu.memref_slice %arg3[%add3A, %mul3A_24, %dma_wait3A] : memref<32x80x128xi32, #tpu.memory_space<hbm>> -> memref<1x40x128xi32, #tpu.memory_space<hbm>>
        %dma_wait3A_53 = tpu.memref_squeeze %dma_wait3A_52 : memref<1x40x128xi32, #tpu.memory_space<hbm>> -> memref<40x128xi32, #tpu.memory_space<hbm>>
        %dma_wait3A_54 = arith.constant 0 : i32
        %dma_wait3A_55 = tpu.memref_slice %arg3[%add3A, %mul3A_24, %dma_wait3A_54] : memref<32x80x128xi32, #tpu.memory_space<hbm>> -> memref<1x40x128xi32, #tpu.memory_space<hbm>>
        %dma_wait3A_56 = tpu.memref_squeeze %dma_wait3A_55 : memref<1x40x128xi32, #tpu.memory_space<hbm>> -> memref<40x128xi32, #tpu.memory_space<hbm>>
        tpu.wait_dma2 semaphore(%run_scoped3A : memref<!tpu.dma_semaphore, #tpu.memory_space<semaphore_mem>>) src(%dma_wait3A_56 : memref<40x128xi32, #tpu.memory_space<hbm>>) dst(%arg7 : memref<40x128xi32, #tpu.memory_space<vmem>>)
        tpu.yield
      }) : () -> ()
      %mul3A_25 = arith.constant 40 : i32
      %mul3A_26 = arith.muli %scan3A_22, %mul3A_25 : i32
      "tpu.region"() ({
        %run_scoped3A = tpu.sem_alloc : memref<!tpu.dma_semaphore, #tpu.memory_space<semaphore_mem>>
        %dma_start3A_46 = arith.constant 0 : i32
        %dma_start3A_47 = tpu.memref_slice %arg4[%add3A, %mul3A_26, %dma_start3A_46] : memref<32x80x128xi32, #tpu.memory_space<hbm>> -> memref<1x40x128xi32, #tpu.memory_space<hbm>>
        %dma_start3A_48 = tpu.memref_squeeze %dma_start3A_47 : memref<1x40x128xi32, #tpu.memory_space<hbm>> -> memref<40x128xi32, #tpu.memory_space<hbm>>
        %dma_start3A_49 = arith.constant 0 : i32
        %dma_start3A_50 = tpu.memref_slice %arg4[%add3A, %mul3A_26, %dma_start3A_49] : memref<32x80x128xi32, #tpu.memory_space<hbm>> -> memref<1x40x128xi32, #tpu.memory_space<hbm>>
        %dma_start3A_51 = tpu.memref_squeeze %dma_start3A_50 : memref<1x40x128xi32, #tpu.memory_space<hbm>> -> memref<40x128xi32, #tpu.memory_space<hbm>>
        tpu.enqueue_dma source(%dma_start3A_51 : memref<40x128xi32, #tpu.memory_space<hbm>>) target(%arg8 : memref<40x128xi32, #tpu.memory_space<vmem>>) target_semaphore(%run_scoped3A : memref<!tpu.dma_semaphore, #tpu.memory_space<semaphore_mem>>)
        %dma_wait3A = arith.constant 0 : i32
        %dma_wait3A_52 = tpu.memref_slice %arg4[%add3A, %mul3A_26, %dma_wait3A] : memref<32x80x128xi32, #tpu.memory_space<hbm>> -> memref<1x40x128xi32, #tpu.memory_space<hbm>>
        %dma_wait3A_53 = tpu.memref_squeeze %dma_wait3A_52 : memref<1x40x128xi32, #tpu.memory_space<hbm>> -> memref<40x128xi32, #tpu.memory_space<hbm>>
        %dma_wait3A_54 = arith.constant 0 : i32
        %dma_wait3A_55 = tpu.memref_slice %arg4[%add3A, %mul3A_26, %dma_wait3A_54] : memref<32x80x128xi32, #tpu.memory_space<hbm>> -> memref<1x40x128xi32, #tpu.memory_space<hbm>>
        %dma_wait3A_56 = tpu.memref_squeeze %dma_wait3A_55 : memref<1x40x128xi32, #tpu.memory_space<hbm>> -> memref<40x128xi32, #tpu.memory_space<hbm>>
        tpu.wait_dma2 semaphore(%run_scoped3A : memref<!tpu.dma_semaphore, #tpu.memory_space<semaphore_mem>>) src(%dma_wait3A_56 : memref<40x128xi32, #tpu.memory_space<hbm>>) dst(%arg8 : memref<40x128xi32, #tpu.memory_space<vmem>>)
        tpu.yield
      }) : () -> ()
      %dma_start3A = arith.constant 0 : i32
      %dma_start3A_27 = arith.constant 0 : i32
      %dma_start3A_28 = tpu.memref_slice %arg7[%dma_start3A, %dma_start3A_27] : memref<40x128xi32, #tpu.memory_space<vmem>> -> memref<1x128xi32, #tpu.memory_space<vmem>>
      %dma_start3A_29 = tpu.memref_squeeze %dma_start3A_28 : memref<1x128xi32, #tpu.memory_space<vmem>> -> memref<128xi32, #tpu.memory_space<vmem>>
      %dma_start3A_30 = arith.constant 0 : i32
      %dma_start3A_31 = arith.constant 0 : i32
      %dma_start3A_32 = tpu.memref_slice %arg2[%dma_start3A_30, %dma_start3A_31] : memref<10008x128xf32, #tpu.memory_space<hbm>> -> memref<10008x128xf32, #tpu.memory_space<hbm>>
      tpu.enqueue_indirect_dma source(%dma_start3A_32 : memref<10008x128xf32, #tpu.memory_space<hbm>>) target(%arg9 : memref<128x128xf32, #tpu.memory_space<vmem>>) offsets(%dma_start3A_29 : memref<128xi32, #tpu.memory_space<vmem>>) semaphore(%arg12 : memref<!tpu.dma_semaphore, #tpu.memory_space<semaphore_mem>>)
      %dma_start3A_33 = arith.constant 1 : i32
      %dma_start3A_34 = arith.constant 0 : i32
      %dma_start3A_35 = tpu.memref_slice %arg7[%dma_start3A_33, %dma_start3A_34] : memref<40x128xi32, #tpu.memory_space<vmem>> -> memref<1x128xi32, #tpu.memory_space<vmem>>
      %dma_start3A_36 = tpu.memref_squeeze %dma_start3A_35 : memref<1x128xi32, #tpu.memory_space<vmem>> -> memref<128xi32, #tpu.memory_space<vmem>>
      %dma_start3A_37 = arith.constant 0 : i32
      %dma_start3A_38 = arith.constant 0 : i32
      %dma_start3A_39 = tpu.memref_slice %arg2[%dma_start3A_37, %dma_start3A_38] : memref<10008x128xf32, #tpu.memory_space<hbm>> -> memref<10008x128xf32, #tpu.memory_space<hbm>>
      tpu.enqueue_indirect_dma source(%dma_start3A_39 : memref<10008x128xf32, #tpu.memory_space<hbm>>) target(%arg10 : memref<128x128xf32, #tpu.memory_space<vmem>>) offsets(%dma_start3A_36 : memref<128xi32, #tpu.memory_space<vmem>>) semaphore(%arg13 : memref<!tpu.dma_semaphore, #tpu.memory_space<semaphore_mem>>)
      %scan3A_40 = arith.constant 0 : i32
      %scan3A_41 = arith.constant 0 : i32
      %scan3A_42 = arith.constant 20 : i32
      %scan3A_43 = arith.addi %scan3A_41, %scan3A_42 : i32
      %scan3A_44 = arith.constant 1 : i32
      scf.for %scan3A_46 = %scan3A_41 to %scan3A_43 step %scan3A_44  : i32 {
        %mul3A_47 = arith.constant 2 : i32
        %mul3A_48 = arith.muli %mul3A_47, %scan3A_46 : i32
        %dma_wait3A = arith.constant 0 : i32
        %dma_wait3A_49 = arith.constant 0 : i32
        %dma_wait3A_50 = tpu.memref_slice %arg7[%dma_wait3A, %dma_wait3A_49] : memref<40x128xi32, #tpu.memory_space<vmem>> -> memref<1x128xi32, #tpu.memory_space<vmem>>
        %dma_wait3A_51 = tpu.memref_squeeze %dma_wait3A_50 : memref<1x128xi32, #tpu.memory_space<vmem>> -> memref<128xi32, #tpu.memory_space<vmem>>
        %dma_wait3A_52 = arith.constant 0 : i32
        %dma_wait3A_53 = arith.constant 0 : i32
        %dma_wait3A_54 = tpu.memref_slice %arg2[%dma_wait3A_52, %dma_wait3A_53] : memref<10008x128xf32, #tpu.memory_space<hbm>> -> memref<10008x128xf32, #tpu.memory_space<hbm>>
        tpu.wait_indirect_dma semaphore(%arg12 : memref<!tpu.dma_semaphore, #tpu.memory_space<semaphore_mem>>) src(%dma_wait3A_54 : memref<10008x128xf32, #tpu.memory_space<hbm>>) dst(%arg9 : memref<128x128xf32, #tpu.memory_space<vmem>>)
        "tpu.region"() ({
          %run_scoped3A = tpu.sem_alloc : memref<!tpu.dma_semaphore, #tpu.memory_space<semaphore_mem>>
          %dma_start3A_77 = arith.constant 0 : i32
          %dma_start3A_78 = tpu.memref_slice %arg8[%mul3A_48, %dma_start3A_77] : memref<40x128xi32, #tpu.memory_space<vmem>> -> memref<1x128xi32, #tpu.memory_space<vmem>>
          %dma_start3A_79 = tpu.memref_squeeze %dma_start3A_78 : memref<1x128xi32, #tpu.memory_space<vmem>> -> memref<128xi32, #tpu.memory_space<vmem>>
          %dma_start3A_80 = arith.constant 0 : i32
          %dma_start3A_81 = arith.constant 0 : i32
          %dma_start3A_82 = tpu.memref_slice %arg11[%dma_start3A_80, %dma_start3A_81] : memref<10008x128xf32, #tpu.memory_space<vmem_shared>> -> memref<10008x128xf32, #tpu.memory_space<vmem_shared>>
          tpu.enqueue_indirect_dma source(%arg9 : memref<128x128xf32, #tpu.memory_space<vmem>>) target(%dma_start3A_82 : memref<10008x128xf32, #tpu.memory_space<vmem_shared>>) offsets(%dma_start3A_79 : memref<128xi32, #tpu.memory_space<vmem>>) semaphore(%run_scoped3A : memref<!tpu.dma_semaphore, #tpu.memory_space<semaphore_mem>>) {add = true}
          %dma_wait3A_83 = arith.constant 0 : i32
          %dma_wait3A_84 = tpu.memref_slice %arg8[%mul3A_48, %dma_wait3A_83] : memref<40x128xi32, #tpu.memory_space<vmem>> -> memref<1x128xi32, #tpu.memory_space<vmem>>
          %dma_wait3A_85 = tpu.memref_squeeze %dma_wait3A_84 : memref<1x128xi32, #tpu.memory_space<vmem>> -> memref<128xi32, #tpu.memory_space<vmem>>
          %dma_wait3A_86 = arith.constant 0 : i32
          %dma_wait3A_87 = arith.constant 0 : i32
          %dma_wait3A_88 = tpu.memref_slice %arg11[%dma_wait3A_86, %dma_wait3A_87] : memref<10008x128xf32, #tpu.memory_space<vmem_shared>> -> memref<10008x128xf32, #tpu.memory_space<vmem_shared>>
          tpu.wait_indirect_dma semaphore(%run_scoped3A : memref<!tpu.dma_semaphore, #tpu.memory_space<semaphore_mem>>) src(%arg9 : memref<128x128xf32, #tpu.memory_space<vmem>>) dst(%dma_wait3A_88 : memref<10008x128xf32, #tpu.memory_space<vmem_shared>>)
          tpu.yield
        }) : () -> ()
        %add3A_55 = arith.constant 2 : i32
        %add3A_56 = arith.addi %mul3A_48, %add3A_55 : i32
        %lt3A = arith.constant 40 : i32
        %lt3A_57 = arith.cmpi slt, %add3A_56, %lt3A : i32
        %convert_element_type3A_58 = arith.extui %lt3A_57 : i1 to i32
        %cond3A_59 = arith.constant 0 : i32
        %cond3A_60 = arith.cmpi ne, %convert_element_type3A_58, %cond3A_59 : i32
        scf.if %cond3A_60 {
          %add3A_77 = arith.constant 2 : i32
          %add3A_78 = arith.addi %mul3A_48, %add3A_77 : i32
          %dma_start3A_79 = arith.constant 0 : i32
          %dma_start3A_80 = tpu.memref_slice %arg7[%add3A_78, %dma_start3A_79] : memref<40x128xi32, #tpu.memory_space<vmem>> -> memref<1x128xi32, #tpu.memory_space<vmem>>
          %dma_start3A_81 = tpu.memref_squeeze %dma_start3A_80 : memref<1x128xi32, #tpu.memory_space<vmem>> -> memref<128xi32, #tpu.memory_space<vmem>>
          %dma_start3A_82 = arith.constant 0 : i32
          %dma_start3A_83 = arith.constant 0 : i32
          %dma_start3A_84 = tpu.memref_slice %arg2[%dma_start3A_82, %dma_start3A_83] : memref<10008x128xf32, #tpu.memory_space<hbm>> -> memref<10008x128xf32, #tpu.memory_space<hbm>>
          tpu.enqueue_indirect_dma source(%dma_start3A_84 : memref<10008x128xf32, #tpu.memory_space<hbm>>) target(%arg9 : memref<128x128xf32, #tpu.memory_space<vmem>>) offsets(%dma_start3A_81 : memref<128xi32, #tpu.memory_space<vmem>>) semaphore(%arg12 : memref<!tpu.dma_semaphore, #tpu.memory_space<semaphore_mem>>)
        } else {
        }
        %dma_wait3A_61 = arith.constant 1 : i32
        %dma_wait3A_62 = arith.constant 0 : i32
        %dma_wait3A_63 = tpu.memref_slice %arg7[%dma_wait3A_61, %dma_wait3A_62] : memref<40x128xi32, #tpu.memory_space<vmem>> -> memref<1x128xi32, #tpu.memory_space<vmem>>
        %dma_wait3A_64 = tpu.memref_squeeze %dma_wait3A_63 : memref<1x128xi32, #tpu.memory_space<vmem>> -> memref<128xi32, #tpu.memory_space<vmem>>
        %dma_wait3A_65 = arith.constant 0 : i32
        %dma_wait3A_66 = arith.constant 0 : i32
        %dma_wait3A_67 = tpu.memref_slice %arg2[%dma_wait3A_65, %dma_wait3A_66] : memref<10008x128xf32, #tpu.memory_space<hbm>> -> memref<10008x128xf32, #tpu.memory_space<hbm>>
        tpu.wait_indirect_dma semaphore(%arg13 : memref<!tpu.dma_semaphore, #tpu.memory_space<semaphore_mem>>) src(%dma_wait3A_67 : memref<10008x128xf32, #tpu.memory_space<hbm>>) dst(%arg10 : memref<128x128xf32, #tpu.memory_space<vmem>>)
        %add3A_68 = arith.constant 1 : i32
        %add3A_69 = arith.addi %mul3A_48, %add3A_68 : i32
        "tpu.region"() ({
          %run_scoped3A = tpu.sem_alloc : memref<!tpu.dma_semaphore, #tpu.memory_space<semaphore_mem>>
          %dma_start3A_77 = arith.constant 0 : i32
          %dma_start3A_78 = tpu.memref_slice %arg8[%add3A_69, %dma_start3A_77] : memref<40x128xi32, #tpu.memory_space<vmem>> -> memref<1x128xi32, #tpu.memory_space<vmem>>
          %dma_start3A_79 = tpu.memref_squeeze %dma_start3A_78 : memref<1x128xi32, #tpu.memory_space<vmem>> -> memref<128xi32, #tpu.memory_space<vmem>>
          %dma_start3A_80 = arith.constant 0 : i32
          %dma_start3A_81 = arith.constant 0 : i32
          %dma_start3A_82 = tpu.memref_slice %arg11[%dma_start3A_80, %dma_start3A_81] : memref<10008x128xf32, #tpu.memory_space<vmem_shared>> -> memref<10008x128xf32, #tpu.memory_space<vmem_shared>>
          tpu.enqueue_indirect_dma source(%arg10 : memref<128x128xf32, #tpu.memory_space<vmem>>) target(%dma_start3A_82 : memref<10008x128xf32, #tpu.memory_space<vmem_shared>>) offsets(%dma_start3A_79 : memref<128xi32, #tpu.memory_space<vmem>>) semaphore(%run_scoped3A : memref<!tpu.dma_semaphore, #tpu.memory_space<semaphore_mem>>) {add = true}
          %dma_wait3A_83 = arith.constant 0 : i32
          %dma_wait3A_84 = tpu.memref_slice %arg8[%add3A_69, %dma_wait3A_83] : memref<40x128xi32, #tpu.memory_space<vmem>> -> memref<1x128xi32, #tpu.memory_space<vmem>>
          %dma_wait3A_85 = tpu.memref_squeeze %dma_wait3A_84 : memref<1x128xi32, #tpu.memory_space<vmem>> -> memref<128xi32, #tpu.memory_space<vmem>>
          %dma_wait3A_86 = arith.constant 0 : i32
          %dma_wait3A_87 = arith.constant 0 : i32
          %dma_wait3A_88 = tpu.memref_slice %arg11[%dma_wait3A_86, %dma_wait3A_87] : memref<10008x128xf32, #tpu.memory_space<vmem_shared>> -> memref<10008x128xf32, #tpu.memory_space<vmem_shared>>
          tpu.wait_indirect_dma semaphore(%run_scoped3A : memref<!tpu.dma_semaphore, #tpu.memory_space<semaphore_mem>>) src(%arg10 : memref<128x128xf32, #tpu.memory_space<vmem>>) dst(%dma_wait3A_88 : memref<10008x128xf32, #tpu.memory_space<vmem_shared>>)
          tpu.yield
        }) : () -> ()
        %add3A_70 = arith.constant 3 : i32
        %add3A_71 = arith.addi %mul3A_48, %add3A_70 : i32
        %lt3A_72 = arith.constant 40 : i32
        %lt3A_73 = arith.cmpi slt, %add3A_71, %lt3A_72 : i32
        %convert_element_type3A_74 = arith.extui %lt3A_73 : i1 to i32
        %cond3A_75 = arith.constant 0 : i32
        %cond3A_76 = arith.cmpi ne, %convert_element_type3A_74, %cond3A_75 : i32
        scf.if %cond3A_76 {
          %add3A_77 = arith.constant 3 : i32
          %add3A_78 = arith.addi %mul3A_48, %add3A_77 : i32
          %dma_start3A_79 = arith.constant 0 : i32
          %dma_start3A_80 = tpu.memref_slice %arg7[%add3A_78, %dma_start3A_79] : memref<40x128xi32, #tpu.memory_space<vmem>> -> memref<1x128xi32, #tpu.memory_space<vmem>>
          %dma_start3A_81 = tpu.memref_squeeze %dma_start3A_80 : memref<1x128xi32, #tpu.memory_space<vmem>> -> memref<128xi32, #tpu.memory_space<vmem>>
          %dma_start3A_82 = arith.constant 0 : i32
          %dma_start3A_83 = arith.constant 0 : i32
          %dma_start3A_84 = tpu.memref_slice %arg2[%dma_start3A_82, %dma_start3A_83] : memref<10008x128xf32, #tpu.memory_space<hbm>> -> memref<10008x128xf32, #tpu.memory_space<hbm>>
          tpu.enqueue_indirect_dma source(%dma_start3A_84 : memref<10008x128xf32, #tpu.memory_space<hbm>>) target(%arg10 : memref<128x128xf32, #tpu.memory_space<vmem>>) offsets(%dma_start3A_81 : memref<128xi32, #tpu.memory_space<vmem>>) semaphore(%arg13 : memref<!tpu.dma_semaphore, #tpu.memory_space<semaphore_mem>>)
        } else {
        }
      }
      %scan3A_45 = arith.constant 20 : i32
    }
    %scan3A_11 = arith.constant 2 : i32
    %barrier3A_12 = arith.constant 0 : index
    tpu.barrier barrier_id(%barrier3A_12)
    %mul3A_13 = arith.constant 624 : i32
    %mul3A_14 = arith.muli %arg1, %mul3A_13 : i32
    %mul3A_15 = arith.constant 624 : i32
    %mul3A_16 = arith.muli %arg1, %mul3A_15 : i32
    "tpu.region"() ({
      %run_scoped3A = tpu.sem_alloc : memref<!tpu.dma_semaphore, #tpu.memory_space<semaphore_mem>>
      %dma_start3A = arith.constant 0 : i32
      %dma_start3A_22 = arith.constant 0 : i32
      %dma_start3A_23 = tpu.memref_slice %arg6[%arg0, %dma_start3A, %dma_start3A_22] : memref<2x10008x128xf32, #tpu.memory_space<hbm>> -> memref<1x10008x128xf32, #tpu.memory_space<hbm>>
      %dma_start3A_24 = tpu.memref_squeeze %dma_start3A_23 : memref<1x10008x128xf32, #tpu.memory_space<hbm>> -> memref<10008x128xf32, #tpu.memory_space<hbm>>
      %dma_start3A_25 = arith.constant 0 : i32
      %dma_start3A_26 = tpu.memref_slice %dma_start3A_24[%mul3A_16, %dma_start3A_25] : memref<10008x128xf32, #tpu.memory_space<hbm>> -> memref<624x128xf32, #tpu.memory_space<hbm>>
      %dma_start3A_27 = arith.constant 0 : i32
      %dma_start3A_28 = tpu.memref_slice %arg11[%mul3A_14, %dma_start3A_27] : memref<10008x128xf32, #tpu.memory_space<vmem_shared>> -> memref<624x128xf32, #tpu.memory_space<vmem_shared>>
      tpu.enqueue_dma source(%dma_start3A_28 : memref<624x128xf32, #tpu.memory_space<vmem_shared>>) target(%dma_start3A_26 : memref<624x128xf32, #tpu.memory_space<hbm>>) target_semaphore(%run_scoped3A : memref<!tpu.dma_semaphore, #tpu.memory_space<semaphore_mem>>)
      %dma_wait3A = arith.constant 0 : i32
      %dma_wait3A_29 = arith.constant 0 : i32
      %dma_wait3A_30 = tpu.memref_slice %arg6[%arg0, %dma_wait3A, %dma_wait3A_29] : memref<2x10008x128xf32, #tpu.memory_space<hbm>> -> memref<1x10008x128xf32, #tpu.memory_space<hbm>>
      %dma_wait3A_31 = tpu.memref_squeeze %dma_wait3A_30 : memref<1x10008x128xf32, #tpu.memory_space<hbm>> -> memref<10008x128xf32, #tpu.memory_space<hbm>>
      %dma_wait3A_32 = arith.constant 0 : i32
      %dma_wait3A_33 = tpu.memref_slice %dma_wait3A_31[%mul3A_16, %dma_wait3A_32] : memref<10008x128xf32, #tpu.memory_space<hbm>> -> memref<624x128xf32, #tpu.memory_space<hbm>>
      %dma_wait3A_34 = arith.constant 0 : i32
      %dma_wait3A_35 = tpu.memref_slice %arg11[%mul3A_14, %dma_wait3A_34] : memref<10008x128xf32, #tpu.memory_space<vmem_shared>> -> memref<624x128xf32, #tpu.memory_space<vmem_shared>>
      tpu.wait_dma2 semaphore(%run_scoped3A : memref<!tpu.dma_semaphore, #tpu.memory_space<semaphore_mem>>) src(%dma_wait3A_35 : memref<624x128xf32, #tpu.memory_space<vmem_shared>>) dst(%dma_wait3A_33 : memref<624x128xf32, #tpu.memory_space<hbm>>)
      tpu.yield
    }) : () -> ()
    %eq3A_17 = arith.constant 0 : i32
    %eq3A_18 = arith.cmpi eq, %arg1, %eq3A_17 : i32
    %convert_element_type3A_19 = arith.extui %eq3A_18 : i1 to i32
    %cond3A_20 = arith.constant 0 : i32
    %cond3A_21 = arith.cmpi ne, %convert_element_type3A_19, %cond3A_20 : i32
    scf.if %cond3A_21 {
      "tpu.region"() ({
        %run_scoped3A = tpu.sem_alloc : memref<!tpu.dma_semaphore, #tpu.memory_space<semaphore_mem>>
        %dma_start3A = arith.constant 0 : i32
        %dma_start3A_22 = arith.constant 0 : i32
        %dma_start3A_23 = tpu.memref_slice %arg6[%arg0, %dma_start3A, %dma_start3A_22] : memref<2x10008x128xf32, #tpu.memory_space<hbm>> -> memref<1x10008x128xf32, #tpu.memory_space<hbm>>
        %dma_start3A_24 = tpu.memref_squeeze %dma_start3A_23 : memref<1x10008x128xf32, #tpu.memory_space<hbm>> -> memref<10008x128xf32, #tpu.memory_space<hbm>>
        %dma_start3A_25 = arith.constant 9984 : i32
        %dma_start3A_26 = arith.constant 0 : i32
        %dma_start3A_27 = tpu.memref_slice %dma_start3A_24[%dma_start3A_25, %dma_start3A_26] : memref<10008x128xf32, #tpu.memory_space<hbm>> -> memref<24x128xf32, #tpu.memory_space<hbm>>
        %dma_start3A_28 = arith.constant 9984 : i32
        %dma_start3A_29 = arith.constant 0 : i32
        %dma_start3A_30 = tpu.memref_slice %arg11[%dma_start3A_28, %dma_start3A_29] : memref<10008x128xf32, #tpu.memory_space<vmem_shared>> -> memref<24x128xf32, #tpu.memory_space<vmem_shared>>
        tpu.enqueue_dma source(%dma_start3A_30 : memref<24x128xf32, #tpu.memory_space<vmem_shared>>) target(%dma_start3A_27 : memref<24x128xf32, #tpu.memory_space<hbm>>) target_semaphore(%run_scoped3A : memref<!tpu.dma_semaphore, #tpu.memory_space<semaphore_mem>>)
        %dma_wait3A = arith.constant 0 : i32
        %dma_wait3A_31 = arith.constant 0 : i32
        %dma_wait3A_32 = tpu.memref_slice %arg6[%arg0, %dma_wait3A, %dma_wait3A_31] : memref<2x10008x128xf32, #tpu.memory_space<hbm>> -> memref<1x10008x128xf32, #tpu.memory_space<hbm>>
        %dma_wait3A_33 = tpu.memref_squeeze %dma_wait3A_32 : memref<1x10008x128xf32, #tpu.memory_space<hbm>> -> memref<10008x128xf32, #tpu.memory_space<hbm>>
        %dma_wait3A_34 = arith.constant 9984 : i32
        %dma_wait3A_35 = arith.constant 0 : i32
        %dma_wait3A_36 = tpu.memref_slice %dma_wait3A_33[%dma_wait3A_34, %dma_wait3A_35] : memref<10008x128xf32, #tpu.memory_space<hbm>> -> memref<24x128xf32, #tpu.memory_space<hbm>>
        %dma_wait3A_37 = arith.constant 9984 : i32
        %dma_wait3A_38 = arith.constant 0 : i32
        %dma_wait3A_39 = tpu.memref_slice %arg11[%dma_wait3A_37, %dma_wait3A_38] : memref<10008x128xf32, #tpu.memory_space<vmem_shared>> -> memref<24x128xf32, #tpu.memory_space<vmem_shared>>
        tpu.wait_dma2 semaphore(%run_scoped3A : memref<!tpu.dma_semaphore, #tpu.memory_space<semaphore_mem>>) src(%dma_wait3A_39 : memref<24x128xf32, #tpu.memory_space<vmem_shared>>) dst(%dma_wait3A_36 : memref<24x128xf32, #tpu.memory_space<hbm>>)
        tpu.yield
      }) : () -> ()
    } else {
    }
    return
  }
}

#map = affine_map<(d0, d1) -> (0, 0)>
#map1 = affine_map<(d0, d1) -> (0, 0, 0)>
module attributes {stable_mosaic.version = 14 : i64} {
  func.func @_agg_body(%arg0: i32, %arg1: i32, %arg2: memref<10008x128xf32, #tpu.memory_space<hbm>>, %arg3: memref<32x80x128xi32, #tpu.memory_space<hbm>>, %arg4: memref<32x80x128xi32, #tpu.memory_space<hbm>>, %arg5: memref<10008x128xf32, #tpu.memory_space<hbm>>, %arg6: memref<2x10008x128xf32, #tpu.memory_space<hbm>>, %arg7: memref<40x128xi32, #tpu.memory_space<vmem>>, %arg8: memref<40x128xi32, #tpu.memory_space<vmem>>, %arg9: memref<128x128xf32, #tpu.memory_space<vmem>>, %arg10: memref<128x128xf32, #tpu.memory_space<vmem>>, %arg11: memref<10008x128xf32, #tpu.memory_space<vmem_shared>>, %arg12: memref<!tpu.dma_semaphore, #tpu.memory_space<semaphore_mem>>, %arg13: memref<!tpu.dma_semaphore, #tpu.memory_space<semaphore_mem>>) attributes {dimension_semantics = [#tpu.dimension_semantics<core_parallel>, #tpu.dimension_semantics<subcore_parallel>], iteration_bounds = array<i64: 2, 16>, scalar_prefetch = 0 : i64, scratch_operands = 7 : i64, tpu.core_type = #tpu.core_type<sc_vector_subcore>, window_params = [{transform_indices = #map}, {transform_indices = #map1}, {transform_indices = #map1}, {transform_indices = #map}, {transform_indices = #map1}]} {
    %mul3A = arith.constant 624 : i32
    %mul3A_0 = arith.muli %arg1, %mul3A : i32
    %mul3A_1 = arith.constant 624 : i32
    %mul3A_2 = arith.muli %arg1, %mul3A_1 : i32
    "tpu.region"() ({
      %run_scoped3A = tpu.sem_alloc : memref<!tpu.dma_semaphore, #tpu.memory_space<semaphore_mem>>
      %dma_start3A = arith.constant 0 : i32
      %dma_start3A_22 = tpu.memref_slice %arg11[%mul3A_2, %dma_start3A] : memref<10008x128xf32, #tpu.memory_space<vmem_shared>> -> memref<624x128xf32, #tpu.memory_space<vmem_shared>>
      %dma_start3A_23 = arith.constant 0 : i32
      %dma_start3A_24 = tpu.memref_slice %arg5[%mul3A_0, %dma_start3A_23] : memref<10008x128xf32, #tpu.memory_space<hbm>> -> memref<624x128xf32, #tpu.memory_space<hbm>>
      tpu.enqueue_dma source(%dma_start3A_24 : memref<624x128xf32, #tpu.memory_space<hbm>>) target(%dma_start3A_22 : memref<624x128xf32, #tpu.memory_space<vmem_shared>>) target_semaphore(%run_scoped3A : memref<!tpu.dma_semaphore, #tpu.memory_space<semaphore_mem>>)
      %dma_wait3A = arith.constant 0 : i32
      %dma_wait3A_25 = tpu.memref_slice %arg11[%mul3A_2, %dma_wait3A] : memref<10008x128xf32, #tpu.memory_space<vmem_shared>> -> memref<624x128xf32, #tpu.memory_space<vmem_shared>>
      %dma_wait3A_26 = arith.constant 0 : i32
      %dma_wait3A_27 = tpu.memref_slice %arg5[%mul3A_0, %dma_wait3A_26] : memref<10008x128xf32, #tpu.memory_space<hbm>> -> memref<624x128xf32, #tpu.memory_space<hbm>>
      tpu.wait_dma2 semaphore(%run_scoped3A : memref<!tpu.dma_semaphore, #tpu.memory_space<semaphore_mem>>) src(%dma_wait3A_27 : memref<624x128xf32, #tpu.memory_space<hbm>>) dst(%dma_wait3A_25 : memref<624x128xf32, #tpu.memory_space<vmem_shared>>)
      tpu.yield
    }) : () -> ()
    %eq3A = arith.constant 0 : i32
    %eq3A_3 = arith.cmpi eq, %arg1, %eq3A : i32
    %convert_element_type3A = arith.extui %eq3A_3 : i1 to i32
    %cond3A = arith.constant 0 : i32
    %cond3A_4 = arith.cmpi ne, %convert_element_type3A, %cond3A : i32
    scf.if %cond3A_4 {
      "tpu.region"() ({
        %run_scoped3A = tpu.sem_alloc : memref<!tpu.dma_semaphore, #tpu.memory_space<semaphore_mem>>
        %dma_start3A = arith.constant 9984 : i32
        %dma_start3A_22 = arith.constant 0 : i32
        %dma_start3A_23 = tpu.memref_slice %arg11[%dma_start3A, %dma_start3A_22] : memref<10008x128xf32, #tpu.memory_space<vmem_shared>> -> memref<24x128xf32, #tpu.memory_space<vmem_shared>>
        %dma_start3A_24 = arith.constant 9984 : i32
        %dma_start3A_25 = arith.constant 0 : i32
        %dma_start3A_26 = tpu.memref_slice %arg5[%dma_start3A_24, %dma_start3A_25] : memref<10008x128xf32, #tpu.memory_space<hbm>> -> memref<24x128xf32, #tpu.memory_space<hbm>>
        tpu.enqueue_dma source(%dma_start3A_26 : memref<24x128xf32, #tpu.memory_space<hbm>>) target(%dma_start3A_23 : memref<24x128xf32, #tpu.memory_space<vmem_shared>>) target_semaphore(%run_scoped3A : memref<!tpu.dma_semaphore, #tpu.memory_space<semaphore_mem>>)
        %dma_wait3A = arith.constant 9984 : i32
        %dma_wait3A_27 = arith.constant 0 : i32
        %dma_wait3A_28 = tpu.memref_slice %arg11[%dma_wait3A, %dma_wait3A_27] : memref<10008x128xf32, #tpu.memory_space<vmem_shared>> -> memref<24x128xf32, #tpu.memory_space<vmem_shared>>
        %dma_wait3A_29 = arith.constant 9984 : i32
        %dma_wait3A_30 = arith.constant 0 : i32
        %dma_wait3A_31 = tpu.memref_slice %arg5[%dma_wait3A_29, %dma_wait3A_30] : memref<10008x128xf32, #tpu.memory_space<hbm>> -> memref<24x128xf32, #tpu.memory_space<hbm>>
        tpu.wait_dma2 semaphore(%run_scoped3A : memref<!tpu.dma_semaphore, #tpu.memory_space<semaphore_mem>>) src(%dma_wait3A_31 : memref<24x128xf32, #tpu.memory_space<hbm>>) dst(%dma_wait3A_28 : memref<24x128xf32, #tpu.memory_space<vmem_shared>>)
        tpu.yield
      }) : () -> ()
    } else {
    }
    %barrier3A = arith.constant 0 : index
    tpu.barrier barrier_id(%barrier3A)
    %mul3A_5 = arith.constant 16 : i32
    %mul3A_6 = arith.muli %arg0, %mul3A_5 : i32
    %add3A = arith.addi %mul3A_6, %arg1 : i32
    %scan3A = arith.constant 0 : i32
    %scan3A_7 = arith.constant 0 : i32
    %scan3A_8 = arith.constant 2 : i32
    %scan3A_9 = arith.addi %scan3A_7, %scan3A_8 : i32
    %scan3A_10 = arith.constant 1 : i32
    scf.for %scan3A_22 = %scan3A_7 to %scan3A_9 step %scan3A_10  : i32 {
      %mul3A_23 = arith.constant 40 : i32
      %mul3A_24 = arith.muli %scan3A_22, %mul3A_23 : i32
      "tpu.region"() ({
        %run_scoped3A = tpu.sem_alloc : memref<!tpu.dma_semaphore, #tpu.memory_space<semaphore_mem>>
        %dma_start3A_46 = arith.constant 0 : i32
        %dma_start3A_47 = tpu.memref_slice %arg3[%add3A, %mul3A_24, %dma_start3A_46] : memref<32x80x128xi32, #tpu.memory_space<hbm>> -> memref<1x40x128xi32, #tpu.memory_space<hbm>>
        %dma_start3A_48 = tpu.memref_squeeze %dma_start3A_47 : memref<1x40x128xi32, #tpu.memory_space<hbm>> -> memref<40x128xi32, #tpu.memory_space<hbm>>
        %dma_start3A_49 = arith.constant 0 : i32
        %dma_start3A_50 = tpu.memref_slice %arg3[%add3A, %mul3A_24, %dma_start3A_49] : memref<32x80x128xi32, #tpu.memory_space<hbm>> -> memref<1x40x128xi32, #tpu.memory_space<hbm>>
        %dma_start3A_51 = tpu.memref_squeeze %dma_start3A_50 : memref<1x40x128xi32, #tpu.memory_space<hbm>> -> memref<40x128xi32, #tpu.memory_space<hbm>>
        tpu.enqueue_dma source(%dma_start3A_51 : memref<40x128xi32, #tpu.memory_space<hbm>>) target(%arg7 : memref<40x128xi32, #tpu.memory_space<vmem>>) target_semaphore(%run_scoped3A : memref<!tpu.dma_semaphore, #tpu.memory_space<semaphore_mem>>)
        %dma_wait3A = arith.constant 0 : i32
        %dma_wait3A_52 = tpu.memref_slice %arg3[%add3A, %mul3A_24, %dma_wait3A] : memref<32x80x128xi32, #tpu.memory_space<hbm>> -> memref<1x40x128xi32, #tpu.memory_space<hbm>>
        %dma_wait3A_53 = tpu.memref_squeeze %dma_wait3A_52 : memref<1x40x128xi32, #tpu.memory_space<hbm>> -> memref<40x128xi32, #tpu.memory_space<hbm>>
        %dma_wait3A_54 = arith.constant 0 : i32
        %dma_wait3A_55 = tpu.memref_slice %arg3[%add3A, %mul3A_24, %dma_wait3A_54] : memref<32x80x128xi32, #tpu.memory_space<hbm>> -> memref<1x40x128xi32, #tpu.memory_space<hbm>>
        %dma_wait3A_56 = tpu.memref_squeeze %dma_wait3A_55 : memref<1x40x128xi32, #tpu.memory_space<hbm>> -> memref<40x128xi32, #tpu.memory_space<hbm>>
        tpu.wait_dma2 semaphore(%run_scoped3A : memref<!tpu.dma_semaphore, #tpu.memory_space<semaphore_mem>>) src(%dma_wait3A_56 : memref<40x128xi32, #tpu.memory_space<hbm>>) dst(%arg7 : memref<40x128xi32, #tpu.memory_space<vmem>>)
        tpu.yield
      }) : () -> ()
      %mul3A_25 = arith.constant 40 : i32
      %mul3A_26 = arith.muli %scan3A_22, %mul3A_25 : i32
      "tpu.region"() ({
        %run_scoped3A = tpu.sem_alloc : memref<!tpu.dma_semaphore, #tpu.memory_space<semaphore_mem>>
        %dma_start3A_46 = arith.constant 0 : i32
        %dma_start3A_47 = tpu.memref_slice %arg4[%add3A, %mul3A_26, %dma_start3A_46] : memref<32x80x128xi32, #tpu.memory_space<hbm>> -> memref<1x40x128xi32, #tpu.memory_space<hbm>>
        %dma_start3A_48 = tpu.memref_squeeze %dma_start3A_47 : memref<1x40x128xi32, #tpu.memory_space<hbm>> -> memref<40x128xi32, #tpu.memory_space<hbm>>
        %dma_start3A_49 = arith.constant 0 : i32
        %dma_start3A_50 = tpu.memref_slice %arg4[%add3A, %mul3A_26, %dma_start3A_49] : memref<32x80x128xi32, #tpu.memory_space<hbm>> -> memref<1x40x128xi32, #tpu.memory_space<hbm>>
        %dma_start3A_51 = tpu.memref_squeeze %dma_start3A_50 : memref<1x40x128xi32, #tpu.memory_space<hbm>> -> memref<40x128xi32, #tpu.memory_space<hbm>>
        tpu.enqueue_dma source(%dma_start3A_51 : memref<40x128xi32, #tpu.memory_space<hbm>>) target(%arg8 : memref<40x128xi32, #tpu.memory_space<vmem>>) target_semaphore(%run_scoped3A : memref<!tpu.dma_semaphore, #tpu.memory_space<semaphore_mem>>)
        %dma_wait3A = arith.constant 0 : i32
        %dma_wait3A_52 = tpu.memref_slice %arg4[%add3A, %mul3A_26, %dma_wait3A] : memref<32x80x128xi32, #tpu.memory_space<hbm>> -> memref<1x40x128xi32, #tpu.memory_space<hbm>>
        %dma_wait3A_53 = tpu.memref_squeeze %dma_wait3A_52 : memref<1x40x128xi32, #tpu.memory_space<hbm>> -> memref<40x128xi32, #tpu.memory_space<hbm>>
        %dma_wait3A_54 = arith.constant 0 : i32
        %dma_wait3A_55 = tpu.memref_slice %arg4[%add3A, %mul3A_26, %dma_wait3A_54] : memref<32x80x128xi32, #tpu.memory_space<hbm>> -> memref<1x40x128xi32, #tpu.memory_space<hbm>>
        %dma_wait3A_56 = tpu.memref_squeeze %dma_wait3A_55 : memref<1x40x128xi32, #tpu.memory_space<hbm>> -> memref<40x128xi32, #tpu.memory_space<hbm>>
        tpu.wait_dma2 semaphore(%run_scoped3A : memref<!tpu.dma_semaphore, #tpu.memory_space<semaphore_mem>>) src(%dma_wait3A_56 : memref<40x128xi32, #tpu.memory_space<hbm>>) dst(%arg8 : memref<40x128xi32, #tpu.memory_space<vmem>>)
        tpu.yield
      }) : () -> ()
      %dma_start3A = arith.constant 0 : i32
      %dma_start3A_27 = arith.constant 0 : i32
      %dma_start3A_28 = tpu.memref_slice %arg7[%dma_start3A, %dma_start3A_27] : memref<40x128xi32, #tpu.memory_space<vmem>> -> memref<1x128xi32, #tpu.memory_space<vmem>>
      %dma_start3A_29 = tpu.memref_squeeze %dma_start3A_28 : memref<1x128xi32, #tpu.memory_space<vmem>> -> memref<128xi32, #tpu.memory_space<vmem>>
      %dma_start3A_30 = arith.constant 0 : i32
      %dma_start3A_31 = arith.constant 0 : i32
      %dma_start3A_32 = tpu.memref_slice %arg2[%dma_start3A_30, %dma_start3A_31] : memref<10008x128xf32, #tpu.memory_space<hbm>> -> memref<10008x128xf32, #tpu.memory_space<hbm>>
      tpu.enqueue_indirect_dma source(%dma_start3A_32 : memref<10008x128xf32, #tpu.memory_space<hbm>>) target(%arg9 : memref<128x128xf32, #tpu.memory_space<vmem>>) offsets(%dma_start3A_29 : memref<128xi32, #tpu.memory_space<vmem>>) semaphore(%arg12 : memref<!tpu.dma_semaphore, #tpu.memory_space<semaphore_mem>>)
      %dma_start3A_33 = arith.constant 1 : i32
      %dma_start3A_34 = arith.constant 0 : i32
      %dma_start3A_35 = tpu.memref_slice %arg7[%dma_start3A_33, %dma_start3A_34] : memref<40x128xi32, #tpu.memory_space<vmem>> -> memref<1x128xi32, #tpu.memory_space<vmem>>
      %dma_start3A_36 = tpu.memref_squeeze %dma_start3A_35 : memref<1x128xi32, #tpu.memory_space<vmem>> -> memref<128xi32, #tpu.memory_space<vmem>>
      %dma_start3A_37 = arith.constant 0 : i32
      %dma_start3A_38 = arith.constant 0 : i32
      %dma_start3A_39 = tpu.memref_slice %arg2[%dma_start3A_37, %dma_start3A_38] : memref<10008x128xf32, #tpu.memory_space<hbm>> -> memref<10008x128xf32, #tpu.memory_space<hbm>>
      tpu.enqueue_indirect_dma source(%dma_start3A_39 : memref<10008x128xf32, #tpu.memory_space<hbm>>) target(%arg10 : memref<128x128xf32, #tpu.memory_space<vmem>>) offsets(%dma_start3A_36 : memref<128xi32, #tpu.memory_space<vmem>>) semaphore(%arg13 : memref<!tpu.dma_semaphore, #tpu.memory_space<semaphore_mem>>)
      %scan3A_40 = arith.constant 0 : i32
      %scan3A_41 = arith.constant 0 : i32
      %scan3A_42 = arith.constant 20 : i32
      %scan3A_43 = arith.addi %scan3A_41, %scan3A_42 : i32
      %scan3A_44 = arith.constant 1 : i32
      scf.for %scan3A_46 = %scan3A_41 to %scan3A_43 step %scan3A_44  : i32 {
        %mul3A_47 = arith.constant 2 : i32
        %mul3A_48 = arith.muli %mul3A_47, %scan3A_46 : i32
        %dma_wait3A = arith.constant 0 : i32
        %dma_wait3A_49 = arith.constant 0 : i32
        %dma_wait3A_50 = tpu.memref_slice %arg7[%dma_wait3A, %dma_wait3A_49] : memref<40x128xi32, #tpu.memory_space<vmem>> -> memref<1x128xi32, #tpu.memory_space<vmem>>
        %dma_wait3A_51 = tpu.memref_squeeze %dma_wait3A_50 : memref<1x128xi32, #tpu.memory_space<vmem>> -> memref<128xi32, #tpu.memory_space<vmem>>
        %dma_wait3A_52 = arith.constant 0 : i32
        %dma_wait3A_53 = arith.constant 0 : i32
        %dma_wait3A_54 = tpu.memref_slice %arg2[%dma_wait3A_52, %dma_wait3A_53] : memref<10008x128xf32, #tpu.memory_space<hbm>> -> memref<10008x128xf32, #tpu.memory_space<hbm>>
        tpu.wait_indirect_dma semaphore(%arg12 : memref<!tpu.dma_semaphore, #tpu.memory_space<semaphore_mem>>) src(%dma_wait3A_54 : memref<10008x128xf32, #tpu.memory_space<hbm>>) dst(%arg9 : memref<128x128xf32, #tpu.memory_space<vmem>>)
        "tpu.region"() ({
          %run_scoped3A = tpu.sem_alloc : memref<!tpu.dma_semaphore, #tpu.memory_space<semaphore_mem>>
          %dma_start3A_77 = arith.constant 0 : i32
          %dma_start3A_78 = tpu.memref_slice %arg8[%mul3A_48, %dma_start3A_77] : memref<40x128xi32, #tpu.memory_space<vmem>> -> memref<1x128xi32, #tpu.memory_space<vmem>>
          %dma_start3A_79 = tpu.memref_squeeze %dma_start3A_78 : memref<1x128xi32, #tpu.memory_space<vmem>> -> memref<128xi32, #tpu.memory_space<vmem>>
          %dma_start3A_80 = arith.constant 0 : i32
          %dma_start3A_81 = arith.constant 0 : i32
          %dma_start3A_82 = tpu.memref_slice %arg11[%dma_start3A_80, %dma_start3A_81] : memref<10008x128xf32, #tpu.memory_space<vmem_shared>> -> memref<10008x128xf32, #tpu.memory_space<vmem_shared>>
          tpu.enqueue_indirect_dma source(%arg9 : memref<128x128xf32, #tpu.memory_space<vmem>>) target(%dma_start3A_82 : memref<10008x128xf32, #tpu.memory_space<vmem_shared>>) offsets(%dma_start3A_79 : memref<128xi32, #tpu.memory_space<vmem>>) semaphore(%run_scoped3A : memref<!tpu.dma_semaphore, #tpu.memory_space<semaphore_mem>>) {add = true}
          %dma_wait3A_83 = arith.constant 0 : i32
          %dma_wait3A_84 = tpu.memref_slice %arg8[%mul3A_48, %dma_wait3A_83] : memref<40x128xi32, #tpu.memory_space<vmem>> -> memref<1x128xi32, #tpu.memory_space<vmem>>
          %dma_wait3A_85 = tpu.memref_squeeze %dma_wait3A_84 : memref<1x128xi32, #tpu.memory_space<vmem>> -> memref<128xi32, #tpu.memory_space<vmem>>
          %dma_wait3A_86 = arith.constant 0 : i32
          %dma_wait3A_87 = arith.constant 0 : i32
          %dma_wait3A_88 = tpu.memref_slice %arg11[%dma_wait3A_86, %dma_wait3A_87] : memref<10008x128xf32, #tpu.memory_space<vmem_shared>> -> memref<10008x128xf32, #tpu.memory_space<vmem_shared>>
          tpu.wait_indirect_dma semaphore(%run_scoped3A : memref<!tpu.dma_semaphore, #tpu.memory_space<semaphore_mem>>) src(%arg9 : memref<128x128xf32, #tpu.memory_space<vmem>>) dst(%dma_wait3A_88 : memref<10008x128xf32, #tpu.memory_space<vmem_shared>>)
          tpu.yield
        }) : () -> ()
        %add3A_55 = arith.constant 2 : i32
        %add3A_56 = arith.addi %mul3A_48, %add3A_55 : i32
        %lt3A = arith.constant 40 : i32
        %lt3A_57 = arith.cmpi slt, %add3A_56, %lt3A : i32
        %convert_element_type3A_58 = arith.extui %lt3A_57 : i1 to i32
        %cond3A_59 = arith.constant 0 : i32
        %cond3A_60 = arith.cmpi ne, %convert_element_type3A_58, %cond3A_59 : i32
        scf.if %cond3A_60 {
          %add3A_77 = arith.constant 2 : i32
          %add3A_78 = arith.addi %mul3A_48, %add3A_77 : i32
          %dma_start3A_79 = arith.constant 0 : i32
          %dma_start3A_80 = tpu.memref_slice %arg7[%add3A_78, %dma_start3A_79] : memref<40x128xi32, #tpu.memory_space<vmem>> -> memref<1x128xi32, #tpu.memory_space<vmem>>
          %dma_start3A_81 = tpu.memref_squeeze %dma_start3A_80 : memref<1x128xi32, #tpu.memory_space<vmem>> -> memref<128xi32, #tpu.memory_space<vmem>>
          %dma_start3A_82 = arith.constant 0 : i32
          %dma_start3A_83 = arith.constant 0 : i32
          %dma_start3A_84 = tpu.memref_slice %arg2[%dma_start3A_82, %dma_start3A_83] : memref<10008x128xf32, #tpu.memory_space<hbm>> -> memref<10008x128xf32, #tpu.memory_space<hbm>>
          tpu.enqueue_indirect_dma source(%dma_start3A_84 : memref<10008x128xf32, #tpu.memory_space<hbm>>) target(%arg9 : memref<128x128xf32, #tpu.memory_space<vmem>>) offsets(%dma_start3A_81 : memref<128xi32, #tpu.memory_space<vmem>>) semaphore(%arg12 : memref<!tpu.dma_semaphore, #tpu.memory_space<semaphore_mem>>)
        } else {
        }
        %dma_wait3A_61 = arith.constant 1 : i32
        %dma_wait3A_62 = arith.constant 0 : i32
        %dma_wait3A_63 = tpu.memref_slice %arg7[%dma_wait3A_61, %dma_wait3A_62] : memref<40x128xi32, #tpu.memory_space<vmem>> -> memref<1x128xi32, #tpu.memory_space<vmem>>
        %dma_wait3A_64 = tpu.memref_squeeze %dma_wait3A_63 : memref<1x128xi32, #tpu.memory_space<vmem>> -> memref<128xi32, #tpu.memory_space<vmem>>
        %dma_wait3A_65 = arith.constant 0 : i32
        %dma_wait3A_66 = arith.constant 0 : i32
        %dma_wait3A_67 = tpu.memref_slice %arg2[%dma_wait3A_65, %dma_wait3A_66] : memref<10008x128xf32, #tpu.memory_space<hbm>> -> memref<10008x128xf32, #tpu.memory_space<hbm>>
        tpu.wait_indirect_dma semaphore(%arg13 : memref<!tpu.dma_semaphore, #tpu.memory_space<semaphore_mem>>) src(%dma_wait3A_67 : memref<10008x128xf32, #tpu.memory_space<hbm>>) dst(%arg10 : memref<128x128xf32, #tpu.memory_space<vmem>>)
        %add3A_68 = arith.constant 1 : i32
        %add3A_69 = arith.addi %mul3A_48, %add3A_68 : i32
        "tpu.region"() ({
          %run_scoped3A = tpu.sem_alloc : memref<!tpu.dma_semaphore, #tpu.memory_space<semaphore_mem>>
          %dma_start3A_77 = arith.constant 0 : i32
          %dma_start3A_78 = tpu.memref_slice %arg8[%add3A_69, %dma_start3A_77] : memref<40x128xi32, #tpu.memory_space<vmem>> -> memref<1x128xi32, #tpu.memory_space<vmem>>
          %dma_start3A_79 = tpu.memref_squeeze %dma_start3A_78 : memref<1x128xi32, #tpu.memory_space<vmem>> -> memref<128xi32, #tpu.memory_space<vmem>>
          %dma_start3A_80 = arith.constant 0 : i32
          %dma_start3A_81 = arith.constant 0 : i32
          %dma_start3A_82 = tpu.memref_slice %arg11[%dma_start3A_80, %dma_start3A_81] : memref<10008x128xf32, #tpu.memory_space<vmem_shared>> -> memref<10008x128xf32, #tpu.memory_space<vmem_shared>>
          tpu.enqueue_indirect_dma source(%arg10 : memref<128x128xf32, #tpu.memory_space<vmem>>) target(%dma_start3A_82 : memref<10008x128xf32, #tpu.memory_space<vmem_shared>>) offsets(%dma_start3A_79 : memref<128xi32, #tpu.memory_space<vmem>>) semaphore(%run_scoped3A : memref<!tpu.dma_semaphore, #tpu.memory_space<semaphore_mem>>) {add = true}
          %dma_wait3A_83 = arith.constant 0 : i32
          %dma_wait3A_84 = tpu.memref_slice %arg8[%add3A_69, %dma_wait3A_83] : memref<40x128xi32, #tpu.memory_space<vmem>> -> memref<1x128xi32, #tpu.memory_space<vmem>>
          %dma_wait3A_85 = tpu.memref_squeeze %dma_wait3A_84 : memref<1x128xi32, #tpu.memory_space<vmem>> -> memref<128xi32, #tpu.memory_space<vmem>>
          %dma_wait3A_86 = arith.constant 0 : i32
          %dma_wait3A_87 = arith.constant 0 : i32
          %dma_wait3A_88 = tpu.memref_slice %arg11[%dma_wait3A_86, %dma_wait3A_87] : memref<10008x128xf32, #tpu.memory_space<vmem_shared>> -> memref<10008x128xf32, #tpu.memory_space<vmem_shared>>
          tpu.wait_indirect_dma semaphore(%run_scoped3A : memref<!tpu.dma_semaphore, #tpu.memory_space<semaphore_mem>>) src(%arg10 : memref<128x128xf32, #tpu.memory_space<vmem>>) dst(%dma_wait3A_88 : memref<10008x128xf32, #tpu.memory_space<vmem_shared>>)
          tpu.yield
        }) : () -> ()
        %add3A_70 = arith.constant 3 : i32
        %add3A_71 = arith.addi %mul3A_48, %add3A_70 : i32
        %lt3A_72 = arith.constant 40 : i32
        %lt3A_73 = arith.cmpi slt, %add3A_71, %lt3A_72 : i32
        %convert_element_type3A_74 = arith.extui %lt3A_73 : i1 to i32
        %cond3A_75 = arith.constant 0 : i32
        %cond3A_76 = arith.cmpi ne, %convert_element_type3A_74, %cond3A_75 : i32
        scf.if %cond3A_76 {
          %add3A_77 = arith.constant 3 : i32
          %add3A_78 = arith.addi %mul3A_48, %add3A_77 : i32
          %dma_start3A_79 = arith.constant 0 : i32
          %dma_start3A_80 = tpu.memref_slice %arg7[%add3A_78, %dma_start3A_79] : memref<40x128xi32, #tpu.memory_space<vmem>> -> memref<1x128xi32, #tpu.memory_space<vmem>>
          %dma_start3A_81 = tpu.memref_squeeze %dma_start3A_80 : memref<1x128xi32, #tpu.memory_space<vmem>> -> memref<128xi32, #tpu.memory_space<vmem>>
          %dma_start3A_82 = arith.constant 0 : i32
          %dma_start3A_83 = arith.constant 0 : i32
          %dma_start3A_84 = tpu.memref_slice %arg2[%dma_start3A_82, %dma_start3A_83] : memref<10008x128xf32, #tpu.memory_space<hbm>> -> memref<10008x128xf32, #tpu.memory_space<hbm>>
          tpu.enqueue_indirect_dma source(%dma_start3A_84 : memref<10008x128xf32, #tpu.memory_space<hbm>>) target(%arg10 : memref<128x128xf32, #tpu.memory_space<vmem>>) offsets(%dma_start3A_81 : memref<128xi32, #tpu.memory_space<vmem>>) semaphore(%arg13 : memref<!tpu.dma_semaphore, #tpu.memory_space<semaphore_mem>>)
        } else {
        }
      }
      %scan3A_45 = arith.constant 20 : i32
    }
    %scan3A_11 = arith.constant 2 : i32
    %barrier3A_12 = arith.constant 0 : index
    tpu.barrier barrier_id(%barrier3A_12)
    %mul3A_13 = arith.constant 624 : i32
    %mul3A_14 = arith.muli %arg1, %mul3A_13 : i32
    %mul3A_15 = arith.constant 624 : i32
    %mul3A_16 = arith.muli %arg1, %mul3A_15 : i32
    "tpu.region"() ({
      %run_scoped3A = tpu.sem_alloc : memref<!tpu.dma_semaphore, #tpu.memory_space<semaphore_mem>>
      %dma_start3A = arith.constant 0 : i32
      %dma_start3A_22 = arith.constant 0 : i32
      %dma_start3A_23 = tpu.memref_slice %arg6[%arg0, %dma_start3A, %dma_start3A_22] : memref<2x10008x128xf32, #tpu.memory_space<hbm>> -> memref<1x10008x128xf32, #tpu.memory_space<hbm>>
      %dma_start3A_24 = tpu.memref_squeeze %dma_start3A_23 : memref<1x10008x128xf32, #tpu.memory_space<hbm>> -> memref<10008x128xf32, #tpu.memory_space<hbm>>
      %dma_start3A_25 = arith.constant 0 : i32
      %dma_start3A_26 = tpu.memref_slice %dma_start3A_24[%mul3A_16, %dma_start3A_25] : memref<10008x128xf32, #tpu.memory_space<hbm>> -> memref<624x128xf32, #tpu.memory_space<hbm>>
      %dma_start3A_27 = arith.constant 0 : i32
      %dma_start3A_28 = tpu.memref_slice %arg11[%mul3A_14, %dma_start3A_27] : memref<10008x128xf32, #tpu.memory_space<vmem_shared>> -> memref<624x128xf32, #tpu.memory_space<vmem_shared>>
      tpu.enqueue_dma source(%dma_start3A_28 : memref<624x128xf32, #tpu.memory_space<vmem_shared>>) target(%dma_start3A_26 : memref<624x128xf32, #tpu.memory_space<hbm>>) target_semaphore(%run_scoped3A : memref<!tpu.dma_semaphore, #tpu.memory_space<semaphore_mem>>)
      %dma_wait3A = arith.constant 0 : i32
      %dma_wait3A_29 = arith.constant 0 : i32
      %dma_wait3A_30 = tpu.memref_slice %arg6[%arg0, %dma_wait3A, %dma_wait3A_29] : memref<2x10008x128xf32, #tpu.memory_space<hbm>> -> memref<1x10008x128xf32, #tpu.memory_space<hbm>>
      %dma_wait3A_31 = tpu.memref_squeeze %dma_wait3A_30 : memref<1x10008x128xf32, #tpu.memory_space<hbm>> -> memref<10008x128xf32, #tpu.memory_space<hbm>>
      %dma_wait3A_32 = arith.constant 0 : i32
      %dma_wait3A_33 = tpu.memref_slice %dma_wait3A_31[%mul3A_16, %dma_wait3A_32] : memref<10008x128xf32, #tpu.memory_space<hbm>> -> memref<624x128xf32, #tpu.memory_space<hbm>>
      %dma_wait3A_34 = arith.constant 0 : i32
      %dma_wait3A_35 = tpu.memref_slice %arg11[%mul3A_14, %dma_wait3A_34] : memref<10008x128xf32, #tpu.memory_space<vmem_shared>> -> memref<624x128xf32, #tpu.memory_space<vmem_shared>>
      tpu.wait_dma2 semaphore(%run_scoped3A : memref<!tpu.dma_semaphore, #tpu.memory_space<semaphore_mem>>) src(%dma_wait3A_35 : memref<624x128xf32, #tpu.memory_space<vmem_shared>>) dst(%dma_wait3A_33 : memref<624x128xf32, #tpu.memory_space<hbm>>)
      tpu.yield
    }) : () -> ()
    %eq3A_17 = arith.constant 0 : i32
    %eq3A_18 = arith.cmpi eq, %arg1, %eq3A_17 : i32
    %convert_element_type3A_19 = arith.extui %eq3A_18 : i1 to i32
    %cond3A_20 = arith.constant 0 : i32
    %cond3A_21 = arith.cmpi ne, %convert_element_type3A_19, %cond3A_20 : i32
    scf.if %cond3A_21 {
      "tpu.region"() ({
        %run_scoped3A = tpu.sem_alloc : memref<!tpu.dma_semaphore, #tpu.memory_space<semaphore_mem>>
        %dma_start3A = arith.constant 0 : i32
        %dma_start3A_22 = arith.constant 0 : i32
        %dma_start3A_23 = tpu.memref_slice %arg6[%arg0, %dma_start3A, %dma_start3A_22] : memref<2x10008x128xf32, #tpu.memory_space<hbm>> -> memref<1x10008x128xf32, #tpu.memory_space<hbm>>
        %dma_start3A_24 = tpu.memref_squeeze %dma_start3A_23 : memref<1x10008x128xf32, #tpu.memory_space<hbm>> -> memref<10008x128xf32, #tpu.memory_space<hbm>>
        %dma_start3A_25 = arith.constant 9984 : i32
        %dma_start3A_26 = arith.constant 0 : i32
        %dma_start3A_27 = tpu.memref_slice %dma_start3A_24[%dma_start3A_25, %dma_start3A_26] : memref<10008x128xf32, #tpu.memory_space<hbm>> -> memref<24x128xf32, #tpu.memory_space<hbm>>
        %dma_start3A_28 = arith.constant 9984 : i32
        %dma_start3A_29 = arith.constant 0 : i32
        %dma_start3A_30 = tpu.memref_slice %arg11[%dma_start3A_28, %dma_start3A_29] : memref<10008x128xf32, #tpu.memory_space<vmem_shared>> -> memref<24x128xf32, #tpu.memory_space<vmem_shared>>
        tpu.enqueue_dma source(%dma_start3A_30 : memref<24x128xf32, #tpu.memory_space<vmem_shared>>) target(%dma_start3A_27 : memref<24x128xf32, #tpu.memory_space<hbm>>) target_semaphore(%run_scoped3A : memref<!tpu.dma_semaphore, #tpu.memory_space<semaphore_mem>>)
        %dma_wait3A = arith.constant 0 : i32
        %dma_wait3A_31 = arith.constant 0 : i32
        %dma_wait3A_32 = tpu.memref_slice %arg6[%arg0, %dma_wait3A, %dma_wait3A_31] : memref<2x10008x128xf32, #tpu.memory_space<hbm>> -> memref<1x10008x128xf32, #tpu.memory_space<hbm>>
        %dma_wait3A_33 = tpu.memref_squeeze %dma_wait3A_32 : memref<1x10008x128xf32, #tpu.memory_space<hbm>> -> memref<10008x128xf32, #tpu.memory_space<hbm>>
        %dma_wait3A_34 = arith.constant 9984 : i32
        %dma_wait3A_35 = arith.constant 0 : i32
        %dma_wait3A_36 = tpu.memref_slice %dma_wait3A_33[%dma_wait3A_34, %dma_wait3A_35] : memref<10008x128xf32, #tpu.memory_space<hbm>> -> memref<24x128xf32, #tpu.memory_space<hbm>>
        %dma_wait3A_37 = arith.constant 9984 : i32
        %dma_wait3A_38 = arith.constant 0 : i32
        %dma_wait3A_39 = tpu.memref_slice %arg11[%dma_wait3A_37, %dma_wait3A_38] : memref<10008x128xf32, #tpu.memory_space<vmem_shared>> -> memref<24x128xf32, #tpu.memory_space<vmem_shared>>
        tpu.wait_dma2 semaphore(%run_scoped3A : memref<!tpu.dma_semaphore, #tpu.memory_space<semaphore_mem>>) src(%dma_wait3A_39 : memref<24x128xf32, #tpu.memory_space<vmem_shared>>) dst(%dma_wait3A_36 : memref<24x128xf32, #tpu.memory_space<hbm>>)
        tpu.yield
      }) : () -> ()
    } else {
    }
    return
  }
}

module attributes {stable_mosaic.version = 14 : i64} {
  func.func @_mm_body(%arg0: i32, %arg1: memref<1112x128xf32, #tpu.memory_space<vmem>>, %arg2: memref<128x128xf32, #tpu.memory_space<vmem>>, %arg3: memref<1112x128xf32, #tpu.memory_space<vmem>>) attributes {dimension_semantics = [#tpu.dimension_semantics<arbitrary>], iteration_bounds = array<i64: 9>, scalar_prefetch = 0 : i64, scratch_operands = 0 : i64, tpu.core_type = #tpu.core_type<tc>, window_params = [{transform_indices = @transform_0, window_bounds = array<i64: 1112, 128>}, {pipeline_mode = #tpu.pipeline_mode<synchronous>, transform_indices = @transform_1, window_bounds = array<i64: 128, 128>}, {transform_indices = @transform_2, window_bounds = array<i64: 1112, 128>}]} {
    %get3A = arith.constant 0 : index
    %get3A_0 = arith.constant 0 : index
    %get3A_1 = vector.load %arg1[%get3A, %get3A_0] : memref<1112x128xf32, #tpu.memory_space<vmem>>, vector<1112x128xf32>
    %get3A_2 = arith.constant 0 : index
    %get3A_3 = arith.constant 0 : index
    %get3A_4 = vector.load %arg2[%get3A_2, %get3A_3] : memref<128x128xf32, #tpu.memory_space<vmem>>, vector<128x128xf32>
    %dot_general3A = arith.constant dense<0.000000e+00> : vector<1112x128xf32>
    %dot_general3A_5 = tpu.matmul %get3A_1, %get3A_4, %dot_general3A {dimension_numbers = #tpu.dot_dimension_numbers<[1], [0], [0], [1], [0, 0, 1, 1], [], []>, precision = #tpu.contract_precision<fp32>, transpose_lhs_hint = false} : vector<1112x128xf32>, vector<128x128xf32>, vector<1112x128xf32> -> vector<1112x128xf32>
    %swap3A = arith.constant 0 : index
    %swap3A_6 = arith.constant 0 : index
    %swap3A_7 = vector.load %arg3[%swap3A, %swap3A_6] : memref<1112x128xf32, #tpu.memory_space<vmem>>, vector<1112x128xf32>
    tpu.vector_store %arg3[%swap3A, %swap3A_6], %dot_general3A_5 {strides = array<i32>} : memref<1112x128xf32, #tpu.memory_space<vmem>>, vector<1112x128xf32>,
    return
  }
  func.func @transform_0(%arg0: i32) -> (i32, i32) {
    %c0_i32 = arith.constant 0 : i32
    %c0_i32_0 = arith.constant 0 : i32
    return %arg0, %c0_i32 : i32, i32
  }
  func.func @transform_1(%arg0: i32) -> (i32, i32) {
    %c0_i32 = arith.constant 0 : i32
    %c0_i32_0 = arith.constant 0 : i32
    %c0_i32_1 = arith.constant 0 : i32
    return %c0_i32, %c0_i32_0 : i32, i32
  }
  func.func @transform_2(%arg0: i32) -> (i32, i32) {
    %c0_i32 = arith.constant 0 : i32
    %c0_i32_0 = arith.constant 0 : i32
    return %arg0, %c0_i32 : i32, i32
  }
}

module attributes {stable_mosaic.version = 14 : i64} {
  func.func @_scale_body(%arg0: i32, %arg1: memref<2x1112x128xf32, #tpu.memory_space<vmem>>, %arg2: memref<1112x128xf32, #tpu.memory_space<vmem>>, %arg3: memref<1112x1xf32, #tpu.memory_space<vmem>>, %arg4: memref<1112x128xf32, #tpu.memory_space<vmem>>) attributes {dimension_semantics = [#tpu.dimension_semantics<arbitrary>], iteration_bounds = array<i64: 9>, scalar_prefetch = 0 : i64, scratch_operands = 0 : i64, tpu.core_type = #tpu.core_type<tc>, window_params = [{transform_indices = @transform_0, window_bounds = array<i64: 2, 1112, 128>}, {transform_indices = @transform_1, window_bounds = array<i64: 1112, 128>}, {transform_indices = @transform_2, window_bounds = array<i64: 1112, 1>}, {transform_indices = @transform_3, window_bounds = array<i64: 1112, 128>}]} {
    %get3A = arith.constant 0 : index
    %get3A_0 = arith.constant 0 : index
    %get3A_1 = arith.constant 0 : index
    %get3A_2 = vector.load %arg1[%get3A, %get3A_0, %get3A_1] : memref<2x1112x128xf32, #tpu.memory_space<vmem>>, vector<1x1112x1xf32>
    %get3A_3 = vector.shape_cast %get3A_2 : vector<1x1112x1xf32> to vector<1112x1xf32>
    %get3A_4 = arith.constant 1 : index
    %get3A_5 = arith.constant 0 : index
    %get3A_6 = arith.constant 0 : index
    %get3A_7 = vector.load %arg1[%get3A_4, %get3A_5, %get3A_6] : memref<2x1112x128xf32, #tpu.memory_space<vmem>>, vector<1x1112x1xf32>
    %get3A_8 = vector.shape_cast %get3A_7 : vector<1x1112x1xf32> to vector<1112x1xf32>
    %add3A = arith.addf %get3A_3, %get3A_8 : vector<1112x1xf32>
    %add3A_9 = arith.constant 1.000000e+00 : f32
    %add3A_10 = vector.broadcast %add3A_9 : f32 to vector<1112x1xf32>
    %add3A_11 = arith.addf %add3A, %add3A_10 : vector<1112x1xf32>
    %max3A = arith.constant 1.000000e+00 : f32
    %max3A_12 = vector.broadcast %max3A : f32 to vector<1112x1xf32>
    %max3A_13 = arith.maximumf %add3A_11, %max3A_12 : vector<1112x1xf32>
    %rsqrt3A = math.rsqrt %max3A_13 : vector<1112x1xf32>
    %swap3A = arith.constant 0 : index
    %swap3A_14 = arith.constant 0 : index
    %swap3A_15 = vector.load %arg3[%swap3A, %swap3A_14] : memref<1112x1xf32, #tpu.memory_space<vmem>>, vector<1112x1xf32>
    tpu.vector_store %arg3[%swap3A, %swap3A_14], %rsqrt3A {strides = array<i32>} : memref<1112x1xf32, #tpu.memory_space<vmem>>, vector<1112x1xf32>,
    %get3A_16 = arith.constant 0 : index
    %get3A_17 = arith.constant 0 : index
    %get3A_18 = vector.load %arg2[%get3A_16, %get3A_17] : memref<1112x128xf32, #tpu.memory_space<vmem>>, vector<1112x128xf32>
    %mul3A = vector.broadcast %rsqrt3A : vector<1112x1xf32> to vector<1112x128xf32>
    %mul3A_19 = arith.mulf %get3A_18, %mul3A : vector<1112x128xf32>
    %swap3A_20 = arith.constant 0 : index
    %swap3A_21 = arith.constant 0 : index
    %swap3A_22 = vector.load %arg4[%swap3A_20, %swap3A_21] : memref<1112x128xf32, #tpu.memory_space<vmem>>, vector<1112x128xf32>
    tpu.vector_store %arg4[%swap3A_20, %swap3A_21], %mul3A_19 {strides = array<i32>} : memref<1112x128xf32, #tpu.memory_space<vmem>>, vector<1112x128xf32>,
    return
  }
  func.func @transform_0(%arg0: i32) -> (i32, i32, i32) {
    %c0_i32 = arith.constant 0 : i32
    %c0_i32_0 = arith.constant 0 : i32
    %c0_i32_1 = arith.constant 0 : i32
    return %c0_i32, %arg0, %c0_i32_0 : i32, i32, i32
  }
  func.func @transform_1(%arg0: i32) -> (i32, i32) {
    %c0_i32 = arith.constant 0 : i32
    %c0_i32_0 = arith.constant 0 : i32
    return %arg0, %c0_i32 : i32, i32
  }
  func.func @transform_2(%arg0: i32) -> (i32, i32) {
    %c0_i32 = arith.constant 0 : i32
    %c0_i32_0 = arith.constant 0 : i32
    return %arg0, %c0_i32 : i32, i32
  }
  func.func @transform_3(%arg0: i32) -> (i32, i32) {
    %c0_i32 = arith.constant 0 : i32
    %c0_i32_0 = arith.constant 0 : i32
    return %arg0, %c0_i32 : i32, i32
  }
}

module attributes {stable_mosaic.version = 14 : i64} {
  func.func @_layer_body(%arg0: i32, %arg1: memref<2x1112x128xf32, #tpu.memory_space<vmem>>, %arg2: memref<1112x128xf32, #tpu.memory_space<vmem>>, %arg3: memref<1112x128xf32, #tpu.memory_space<vmem>>, %arg4: memref<1112x1xf32, #tpu.memory_space<vmem>>, %arg5: memref<1x128xf32, #tpu.memory_space<vmem>>, %arg6: memref<1x128xf32, #tpu.memory_space<vmem>>, %arg7: memref<1x128xf32, #tpu.memory_space<vmem>>, %arg8: memref<128x128xf32, #tpu.memory_space<vmem>>, %arg9: memref<1112x128xf32, #tpu.memory_space<vmem>>, %arg10: memref<1112x128xf32, #tpu.memory_space<vmem>>) attributes {dimension_semantics = [#tpu.dimension_semantics<arbitrary>], iteration_bounds = array<i64: 9>, scalar_prefetch = 0 : i64, scratch_operands = 0 : i64, tpu.core_type = #tpu.core_type<tc>, window_params = [{transform_indices = @transform_0, window_bounds = array<i64: 2, 1112, 128>}, {transform_indices = @transform_1, window_bounds = array<i64: 1112, 128>}, {transform_indices = @transform_2, window_bounds = array<i64: 1112, 128>}, {transform_indices = @transform_3, window_bounds = array<i64: 1112, 1>}, {pipeline_mode = #tpu.pipeline_mode<synchronous>, transform_indices = @transform_4, window_bounds = array<i64: 1, 128>}, {pipeline_mode = #tpu.pipeline_mode<synchronous>, transform_indices = @transform_5, window_bounds = array<i64: 1, 128>}, {pipeline_mode = #tpu.pipeline_mode<synchronous>, transform_indices = @transform_6, window_bounds = array<i64: 1, 128>}, {pipeline_mode = #tpu.pipeline_mode<synchronous>, transform_indices = @transform_7, window_bounds = array<i64: 128, 128>}, {transform_indices = @transform_8, window_bounds = array<i64: 1112, 128>}, {transform_indices = @transform_9, window_bounds = array<i64: 1112, 128>}]} {
    %get3A = arith.constant 0 : index
    %get3A_0 = arith.constant 0 : index
    %get3A_1 = vector.load %arg4[%get3A, %get3A_0] : memref<1112x1xf32, #tpu.memory_space<vmem>>, vector<1112x1xf32>
    %get3A_2 = arith.constant 0 : index
    %get3A_3 = arith.constant 0 : index
    %get3A_4 = arith.constant 0 : index
    %get3A_5 = vector.load %arg1[%get3A_2, %get3A_3, %get3A_4] : memref<2x1112x128xf32, #tpu.memory_space<vmem>>, vector<1x1112x128xf32>
    %get3A_6 = vector.shape_cast %get3A_5 : vector<1x1112x128xf32> to vector<1112x128xf32>
    %get3A_7 = arith.constant 1 : index
    %get3A_8 = arith.constant 0 : index
    %get3A_9 = arith.constant 0 : index
    %get3A_10 = vector.load %arg1[%get3A_7, %get3A_8, %get3A_9] : memref<2x1112x128xf32, #tpu.memory_space<vmem>>, vector<1x1112x128xf32>
    %get3A_11 = vector.shape_cast %get3A_10 : vector<1x1112x128xf32> to vector<1112x128xf32>
    %add3A = arith.addf %get3A_6, %get3A_11 : vector<1112x128xf32>
    %get3A_12 = arith.constant 0 : index
    %get3A_13 = arith.constant 0 : index
    %get3A_14 = vector.load %arg2[%get3A_12, %get3A_13] : memref<1112x128xf32, #tpu.memory_space<vmem>>, vector<1112x128xf32>
    %add3A_15 = arith.addf %add3A, %get3A_14 : vector<1112x128xf32>
    %mul3A = vector.broadcast %get3A_1 : vector<1112x1xf32> to vector<1112x128xf32>
    %mul3A_16 = arith.mulf %add3A_15, %mul3A : vector<1112x128xf32>
    %get3A_17 = arith.constant 0 : index
    %get3A_18 = arith.constant 0 : index
    %get3A_19 = vector.load %arg5[%get3A_17, %get3A_18] : memref<1x128xf32, #tpu.memory_space<vmem>>, vector<1x128xf32>
    %add3A_20 = vector.broadcast %get3A_19 : vector<1x128xf32> to vector<1112x128xf32>
    %add3A_21 = arith.addf %mul3A_16, %add3A_20 : vector<1112x128xf32>
    %reduce_sum3A = arith.constant dense<0.000000e+00> : vector<1112xf32>
    %reduce_sum3A_22 = vector.multi_reduction <add>, %add3A_21, %reduce_sum3A [1] : vector<1112x128xf32> to vector<1112xf32>
    %broadcast_in_dim3A = vector.shape_cast %reduce_sum3A_22 : vector<1112xf32> to vector<1112x1xf32>
    %div3A = arith.constant 1.280000e+02 : f32
    %div3A_23 = vector.broadcast %div3A : f32 to vector<1112x1xf32>
    %div3A_24 = arith.divf %broadcast_in_dim3A, %div3A_23 : vector<1112x1xf32>
    %sub3A = vector.broadcast %div3A_24 : vector<1112x1xf32> to vector<1112x128xf32>
    %sub3A_25 = arith.subf %add3A_21, %sub3A : vector<1112x128xf32>
    %integer_pow3A = arith.mulf %sub3A_25, %sub3A_25 : vector<1112x128xf32>
    %reduce_sum3A_26 = arith.constant dense<0.000000e+00> : vector<1112xf32>
    %reduce_sum3A_27 = vector.multi_reduction <add>, %integer_pow3A, %reduce_sum3A_26 [1] : vector<1112x128xf32> to vector<1112xf32>
    %broadcast_in_dim3A_28 = vector.shape_cast %reduce_sum3A_27 : vector<1112xf32> to vector<1112x1xf32>
    %div3A_29 = arith.constant 1.280000e+02 : f32
    %div3A_30 = vector.broadcast %div3A_29 : f32 to vector<1112x1xf32>
    %div3A_31 = arith.divf %broadcast_in_dim3A_28, %div3A_30 : vector<1112x1xf32>
    %sub3A_32 = vector.broadcast %div3A_24 : vector<1112x1xf32> to vector<1112x128xf32>
    %sub3A_33 = arith.subf %add3A_21, %sub3A_32 : vector<1112x128xf32>
    %add3A_34 = arith.constant 9.99999974E-6 : f32
    %add3A_35 = vector.broadcast %add3A_34 : f32 to vector<1112x1xf32>
    %add3A_36 = arith.addf %div3A_31, %add3A_35 : vector<1112x1xf32>
    %rsqrt3A = math.rsqrt %add3A_36 : vector<1112x1xf32>
    %mul3A_37 = vector.broadcast %rsqrt3A : vector<1112x1xf32> to vector<1112x128xf32>
    %mul3A_38 = arith.mulf %sub3A_33, %mul3A_37 : vector<1112x128xf32>
    %get3A_39 = arith.constant 0 : index
    %get3A_40 = arith.constant 0 : index
    %get3A_41 = vector.load %arg6[%get3A_39, %get3A_40] : memref<1x128xf32, #tpu.memory_space<vmem>>, vector<1x128xf32>
    %mul3A_42 = vector.broadcast %get3A_41 : vector<1x128xf32> to vector<1112x128xf32>
    %mul3A_43 = arith.mulf %mul3A_38, %mul3A_42 : vector<1112x128xf32>
    %get3A_44 = arith.constant 0 : index
    %get3A_45 = arith.constant 0 : index
    %get3A_46 = vector.load %arg7[%get3A_44, %get3A_45] : memref<1x128xf32, #tpu.memory_space<vmem>>, vector<1x128xf32>
    %add3A_47 = vector.broadcast %get3A_46 : vector<1x128xf32> to vector<1112x128xf32>
    %add3A_48 = arith.addf %mul3A_43, %add3A_47 : vector<1112x128xf32>
    %max3A = arith.constant 0.000000e+00 : f32
    %max3A_49 = vector.broadcast %max3A : f32 to vector<1112x128xf32>
    %max3A_50 = arith.maximumf %add3A_48, %max3A_49 : vector<1112x128xf32>
    %swap3A = arith.constant 0 : index
    %swap3A_51 = arith.constant 0 : index
    %swap3A_52 = vector.load %arg9[%swap3A, %swap3A_51] : memref<1112x128xf32, #tpu.memory_space<vmem>>, vector<1112x128xf32>
    tpu.vector_store %arg9[%swap3A, %swap3A_51], %max3A_50 {strides = array<i32>} : memref<1112x128xf32, #tpu.memory_space<vmem>>, vector<1112x128xf32>,
    %get3A_53 = arith.constant 0 : index
    %get3A_54 = arith.constant 0 : index
    %get3A_55 = vector.load %arg8[%get3A_53, %get3A_54] : memref<128x128xf32, #tpu.memory_space<vmem>>, vector<128x128xf32>
    %dot_general3A = arith.constant dense<0.000000e+00> : vector<1112x128xf32>
    %dot_general3A_56 = tpu.matmul %max3A_50, %get3A_55, %dot_general3A {dimension_numbers = #tpu.dot_dimension_numbers<[1], [0], [0], [1], [0, 0, 1, 1], [], []>, precision = #tpu.contract_precision<fp32>, transpose_lhs_hint = false} : vector<1112x128xf32>, vector<128x128xf32>, vector<1112x128xf32> -> vector<1112x128xf32>
    %mul3A_57 = vector.broadcast %get3A_1 : vector<1112x1xf32> to vector<1112x128xf32>
    %mul3A_58 = arith.mulf %dot_general3A_56, %mul3A_57 : vector<1112x128xf32>
    %swap3A_59 = arith.constant 0 : index
    %swap3A_60 = arith.constant 0 : index
    %swap3A_61 = vector.load %arg10[%swap3A_59, %swap3A_60] : memref<1112x128xf32, #tpu.memory_space<vmem>>, vector<1112x128xf32>
    tpu.vector_store %arg10[%swap3A_59, %swap3A_60], %mul3A_58 {strides = array<i32>} : memref<1112x128xf32, #tpu.memory_space<vmem>>, vector<1112x128xf32>,
    return
  }
  func.func @transform_0(%arg0: i32) -> (i32, i32, i32) {
    %c0_i32 = arith.constant 0 : i32
    %c0_i32_0 = arith.constant 0 : i32
    %c0_i32_1 = arith.constant 0 : i32
    return %c0_i32, %arg0, %c0_i32_0 : i32, i32, i32
  }
  func.func @transform_1(%arg0: i32) -> (i32, i32) {
    %c0_i32 = arith.constant 0 : i32
    %c0_i32_0 = arith.constant 0 : i32
    return %arg0, %c0_i32 : i32, i32
  }
  func.func @transform_2(%arg0: i32) -> (i32, i32) {
    %c0_i32 = arith.constant 0 : i32
    %c0_i32_0 = arith.constant 0 : i32
    return %arg0, %c0_i32 : i32, i32
  }
  func.func @transform_3(%arg0: i32) -> (i32, i32) {
    %c0_i32 = arith.constant 0 : i32
    %c0_i32_0 = arith.constant 0 : i32
    return %arg0, %c0_i32 : i32, i32
  }
  func.func @transform_4(%arg0: i32) -> (i32, i32) {
    %c0_i32 = arith.constant 0 : i32
    %c0_i32_0 = arith.constant 0 : i32
    %c0_i32_1 = arith.constant 0 : i32
    return %c0_i32, %c0_i32_0 : i32, i32
  }
  func.func @transform_5(%arg0: i32) -> (i32, i32) {
    %c0_i32 = arith.constant 0 : i32
    %c0_i32_0 = arith.constant 0 : i32
    %c0_i32_1 = arith.constant 0 : i32
    return %c0_i32, %c0_i32_0 : i32, i32
  }
  func.func @transform_6(%arg0: i32) -> (i32, i32) {
    %c0_i32 = arith.constant 0 : i32
    %c0_i32_0 = arith.constant 0 : i32
    %c0_i32_1 = arith.constant 0 : i32
    return %c0_i32, %c0_i32_0 : i32, i32
  }
  func.func @transform_7(%arg0: i32) -> (i32, i32) {
    %c0_i32 = arith.constant 0 : i32
    %c0_i32_0 = arith.constant 0 : i32
    %c0_i32_1 = arith.constant 0 : i32
    return %c0_i32, %c0_i32_0 : i32, i32
  }
  func.func @transform_8(%arg0: i32) -> (i32, i32) {
    %c0_i32 = arith.constant 0 : i32
    %c0_i32_0 = arith.constant 0 : i32
    return %arg0, %c0_i32 : i32, i32
  }
  func.func @transform_9(%arg0: i32) -> (i32, i32) {
    %c0_i32 = arith.constant 0 : i32
    %c0_i32_0 = arith.constant 0 : i32
    return %arg0, %c0_i32 : i32, i32
  }
}

module attributes {stable_mosaic.version = 14 : i64} {
  func.func @_layer_body(%arg0: i32, %arg1: memref<2x1112x128xf32, #tpu.memory_space<vmem>>, %arg2: memref<1112x128xf32, #tpu.memory_space<vmem>>, %arg3: memref<1112x128xf32, #tpu.memory_space<vmem>>, %arg4: memref<1112x1xf32, #tpu.memory_space<vmem>>, %arg5: memref<1x128xf32, #tpu.memory_space<vmem>>, %arg6: memref<1x128xf32, #tpu.memory_space<vmem>>, %arg7: memref<1x128xf32, #tpu.memory_space<vmem>>, %arg8: memref<128x128xf32, #tpu.memory_space<vmem>>, %arg9: memref<1112x128xf32, #tpu.memory_space<vmem>>, %arg10: memref<1112x128xf32, #tpu.memory_space<vmem>>) attributes {dimension_semantics = [#tpu.dimension_semantics<arbitrary>], iteration_bounds = array<i64: 9>, scalar_prefetch = 0 : i64, scratch_operands = 0 : i64, tpu.core_type = #tpu.core_type<tc>, window_params = [{transform_indices = @transform_0, window_bounds = array<i64: 2, 1112, 128>}, {transform_indices = @transform_1, window_bounds = array<i64: 1112, 128>}, {transform_indices = @transform_2, window_bounds = array<i64: 1112, 128>}, {transform_indices = @transform_3, window_bounds = array<i64: 1112, 1>}, {pipeline_mode = #tpu.pipeline_mode<synchronous>, transform_indices = @transform_4, window_bounds = array<i64: 1, 128>}, {pipeline_mode = #tpu.pipeline_mode<synchronous>, transform_indices = @transform_5, window_bounds = array<i64: 1, 128>}, {pipeline_mode = #tpu.pipeline_mode<synchronous>, transform_indices = @transform_6, window_bounds = array<i64: 1, 128>}, {pipeline_mode = #tpu.pipeline_mode<synchronous>, transform_indices = @transform_7, window_bounds = array<i64: 128, 128>}, {transform_indices = @transform_8, window_bounds = array<i64: 1112, 128>}, {transform_indices = @transform_9, window_bounds = array<i64: 1112, 128>}]} {
    %get3A = arith.constant 0 : index
    %get3A_0 = arith.constant 0 : index
    %get3A_1 = vector.load %arg4[%get3A, %get3A_0] : memref<1112x1xf32, #tpu.memory_space<vmem>>, vector<1112x1xf32>
    %get3A_2 = arith.constant 0 : index
    %get3A_3 = arith.constant 0 : index
    %get3A_4 = arith.constant 0 : index
    %get3A_5 = vector.load %arg1[%get3A_2, %get3A_3, %get3A_4] : memref<2x1112x128xf32, #tpu.memory_space<vmem>>, vector<1x1112x128xf32>
    %get3A_6 = vector.shape_cast %get3A_5 : vector<1x1112x128xf32> to vector<1112x128xf32>
    %get3A_7 = arith.constant 1 : index
    %get3A_8 = arith.constant 0 : index
    %get3A_9 = arith.constant 0 : index
    %get3A_10 = vector.load %arg1[%get3A_7, %get3A_8, %get3A_9] : memref<2x1112x128xf32, #tpu.memory_space<vmem>>, vector<1x1112x128xf32>
    %get3A_11 = vector.shape_cast %get3A_10 : vector<1x1112x128xf32> to vector<1112x128xf32>
    %add3A = arith.addf %get3A_6, %get3A_11 : vector<1112x128xf32>
    %get3A_12 = arith.constant 0 : index
    %get3A_13 = arith.constant 0 : index
    %get3A_14 = vector.load %arg2[%get3A_12, %get3A_13] : memref<1112x128xf32, #tpu.memory_space<vmem>>, vector<1112x128xf32>
    %add3A_15 = arith.addf %add3A, %get3A_14 : vector<1112x128xf32>
    %mul3A = vector.broadcast %get3A_1 : vector<1112x1xf32> to vector<1112x128xf32>
    %mul3A_16 = arith.mulf %add3A_15, %mul3A : vector<1112x128xf32>
    %get3A_17 = arith.constant 0 : index
    %get3A_18 = arith.constant 0 : index
    %get3A_19 = vector.load %arg5[%get3A_17, %get3A_18] : memref<1x128xf32, #tpu.memory_space<vmem>>, vector<1x128xf32>
    %add3A_20 = vector.broadcast %get3A_19 : vector<1x128xf32> to vector<1112x128xf32>
    %add3A_21 = arith.addf %mul3A_16, %add3A_20 : vector<1112x128xf32>
    %reduce_sum3A = arith.constant dense<0.000000e+00> : vector<1112xf32>
    %reduce_sum3A_22 = vector.multi_reduction <add>, %add3A_21, %reduce_sum3A [1] : vector<1112x128xf32> to vector<1112xf32>
    %broadcast_in_dim3A = vector.shape_cast %reduce_sum3A_22 : vector<1112xf32> to vector<1112x1xf32>
    %div3A = arith.constant 1.280000e+02 : f32
    %div3A_23 = vector.broadcast %div3A : f32 to vector<1112x1xf32>
    %div3A_24 = arith.divf %broadcast_in_dim3A, %div3A_23 : vector<1112x1xf32>
    %sub3A = vector.broadcast %div3A_24 : vector<1112x1xf32> to vector<1112x128xf32>
    %sub3A_25 = arith.subf %add3A_21, %sub3A : vector<1112x128xf32>
    %integer_pow3A = arith.mulf %sub3A_25, %sub3A_25 : vector<1112x128xf32>
    %reduce_sum3A_26 = arith.constant dense<0.000000e+00> : vector<1112xf32>
    %reduce_sum3A_27 = vector.multi_reduction <add>, %integer_pow3A, %reduce_sum3A_26 [1] : vector<1112x128xf32> to vector<1112xf32>
    %broadcast_in_dim3A_28 = vector.shape_cast %reduce_sum3A_27 : vector<1112xf32> to vector<1112x1xf32>
    %div3A_29 = arith.constant 1.280000e+02 : f32
    %div3A_30 = vector.broadcast %div3A_29 : f32 to vector<1112x1xf32>
    %div3A_31 = arith.divf %broadcast_in_dim3A_28, %div3A_30 : vector<1112x1xf32>
    %sub3A_32 = vector.broadcast %div3A_24 : vector<1112x1xf32> to vector<1112x128xf32>
    %sub3A_33 = arith.subf %add3A_21, %sub3A_32 : vector<1112x128xf32>
    %add3A_34 = arith.constant 9.99999974E-6 : f32
    %add3A_35 = vector.broadcast %add3A_34 : f32 to vector<1112x1xf32>
    %add3A_36 = arith.addf %div3A_31, %add3A_35 : vector<1112x1xf32>
    %rsqrt3A = math.rsqrt %add3A_36 : vector<1112x1xf32>
    %mul3A_37 = vector.broadcast %rsqrt3A : vector<1112x1xf32> to vector<1112x128xf32>
    %mul3A_38 = arith.mulf %sub3A_33, %mul3A_37 : vector<1112x128xf32>
    %get3A_39 = arith.constant 0 : index
    %get3A_40 = arith.constant 0 : index
    %get3A_41 = vector.load %arg6[%get3A_39, %get3A_40] : memref<1x128xf32, #tpu.memory_space<vmem>>, vector<1x128xf32>
    %mul3A_42 = vector.broadcast %get3A_41 : vector<1x128xf32> to vector<1112x128xf32>
    %mul3A_43 = arith.mulf %mul3A_38, %mul3A_42 : vector<1112x128xf32>
    %get3A_44 = arith.constant 0 : index
    %get3A_45 = arith.constant 0 : index
    %get3A_46 = vector.load %arg7[%get3A_44, %get3A_45] : memref<1x128xf32, #tpu.memory_space<vmem>>, vector<1x128xf32>
    %add3A_47 = vector.broadcast %get3A_46 : vector<1x128xf32> to vector<1112x128xf32>
    %add3A_48 = arith.addf %mul3A_43, %add3A_47 : vector<1112x128xf32>
    %max3A = arith.constant 0.000000e+00 : f32
    %max3A_49 = vector.broadcast %max3A : f32 to vector<1112x128xf32>
    %max3A_50 = arith.maximumf %add3A_48, %max3A_49 : vector<1112x128xf32>
    %get3A_51 = arith.constant 0 : index
    %get3A_52 = arith.constant 0 : index
    %get3A_53 = vector.load %arg3[%get3A_51, %get3A_52] : memref<1112x128xf32, #tpu.memory_space<vmem>>, vector<1112x128xf32>
    %add3A_54 = arith.addf %max3A_50, %get3A_53 : vector<1112x128xf32>
    %swap3A = arith.constant 0 : index
    %swap3A_55 = arith.constant 0 : index
    %swap3A_56 = vector.load %arg9[%swap3A, %swap3A_55] : memref<1112x128xf32, #tpu.memory_space<vmem>>, vector<1112x128xf32>
    tpu.vector_store %arg9[%swap3A, %swap3A_55], %add3A_54 {strides = array<i32>} : memref<1112x128xf32, #tpu.memory_space<vmem>>, vector<1112x128xf32>,
    %get3A_57 = arith.constant 0 : index
    %get3A_58 = arith.constant 0 : index
    %get3A_59 = vector.load %arg8[%get3A_57, %get3A_58] : memref<128x128xf32, #tpu.memory_space<vmem>>, vector<128x128xf32>
    %dot_general3A = arith.constant dense<0.000000e+00> : vector<1112x128xf32>
    %dot_general3A_60 = tpu.matmul %add3A_54, %get3A_59, %dot_general3A {dimension_numbers = #tpu.dot_dimension_numbers<[1], [0], [0], [1], [0, 0, 1, 1], [], []>, precision = #tpu.contract_precision<fp32>, transpose_lhs_hint = false} : vector<1112x128xf32>, vector<128x128xf32>, vector<1112x128xf32> -> vector<1112x128xf32>
    %mul3A_61 = vector.broadcast %get3A_1 : vector<1112x1xf32> to vector<1112x128xf32>
    %mul3A_62 = arith.mulf %dot_general3A_60, %mul3A_61 : vector<1112x128xf32>
    %swap3A_63 = arith.constant 0 : index
    %swap3A_64 = arith.constant 0 : index
    %swap3A_65 = vector.load %arg10[%swap3A_63, %swap3A_64] : memref<1112x128xf32, #tpu.memory_space<vmem>>, vector<1112x128xf32>
    tpu.vector_store %arg10[%swap3A_63, %swap3A_64], %mul3A_62 {strides = array<i32>} : memref<1112x128xf32, #tpu.memory_space<vmem>>, vector<1112x128xf32>,
    return
  }
  func.func @transform_0(%arg0: i32) -> (i32, i32, i32) {
    %c0_i32 = arith.constant 0 : i32
    %c0_i32_0 = arith.constant 0 : i32
    %c0_i32_1 = arith.constant 0 : i32
    return %c0_i32, %arg0, %c0_i32_0 : i32, i32, i32
  }
  func.func @transform_1(%arg0: i32) -> (i32, i32) {
    %c0_i32 = arith.constant 0 : i32
    %c0_i32_0 = arith.constant 0 : i32
    return %arg0, %c0_i32 : i32, i32
  }
  func.func @transform_2(%arg0: i32) -> (i32, i32) {
    %c0_i32 = arith.constant 0 : i32
    %c0_i32_0 = arith.constant 0 : i32
    return %arg0, %c0_i32 : i32, i32
  }
  func.func @transform_3(%arg0: i32) -> (i32, i32) {
    %c0_i32 = arith.constant 0 : i32
    %c0_i32_0 = arith.constant 0 : i32
    return %arg0, %c0_i32 : i32, i32
  }
  func.func @transform_4(%arg0: i32) -> (i32, i32) {
    %c0_i32 = arith.constant 0 : i32
    %c0_i32_0 = arith.constant 0 : i32
    %c0_i32_1 = arith.constant 0 : i32
    return %c0_i32, %c0_i32_0 : i32, i32
  }
  func.func @transform_5(%arg0: i32) -> (i32, i32) {
    %c0_i32 = arith.constant 0 : i32
    %c0_i32_0 = arith.constant 0 : i32
    %c0_i32_1 = arith.constant 0 : i32
    return %c0_i32, %c0_i32_0 : i32, i32
  }
  func.func @transform_6(%arg0: i32) -> (i32, i32) {
    %c0_i32 = arith.constant 0 : i32
    %c0_i32_0 = arith.constant 0 : i32
    %c0_i32_1 = arith.constant 0 : i32
    return %c0_i32, %c0_i32_0 : i32, i32
  }
  func.func @transform_7(%arg0: i32) -> (i32, i32) {
    %c0_i32 = arith.constant 0 : i32
    %c0_i32_0 = arith.constant 0 : i32
    %c0_i32_1 = arith.constant 0 : i32
    return %c0_i32, %c0_i32_0 : i32, i32
  }
  func.func @transform_8(%arg0: i32) -> (i32, i32) {
    %c0_i32 = arith.constant 0 : i32
    %c0_i32_0 = arith.constant 0 : i32
    return %arg0, %c0_i32 : i32, i32
  }
  func.func @transform_9(%arg0: i32) -> (i32, i32) {
    %c0_i32 = arith.constant 0 : i32
    %c0_i32_0 = arith.constant 0 : i32
    return %arg0, %c0_i32 : i32, i32
  }
}

module attributes {stable_mosaic.version = 14 : i64} {
  func.func @_layer_body(%arg0: i32, %arg1: memref<2x1112x128xf32, #tpu.memory_space<vmem>>, %arg2: memref<1112x128xf32, #tpu.memory_space<vmem>>, %arg3: memref<1112x128xf32, #tpu.memory_space<vmem>>, %arg4: memref<1112x1xf32, #tpu.memory_space<vmem>>, %arg5: memref<1x128xf32, #tpu.memory_space<vmem>>, %arg6: memref<1x128xf32, #tpu.memory_space<vmem>>, %arg7: memref<1x128xf32, #tpu.memory_space<vmem>>, %arg8: memref<128x128xf32, #tpu.memory_space<vmem>>, %arg9: memref<1112x128xf32, #tpu.memory_space<vmem>>) attributes {dimension_semantics = [#tpu.dimension_semantics<arbitrary>], iteration_bounds = array<i64: 9>, scalar_prefetch = 0 : i64, scratch_operands = 0 : i64, tpu.core_type = #tpu.core_type<tc>, window_params = [{transform_indices = @transform_0, window_bounds = array<i64: 2, 1112, 128>}, {transform_indices = @transform_1, window_bounds = array<i64: 1112, 128>}, {transform_indices = @transform_2, window_bounds = array<i64: 1112, 128>}, {transform_indices = @transform_3, window_bounds = array<i64: 1112, 1>}, {pipeline_mode = #tpu.pipeline_mode<synchronous>, transform_indices = @transform_4, window_bounds = array<i64: 1, 128>}, {pipeline_mode = #tpu.pipeline_mode<synchronous>, transform_indices = @transform_5, window_bounds = array<i64: 1, 128>}, {pipeline_mode = #tpu.pipeline_mode<synchronous>, transform_indices = @transform_6, window_bounds = array<i64: 1, 128>}, {pipeline_mode = #tpu.pipeline_mode<synchronous>, transform_indices = @transform_7, window_bounds = array<i64: 128, 128>}, {transform_indices = @transform_8, window_bounds = array<i64: 1112, 128>}]} {
    %get3A = arith.constant 0 : index
    %get3A_0 = arith.constant 0 : index
    %get3A_1 = vector.load %arg4[%get3A, %get3A_0] : memref<1112x1xf32, #tpu.memory_space<vmem>>, vector<1112x1xf32>
    %get3A_2 = arith.constant 0 : index
    %get3A_3 = arith.constant 0 : index
    %get3A_4 = arith.constant 0 : index
    %get3A_5 = vector.load %arg1[%get3A_2, %get3A_3, %get3A_4] : memref<2x1112x128xf32, #tpu.memory_space<vmem>>, vector<1x1112x128xf32>
    %get3A_6 = vector.shape_cast %get3A_5 : vector<1x1112x128xf32> to vector<1112x128xf32>
    %get3A_7 = arith.constant 1 : index
    %get3A_8 = arith.constant 0 : index
    %get3A_9 = arith.constant 0 : index
    %get3A_10 = vector.load %arg1[%get3A_7, %get3A_8, %get3A_9] : memref<2x1112x128xf32, #tpu.memory_space<vmem>>, vector<1x1112x128xf32>
    %get3A_11 = vector.shape_cast %get3A_10 : vector<1x1112x128xf32> to vector<1112x128xf32>
    %add3A = arith.addf %get3A_6, %get3A_11 : vector<1112x128xf32>
    %get3A_12 = arith.constant 0 : index
    %get3A_13 = arith.constant 0 : index
    %get3A_14 = vector.load %arg2[%get3A_12, %get3A_13] : memref<1112x128xf32, #tpu.memory_space<vmem>>, vector<1112x128xf32>
    %add3A_15 = arith.addf %add3A, %get3A_14 : vector<1112x128xf32>
    %mul3A = vector.broadcast %get3A_1 : vector<1112x1xf32> to vector<1112x128xf32>
    %mul3A_16 = arith.mulf %add3A_15, %mul3A : vector<1112x128xf32>
    %get3A_17 = arith.constant 0 : index
    %get3A_18 = arith.constant 0 : index
    %get3A_19 = vector.load %arg5[%get3A_17, %get3A_18] : memref<1x128xf32, #tpu.memory_space<vmem>>, vector<1x128xf32>
    %add3A_20 = vector.broadcast %get3A_19 : vector<1x128xf32> to vector<1112x128xf32>
    %add3A_21 = arith.addf %mul3A_16, %add3A_20 : vector<1112x128xf32>
    %reduce_sum3A = arith.constant dense<0.000000e+00> : vector<1112xf32>
    %reduce_sum3A_22 = vector.multi_reduction <add>, %add3A_21, %reduce_sum3A [1] : vector<1112x128xf32> to vector<1112xf32>
    %broadcast_in_dim3A = vector.shape_cast %reduce_sum3A_22 : vector<1112xf32> to vector<1112x1xf32>
    %div3A = arith.constant 1.280000e+02 : f32
    %div3A_23 = vector.broadcast %div3A : f32 to vector<1112x1xf32>
    %div3A_24 = arith.divf %broadcast_in_dim3A, %div3A_23 : vector<1112x1xf32>
    %sub3A = vector.broadcast %div3A_24 : vector<1112x1xf32> to vector<1112x128xf32>
    %sub3A_25 = arith.subf %add3A_21, %sub3A : vector<1112x128xf32>
    %integer_pow3A = arith.mulf %sub3A_25, %sub3A_25 : vector<1112x128xf32>
    %reduce_sum3A_26 = arith.constant dense<0.000000e+00> : vector<1112xf32>
    %reduce_sum3A_27 = vector.multi_reduction <add>, %integer_pow3A, %reduce_sum3A_26 [1] : vector<1112x128xf32> to vector<1112xf32>
    %broadcast_in_dim3A_28 = vector.shape_cast %reduce_sum3A_27 : vector<1112xf32> to vector<1112x1xf32>
    %div3A_29 = arith.constant 1.280000e+02 : f32
    %div3A_30 = vector.broadcast %div3A_29 : f32 to vector<1112x1xf32>
    %div3A_31 = arith.divf %broadcast_in_dim3A_28, %div3A_30 : vector<1112x1xf32>
    %sub3A_32 = vector.broadcast %div3A_24 : vector<1112x1xf32> to vector<1112x128xf32>
    %sub3A_33 = arith.subf %add3A_21, %sub3A_32 : vector<1112x128xf32>
    %add3A_34 = arith.constant 9.99999974E-6 : f32
    %add3A_35 = vector.broadcast %add3A_34 : f32 to vector<1112x1xf32>
    %add3A_36 = arith.addf %div3A_31, %add3A_35 : vector<1112x1xf32>
    %rsqrt3A = math.rsqrt %add3A_36 : vector<1112x1xf32>
    %mul3A_37 = vector.broadcast %rsqrt3A : vector<1112x1xf32> to vector<1112x128xf32>
    %mul3A_38 = arith.mulf %sub3A_33, %mul3A_37 : vector<1112x128xf32>
    %get3A_39 = arith.constant 0 : index
    %get3A_40 = arith.constant 0 : index
    %get3A_41 = vector.load %arg6[%get3A_39, %get3A_40] : memref<1x128xf32, #tpu.memory_space<vmem>>, vector<1x128xf32>
    %mul3A_42 = vector.broadcast %get3A_41 : vector<1x128xf32> to vector<1112x128xf32>
    %mul3A_43 = arith.mulf %mul3A_38, %mul3A_42 : vector<1112x128xf32>
    %get3A_44 = arith.constant 0 : index
    %get3A_45 = arith.constant 0 : index
    %get3A_46 = vector.load %arg7[%get3A_44, %get3A_45] : memref<1x128xf32, #tpu.memory_space<vmem>>, vector<1x128xf32>
    %add3A_47 = vector.broadcast %get3A_46 : vector<1x128xf32> to vector<1112x128xf32>
    %add3A_48 = arith.addf %mul3A_43, %add3A_47 : vector<1112x128xf32>
    %max3A = arith.constant 0.000000e+00 : f32
    %max3A_49 = vector.broadcast %max3A : f32 to vector<1112x128xf32>
    %max3A_50 = arith.maximumf %add3A_48, %max3A_49 : vector<1112x128xf32>
    %get3A_51 = arith.constant 0 : index
    %get3A_52 = arith.constant 0 : index
    %get3A_53 = vector.load %arg3[%get3A_51, %get3A_52] : memref<1112x128xf32, #tpu.memory_space<vmem>>, vector<1112x128xf32>
    %add3A_54 = arith.addf %max3A_50, %get3A_53 : vector<1112x128xf32>
    %swap3A = arith.constant 0 : index
    %swap3A_55 = arith.constant 0 : index
    %swap3A_56 = vector.load %arg9[%swap3A, %swap3A_55] : memref<1112x128xf32, #tpu.memory_space<vmem>>, vector<1112x128xf32>
    tpu.vector_store %arg9[%swap3A, %swap3A_55], %add3A_54 {strides = array<i32>} : memref<1112x128xf32, #tpu.memory_space<vmem>>, vector<1112x128xf32>,
    return
  }
  func.func @transform_0(%arg0: i32) -> (i32, i32, i32) {
    %c0_i32 = arith.constant 0 : i32
    %c0_i32_0 = arith.constant 0 : i32
    %c0_i32_1 = arith.constant 0 : i32
    return %c0_i32, %arg0, %c0_i32_0 : i32, i32, i32
  }
  func.func @transform_1(%arg0: i32) -> (i32, i32) {
    %c0_i32 = arith.constant 0 : i32
    %c0_i32_0 = arith.constant 0 : i32
    return %arg0, %c0_i32 : i32, i32
  }
  func.func @transform_2(%arg0: i32) -> (i32, i32) {
    %c0_i32 = arith.constant 0 : i32
    %c0_i32_0 = arith.constant 0 : i32
    return %arg0, %c0_i32 : i32, i32
  }
  func.func @transform_3(%arg0: i32) -> (i32, i32) {
    %c0_i32 = arith.constant 0 : i32
    %c0_i32_0 = arith.constant 0 : i32
    return %arg0, %c0_i32 : i32, i32
  }
  func.func @transform_4(%arg0: i32) -> (i32, i32) {
    %c0_i32 = arith.constant 0 : i32
    %c0_i32_0 = arith.constant 0 : i32
    %c0_i32_1 = arith.constant 0 : i32
    return %c0_i32, %c0_i32_0 : i32, i32
  }
  func.func @transform_5(%arg0: i32) -> (i32, i32) {
    %c0_i32 = arith.constant 0 : i32
    %c0_i32_0 = arith.constant 0 : i32
    %c0_i32_1 = arith.constant 0 : i32
    return %c0_i32, %c0_i32_0 : i32, i32
  }
  func.func @transform_6(%arg0: i32) -> (i32, i32) {
    %c0_i32 = arith.constant 0 : i32
    %c0_i32_0 = arith.constant 0 : i32
    %c0_i32_1 = arith.constant 0 : i32
    return %c0_i32, %c0_i32_0 : i32, i32
  }
  func.func @transform_7(%arg0: i32) -> (i32, i32) {
    %c0_i32 = arith.constant 0 : i32
    %c0_i32_0 = arith.constant 0 : i32
    %c0_i32_1 = arith.constant 0 : i32
    return %c0_i32, %c0_i32_0 : i32, i32
  }
  func.func @transform_8(%arg0: i32) -> (i32, i32) {
    %c0_i32 = arith.constant 0 : i32
    %c0_i32_0 = arith.constant 0 : i32
    return %arg0, %c0_i32 : i32, i32
  }
}

module attributes {stable_mosaic.version = 14 : i64} {
  func.func @_head_body(%arg0: i32, %arg1: memref<1112x128xf32, #tpu.memory_space<vmem>>, %arg2: memref<1112x1xi32, #tpu.memory_space<vmem>>, %arg3: memref<1x128xf32, #tpu.memory_space<vmem>>, %arg4: memref<1x128xf32, #tpu.memory_space<vmem>>, %arg5: memref<128x64xf32, #tpu.memory_space<vmem>>, %arg6: memref<1x64xf32, #tpu.memory_space<vmem>>, %arg7: memref<1x64xf32, #tpu.memory_space<vmem>>, %arg8: memref<1x64xf32, #tpu.memory_space<vmem>>, %arg9: memref<64x1xf32, #tpu.memory_space<vmem>>, %arg10: memref<1x1xf32, #tpu.memory_space<vmem>>, %arg11: memref<64x1xf32, #tpu.memory_space<vmem>>, %arg12: memref<64x128xf32, #tpu.memory_space<vmem>>, %arg13: memref<64x1xf32, #tpu.memory_space<vmem>>) attributes {dimension_semantics = [#tpu.dimension_semantics<arbitrary>], iteration_bounds = array<i64: 9>, scalar_prefetch = 0 : i64, scratch_operands = 2 : i64, tpu.core_type = #tpu.core_type<tc>, window_params = [{transform_indices = @transform_0, window_bounds = array<i64: 1112, 128>}, {transform_indices = @transform_1, window_bounds = array<i64: 1112, 1>}, {pipeline_mode = #tpu.pipeline_mode<synchronous>, transform_indices = @transform_2, window_bounds = array<i64: 1, 128>}, {pipeline_mode = #tpu.pipeline_mode<synchronous>, transform_indices = @transform_3, window_bounds = array<i64: 1, 128>}, {pipeline_mode = #tpu.pipeline_mode<synchronous>, transform_indices = @transform_4, window_bounds = array<i64: 128, 64>}, {pipeline_mode = #tpu.pipeline_mode<synchronous>, transform_indices = @transform_5, window_bounds = array<i64: 1, 64>}, {pipeline_mode = #tpu.pipeline_mode<synchronous>, transform_indices = @transform_6, window_bounds = array<i64: 1, 64>}, {pipeline_mode = #tpu.pipeline_mode<synchronous>, transform_indices = @transform_7, window_bounds = array<i64: 1, 64>}, {pipeline_mode = #tpu.pipeline_mode<synchronous>, transform_indices = @transform_8, window_bounds = array<i64: 64, 1>}, {pipeline_mode = #tpu.pipeline_mode<synchronous>, transform_indices = @transform_9, window_bounds = array<i64: 1, 1>}, {pipeline_mode = #tpu.pipeline_mode<synchronous>, transform_indices = @transform_10, window_bounds = array<i64: 64, 1>}]} {
    %eq3A = arith.constant 0 : i32
    %eq3A_0 = arith.cmpi eq, %arg0, %eq3A : i32
    %convert_element_type3A = arith.extui %eq3A_0 : i1 to i32
    %cond3A = arith.constant 0 : i32
    %cond3A_1 = arith.cmpi ne, %convert_element_type3A, %cond3A : i32
    scf.if %cond3A_1 {
      %broadcast_in_dim3A_32 = arith.constant 0.000000e+00 : f32
      %broadcast_in_dim3A_33 = vector.broadcast %broadcast_in_dim3A_32 : f32 to vector<64x128xf32>
      %swap3A_34 = arith.constant 0 : index
      %swap3A_35 = arith.constant 0 : index
      %swap3A_36 = vector.load %arg12[%swap3A_34, %swap3A_35] : memref<64x128xf32, #tpu.memory_space<vmem>>, vector<64x128xf32>
      tpu.vector_store %arg12[%swap3A_34, %swap3A_35], %broadcast_in_dim3A_33 {strides = array<i32>} : memref<64x128xf32, #tpu.memory_space<vmem>>, vector<64x128xf32>,
      %broadcast_in_dim3A_37 = arith.constant 0.000000e+00 : f32
      %broadcast_in_dim3A_38 = vector.broadcast %broadcast_in_dim3A_37 : f32 to vector<64x1xf32>
      %swap3A_39 = arith.constant 0 : index
      %swap3A_40 = arith.constant 0 : index
      %swap3A_41 = vector.load %arg13[%swap3A_39, %swap3A_40] : memref<64x1xf32, #tpu.memory_space<vmem>>, vector<64x1xf32>
      tpu.vector_store %arg13[%swap3A_39, %swap3A_40], %broadcast_in_dim3A_38 {strides = array<i32>} : memref<64x1xf32, #tpu.memory_space<vmem>>, vector<64x1xf32>,
    } else {
    }
    %iota3A = tpu.iota {dimensions = array<i32: 1>} : vector<1112x64xi32>
    %get3A = arith.constant 0 : index
    %get3A_2 = arith.constant 0 : index
    %get3A_3 = vector.load %arg2[%get3A, %get3A_2] : memref<1112x1xi32, #tpu.memory_space<vmem>>, vector<1112x1xi32>
    %eq3A_4 = vector.broadcast %get3A_3 : vector<1112x1xi32> to vector<1112x64xi32>
    %eq3A_5 = arith.cmpi eq, %iota3A, %eq3A_4 : vector<1112x64xi32>
    %convert_element_type3A_6 = arith.extui %eq3A_5 : vector<1112x64xi1> to vector<1112x64xi32>
    %convert_element_type3A_7 = arith.sitofp %convert_element_type3A_6 : vector<1112x64xi32> to vector<1112x64xf32>
    %get3A_8 = arith.constant 0 : index
    %get3A_9 = arith.constant 0 : index
    %get3A_10 = vector.load %arg12[%get3A_8, %get3A_9] : memref<64x128xf32, #tpu.memory_space<vmem>>, vector<64x128xf32>
    %get3A_11 = arith.constant 0 : index
    %get3A_12 = arith.constant 0 : index
    %get3A_13 = vector.load %arg1[%get3A_11, %get3A_12] : memref<1112x128xf32, #tpu.memory_space<vmem>>, vector<1112x128xf32>
    %dot_general3A = arith.constant dense<0.000000e+00> : vector<64x128xf32>
    %dot_general3A_14 = tpu.matmul %convert_element_type3A_7, %get3A_13, %dot_general3A {dimension_numbers = #tpu.dot_dimension_numbers<[0], [0], [1], [1], [0, 1, 1, 1], [], []>, precision = #tpu.contract_precision<fp32>, transpose_lhs_hint = false} : vector<1112x64xf32>, vector<1112x128xf32>, vector<64x128xf32> -> vector<64x128xf32>
    %add3A = arith.addf %get3A_10, %dot_general3A_14 : vector<64x128xf32>
    %swap3A = arith.constant 0 : index
    %swap3A_15 = arith.constant 0 : index
    %swap3A_16 = vector.load %arg12[%swap3A, %swap3A_15] : memref<64x128xf32, #tpu.memory_space<vmem>>, vector<64x128xf32>
    tpu.vector_store %arg12[%swap3A, %swap3A_15], %add3A {strides = array<i32>} : memref<64x128xf32, #tpu.memory_space<vmem>>, vector<64x128xf32>,
    %get3A_17 = arith.constant 0 : index
    %get3A_18 = arith.constant 0 : index
    %get3A_19 = vector.load %arg13[%get3A_17, %get3A_18] : memref<64x1xf32, #tpu.memory_space<vmem>>, vector<64x1xf32>
    %broadcast_in_dim3A = arith.constant 1.000000e+00 : f32
    %broadcast_in_dim3A_20 = vector.broadcast %broadcast_in_dim3A : f32 to vector<1112x1xf32>
    %dot_general3A_21 = arith.constant dense<0.000000e+00> : vector<64x1xf32>
    %dot_general3A_22 = tpu.matmul %convert_element_type3A_7, %broadcast_in_dim3A_20, %dot_general3A_21 {dimension_numbers = #tpu.dot_dimension_numbers<[0], [0], [1], [1], [0, 1, 1, 1], [], []>, transpose_lhs_hint = false} : vector<1112x64xf32>, vector<1112x1xf32>, vector<64x1xf32> -> vector<64x1xf32>
    %add3A_23 = arith.addf %get3A_19, %dot_general3A_22 : vector<64x1xf32>
    %swap3A_24 = arith.constant 0 : index
    %swap3A_25 = arith.constant 0 : index
    %swap3A_26 = vector.load %arg13[%swap3A_24, %swap3A_25] : memref<64x1xf32, #tpu.memory_space<vmem>>, vector<64x1xf32>
    tpu.vector_store %arg13[%swap3A_24, %swap3A_25], %add3A_23 {strides = array<i32>} : memref<64x1xf32, #tpu.memory_space<vmem>>, vector<64x1xf32>,
    %eq3A_27 = arith.constant 8 : i32
    %eq3A_28 = arith.cmpi eq, %arg0, %eq3A_27 : i32
    %convert_element_type3A_29 = arith.extui %eq3A_28 : i1 to i32
    %cond3A_30 = arith.constant 0 : i32
    %cond3A_31 = arith.cmpi ne, %convert_element_type3A_29, %cond3A_30 : i32
    scf.if %cond3A_31 {
      %get3A_32 = arith.constant 0 : index
      %get3A_33 = arith.constant 0 : index
      %get3A_34 = vector.load %arg12[%get3A_32, %get3A_33] : memref<64x128xf32, #tpu.memory_space<vmem>>, vector<64x128xf32>
      %get3A_35 = arith.constant 0 : index
      %get3A_36 = arith.constant 0 : index
      %get3A_37 = vector.load %arg13[%get3A_35, %get3A_36] : memref<64x1xf32, #tpu.memory_space<vmem>>, vector<64x1xf32>
      %max3A = arith.constant 1.000000e+00 : f32
      %max3A_38 = vector.broadcast %max3A : f32 to vector<64x1xf32>
      %max3A_39 = arith.maximumf %get3A_37, %max3A_38 : vector<64x1xf32>
      %div3A = vector.broadcast %max3A_39 : vector<64x1xf32> to vector<64x128xf32>
      %div3A_40 = arith.divf %get3A_34, %div3A : vector<64x128xf32>
      %reduce_sum3A = arith.constant dense<0.000000e+00> : vector<128xf32>
      %reduce_sum3A_41 = vector.multi_reduction <add>, %div3A_40, %reduce_sum3A [0] : vector<64x128xf32> to vector<128xf32>
      %broadcast_in_dim3A_42 = vector.shape_cast %reduce_sum3A_41 : vector<128xf32> to vector<1x128xf32>
      %div3A_43 = arith.constant 6.400000e+01 : f32
      %div3A_44 = vector.broadcast %div3A_43 : f32 to vector<1x128xf32>
      %div3A_45 = arith.divf %broadcast_in_dim3A_42, %div3A_44 : vector<1x128xf32>
      %sub3A = vector.broadcast %div3A_45 : vector<1x128xf32> to vector<64x128xf32>
      %sub3A_46 = arith.subf %div3A_40, %sub3A : vector<64x128xf32>
      %integer_pow3A = arith.mulf %sub3A_46, %sub3A_46 : vector<64x128xf32>
      %reduce_sum3A_47 = arith.constant dense<0.000000e+00> : vector<128xf32>
      %reduce_sum3A_48 = vector.multi_reduction <add>, %integer_pow3A, %reduce_sum3A_47 [0] : vector<64x128xf32> to vector<128xf32>
      %broadcast_in_dim3A_49 = vector.shape_cast %reduce_sum3A_48 : vector<128xf32> to vector<1x128xf32>
      %div3A_50 = arith.constant 6.400000e+01 : f32
      %div3A_51 = vector.broadcast %div3A_50 : f32 to vector<1x128xf32>
      %div3A_52 = arith.divf %broadcast_in_dim3A_49, %div3A_51 : vector<1x128xf32>
      %sub3A_53 = vector.broadcast %div3A_45 : vector<1x128xf32> to vector<64x128xf32>
      %sub3A_54 = arith.subf %div3A_40, %sub3A_53 : vector<64x128xf32>
      %add3A_55 = arith.constant 9.99999974E-6 : f32
      %add3A_56 = vector.broadcast %add3A_55 : f32 to vector<1x128xf32>
      %add3A_57 = arith.addf %div3A_52, %add3A_56 : vector<1x128xf32>
      %rsqrt3A = math.rsqrt %add3A_57 : vector<1x128xf32>
      %mul3A = vector.broadcast %rsqrt3A : vector<1x128xf32> to vector<64x128xf32>
      %mul3A_58 = arith.mulf %sub3A_54, %mul3A : vector<64x128xf32>
      %get3A_59 = arith.constant 0 : index
      %get3A_60 = arith.constant 0 : index
      %get3A_61 = vector.load %arg3[%get3A_59, %get3A_60] : memref<1x128xf32, #tpu.memory_space<vmem>>, vector<1x128xf32>
      %mul3A_62 = vector.broadcast %get3A_61 : vector<1x128xf32> to vector<64x128xf32>
      %mul3A_63 = arith.mulf %mul3A_58, %mul3A_62 : vector<64x128xf32>
      %get3A_64 = arith.constant 0 : index
      %get3A_65 = arith.constant 0 : index
      %get3A_66 = vector.load %arg4[%get3A_64, %get3A_65] : memref<1x128xf32, #tpu.memory_space<vmem>>, vector<1x128xf32>
      %add3A_67 = vector.broadcast %get3A_66 : vector<1x128xf32> to vector<64x128xf32>
      %add3A_68 = arith.addf %mul3A_63, %add3A_67 : vector<64x128xf32>
      %max3A_69 = arith.constant 0.000000e+00 : f32
      %max3A_70 = vector.broadcast %max3A_69 : f32 to vector<64x128xf32>
      %max3A_71 = arith.maximumf %add3A_68, %max3A_70 : vector<64x128xf32>
      %get3A_72 = arith.constant 0 : index
      %get3A_73 = arith.constant 0 : index
      %get3A_74 = vector.load %arg5[%get3A_72, %get3A_73] : memref<128x64xf32, #tpu.memory_space<vmem>>, vector<128x64xf32>
      %dot_general3A_75 = arith.constant dense<0.000000e+00> : vector<64x64xf32>
      %dot_general3A_76 = tpu.matmul %max3A_71, %get3A_74, %dot_general3A_75 {dimension_numbers = #tpu.dot_dimension_numbers<[1], [0], [0], [1], [0, 0, 1, 1], [], []>, precision = #tpu.contract_precision<fp32>, transpose_lhs_hint = false} : vector<64x128xf32>, vector<128x64xf32>, vector<64x64xf32> -> vector<64x64xf32>
      %get3A_77 = arith.constant 0 : index
      %get3A_78 = arith.constant 0 : index
      %get3A_79 = vector.load %arg6[%get3A_77, %get3A_78] : memref<1x64xf32, #tpu.memory_space<vmem>>, vector<1x64xf32>
      %add3A_80 = vector.broadcast %get3A_79 : vector<1x64xf32> to vector<64x64xf32>
      %add3A_81 = arith.addf %dot_general3A_76, %add3A_80 : vector<64x64xf32>
      %reduce_sum3A_82 = arith.constant dense<0.000000e+00> : vector<64xf32>
      %reduce_sum3A_83 = vector.multi_reduction <add>, %add3A_81, %reduce_sum3A_82 [0] : vector<64x64xf32> to vector<64xf32>
      %broadcast_in_dim3A_84 = vector.shape_cast %reduce_sum3A_83 : vector<64xf32> to vector<1x64xf32>
      %div3A_85 = arith.constant 6.400000e+01 : f32
      %div3A_86 = vector.broadcast %div3A_85 : f32 to vector<1x64xf32>
      %div3A_87 = arith.divf %broadcast_in_dim3A_84, %div3A_86 : vector<1x64xf32>
      %sub3A_88 = vector.broadcast %div3A_87 : vector<1x64xf32> to vector<64x64xf32>
      %sub3A_89 = arith.subf %add3A_81, %sub3A_88 : vector<64x64xf32>
      %integer_pow3A_90 = arith.mulf %sub3A_89, %sub3A_89 : vector<64x64xf32>
      %reduce_sum3A_91 = arith.constant dense<0.000000e+00> : vector<64xf32>
      %reduce_sum3A_92 = vector.multi_reduction <add>, %integer_pow3A_90, %reduce_sum3A_91 [0] : vector<64x64xf32> to vector<64xf32>
      %broadcast_in_dim3A_93 = vector.shape_cast %reduce_sum3A_92 : vector<64xf32> to vector<1x64xf32>
      %div3A_94 = arith.constant 6.400000e+01 : f32
      %div3A_95 = vector.broadcast %div3A_94 : f32 to vector<1x64xf32>
      %div3A_96 = arith.divf %broadcast_in_dim3A_93, %div3A_95 : vector<1x64xf32>
      %sub3A_97 = vector.broadcast %div3A_87 : vector<1x64xf32> to vector<64x64xf32>
      %sub3A_98 = arith.subf %add3A_81, %sub3A_97 : vector<64x64xf32>
      %add3A_99 = arith.constant 9.99999974E-6 : f32
      %add3A_100 = vector.broadcast %add3A_99 : f32 to vector<1x64xf32>
      %add3A_101 = arith.addf %div3A_96, %add3A_100 : vector<1x64xf32>
      %rsqrt3A_102 = math.rsqrt %add3A_101 : vector<1x64xf32>
      %mul3A_103 = vector.broadcast %rsqrt3A_102 : vector<1x64xf32> to vector<64x64xf32>
      %mul3A_104 = arith.mulf %sub3A_98, %mul3A_103 : vector<64x64xf32>
      %get3A_105 = arith.constant 0 : index
      %get3A_106 = arith.constant 0 : index
      %get3A_107 = vector.load %arg7[%get3A_105, %get3A_106] : memref<1x64xf32, #tpu.memory_space<vmem>>, vector<1x64xf32>
      %mul3A_108 = vector.broadcast %get3A_107 : vector<1x64xf32> to vector<64x64xf32>
      %mul3A_109 = arith.mulf %mul3A_104, %mul3A_108 : vector<64x64xf32>
      %get3A_110 = arith.constant 0 : index
      %get3A_111 = arith.constant 0 : index
      %get3A_112 = vector.load %arg8[%get3A_110, %get3A_111] : memref<1x64xf32, #tpu.memory_space<vmem>>, vector<1x64xf32>
      %add3A_113 = vector.broadcast %get3A_112 : vector<1x64xf32> to vector<64x64xf32>
      %add3A_114 = arith.addf %mul3A_109, %add3A_113 : vector<64x64xf32>
      %max3A_115 = arith.constant 0.000000e+00 : f32
      %max3A_116 = vector.broadcast %max3A_115 : f32 to vector<64x64xf32>
      %max3A_117 = arith.maximumf %add3A_114, %max3A_116 : vector<64x64xf32>
      %get3A_118 = arith.constant 0 : index
      %get3A_119 = arith.constant 0 : index
      %get3A_120 = vector.load %arg9[%get3A_118, %get3A_119] : memref<64x1xf32, #tpu.memory_space<vmem>>, vector<64x1xf32>
      %dot_general3A_121 = arith.constant dense<0.000000e+00> : vector<64x1xf32>
      %dot_general3A_122 = tpu.matmul %max3A_117, %get3A_120, %dot_general3A_121 {dimension_numbers = #tpu.dot_dimension_numbers<[1], [0], [0], [1], [0, 0, 1, 1], [], []>, precision = #tpu.contract_precision<fp32>, transpose_lhs_hint = false} : vector<64x64xf32>, vector<64x1xf32>, vector<64x1xf32> -> vector<64x1xf32>
      %get3A_123 = arith.constant 0 : index
      %get3A_124 = arith.constant 0 : index
      %get3A_125 = vector.load %arg10[%get3A_123, %get3A_124] : memref<1x1xf32, #tpu.memory_space<vmem>>, vector<1x1xf32>
      %add3A_126 = vector.broadcast %get3A_125 : vector<1x1xf32> to vector<64x1xf32>
      %add3A_127 = arith.addf %dot_general3A_122, %add3A_126 : vector<64x1xf32>
      %swap3A_128 = arith.constant 0 : index
      %swap3A_129 = arith.constant 0 : index
      %swap3A_130 = vector.load %arg11[%swap3A_128, %swap3A_129] : memref<64x1xf32, #tpu.memory_space<vmem>>, vector<64x1xf32>
      tpu.vector_store %arg11[%swap3A_128, %swap3A_129], %add3A_127 {strides = array<i32>} : memref<64x1xf32, #tpu.memory_space<vmem>>, vector<64x1xf32>,
    } else {
    }
    return
  }
  func.func @transform_0(%arg0: i32) -> (i32, i32) {
    %c0_i32 = arith.constant 0 : i32
    %c0_i32_0 = arith.constant 0 : i32
    return %arg0, %c0_i32 : i32, i32
  }
  func.func @transform_1(%arg0: i32) -> (i32, i32) {
    %c0_i32 = arith.constant 0 : i32
    %c0_i32_0 = arith.constant 0 : i32
    return %arg0, %c0_i32 : i32, i32
  }
  func.func @transform_2(%arg0: i32) -> (i32, i32) {
    %c0_i32 = arith.constant 0 : i32
    %c0_i32_0 = arith.constant 0 : i32
    %c0_i32_1 = arith.constant 0 : i32
    return %c0_i32, %c0_i32_0 : i32, i32
  }
  func.func @transform_3(%arg0: i32) -> (i32, i32) {
    %c0_i32 = arith.constant 0 : i32
    %c0_i32_0 = arith.constant 0 : i32
    %c0_i32_1 = arith.constant 0 : i32
    return %c0_i32, %c0_i32_0 : i32, i32
  }
  func.func @transform_4(%arg0: i32) -> (i32, i32) {
    %c0_i32 = arith.constant 0 : i32
    %c0_i32_0 = arith.constant 0 : i32
    %c0_i32_1 = arith.constant 0 : i32
    return %c0_i32, %c0_i32_0 : i32, i32
  }
  func.func @transform_5(%arg0: i32) -> (i32, i32) {
    %c0_i32 = arith.constant 0 : i32
    %c0_i32_0 = arith.constant 0 : i32
    %c0_i32_1 = arith.constant 0 : i32
    return %c0_i32, %c0_i32_0 : i32, i32
  }
  func.func @transform_6(%arg0: i32) -> (i32, i32) {
    %c0_i32 = arith.constant 0 : i32
    %c0_i32_0 = arith.constant 0 : i32
    %c0_i32_1 = arith.constant 0 : i32
    return %c0_i32, %c0_i32_0 : i32, i32
  }
  func.func @transform_7(%arg0: i32) -> (i32, i32) {
    %c0_i32 = arith.constant 0 : i32
    %c0_i32_0 = arith.constant 0 : i32
    %c0_i32_1 = arith.constant 0 : i32
    return %c0_i32, %c0_i32_0 : i32, i32
  }
  func.func @transform_8(%arg0: i32) -> (i32, i32) {
    %c0_i32 = arith.constant 0 : i32
    %c0_i32_0 = arith.constant 0 : i32
    %c0_i32_1 = arith.constant 0 : i32
    return %c0_i32, %c0_i32_0 : i32, i32
  }
  func.func @transform_9(%arg0: i32) -> (i32, i32) {
    %c0_i32 = arith.constant 0 : i32
    %c0_i32_0 = arith.constant 0 : i32
    %c0_i32_1 = arith.constant 0 : i32
    return %c0_i32, %c0_i32_0 : i32, i32
  }
  func.func @transform_10(%arg0: i32) -> (i32, i32) {
    %c0_i32 = arith.constant 0 : i32
    %c0_i32_0 = arith.constant 0 : i32
    %c0_i32_1 = arith.constant 0 : i32
    return %c0_i32, %c0_i32_0 : i32, i32
  }
}

</mosaic_0001>

<sc_bundles>
// kernel: kernel.14.cloned.1.call-start
scs
__scs_entry_jumppad:
0x0: {  	(pc) =	sbr.rel $0x88, $3  }
0x1: {  	(tag) =	ssettag $0x0;
	lr =	simm.s32 $0x1  }
0x2: {  	[smem:$0x3F92] =	sst lr;
	_ =	strace $0xD0000000  }
0x3: {  	_ = 	snop  }
0x4: {  	_ = 	snop  }
0x5: {  	_ = 	snop  }
0x6: {  	_ = 	snop  }
0x7: {  	_ = 	snop  }
__scs_overlays_trampoline_lowered:
0x8: {  	[smem:$0x3FA1] =	sst s0  }
0x9: {  	[smem:$0x3FA2] =	sst s1  }
0xa: {  	[smem:$0x3FA3] =	sst s2  }
0xb: {  	[smem:$0x3FA4] =	sst s3  }
0xc: {  	[smem:$0x3FA5] =	sst s4  }
0xd: {  	[smem:$0x3FA6] =	sst s5  }
0xe: {  	[smem:$0x3FA7] =	sst s6  }
0xf: {  	[smem:$0x3FA8] =	sst s7  }
0x10: {  	[smem:$0x3FA9] =	sst s8  }
0x11: {  	[smem:$0x3FAA] =	sst s9;
	s0 =	simm.s32 @!p0 $0x0  }
0x12: {  	s1 =	sld [smem:$0x3F90];
	s0 =	simm.s32 @p0 $0x1  }
0x13: {  	[smem:$0x3FAB] =	sst s0;
	s0 =	simm.s32 @!p1 $0x0  }
0x14: {  	s2 =	sld [smem:$0x3F8F];
	s0 =	simm.s32 @p1 $0x1  }
0x15: {  	[smem:$0x3FAC] =	sst s0;
	s0 =	simm.s32 @!p2 $0x0  }
0x16: {  	s3 =	sld [smem:$0x3FDB];
	s0 =	simm.s32 @p2 $0x1  }
0x17: {  	s4 =	simm.s32 $0x1BF5;
	[smem:$0x3FAE] =	sst s0  }
0x18: {  	s0 =	sld [smem:$0x3F91];
	_ =	swait.ge [sflag:s4], $0x0  }
0x19: {  	s7 =	sld [smem:$0x3F92]  }
0x1a: {  	s8 =	sadd.s32 $0xFFFFE003, lr  }
0x1b: {  	s9 =	sadd.s32 $0xFFFFFEF7, lr;
	s5 =	simm.s32 $0xFFFFFFFF;
	p2 =	slt.u32 s8, $0xFFFFF086  }
0x1c: {  	p1 =	slt.u32 s9, $0xF7A;
	s5 =	simm.s32 @!p2 $0x0  }
0x1d: {  	s5 =	simm.s32 @p1 $0x1;
	p0 =	seq.s32 s7, s2  }
0x1e: {  	s7 =	smul.u32 @!p0 $0xF7A, s2;
	p2 =	seq.s32 @!p0 s5, $0x0  }
0x1f: {  	s9 =	smul.u32 $0xF7A, s1;
	s8 =	simm.s32 @!p0 $0x1BF5;
	p2 =	por !p2, p0  }
0x20: {  	[sflag:s8] =	ssyncset.s32 @!p0 $0xFFFFF086;
	s6 =	sadd.s32 @!p0 s3, s7;
	s7 =	simm.s32 @!p0 $0x108  }
0x21: {  	s3 =	sadd.s32 s3, s9;
	s6 =	sadd.s32 @!p0 $0x88, s6;
	s7 =	simm.s32 @p2 $0x1082  }
0x22: {  	[simem:s7], [sflag:s8] =	dma.local @!p0 [hbm:s6], $0xF7A  }
0x23: {  	s9 =	sor.u32 $0xD0000000, s2;
	s6 =	simm.s32 $0x108;
	_ =	swait.ge @!p0 [sflag:s8], $0x0  }
0x24: {  	s3 =	sadd.s32 $0x88, s3;
	s6 =	simm.s32 @!p1 $0x1082;
	[sflag:s4] =	ssyncset.s32 $0xFFFFF086  }
0x25: {  	[simem:s6], [sflag:s4] =	dma.local [hbm:s3], $0xF7A  }
0x26: {  	[smem:$0x3F92] =	sst s1;
	(tag) =	ssettag s2;
	_ =	strace s9  }
0x27: {  	s1 =	sld [smem:$0x3FA2]  }
0x28: {  	s2 =	sld [smem:$0x3FA3]  }
0x29: {  	s4 =	sld [smem:$0x3FA5]  }
0x2a: {  	p0 =	seq.s32 s5, $0x0;
	s5 =	sld [smem:$0x3FA6]  }
0x2b: {  	s6 =	sld [smem:$0x3FA7]  }
0x2c: {  	s7 =	sld [smem:$0x3FA8]  }
0x2d: {  	s3 =	simm.s32 $0x108;
	s8 =	sld [smem:$0x3FA9]  }
0x2e: {  	s3 =	simm.s32 @!p0 $0x1082;
	s9 =	sld [smem:$0x3FAA]  }
0x2f: {  	lr =	sadd.s32 s0, s3;
	s0 =	sld [smem:$0x3FA1]  }
0x30: {  	s3 =	sld [smem:$0x3FA4]  }
0x31: {  	[smem:$0x3FAD] =	sst s10  }
0x32: {  	s10 =	sld [smem:$0x3FAB];
	_ =	sdelay $0x3  }
0x33: {  	p0 =	seq.s32 s10, $0x1;
	s10 =	sld [smem:$0x3FAD];
	_ =	sdelay $0x3  }
0x34: {  	[smem:$0x3FAD] =	sst s10  }
0x35: {  	s10 =	sld [smem:$0x3FAC];
	_ =	sdelay $0x3  }
0x36: {  	p1 =	seq.s32 s10, $0x1;
	s10 =	sld [smem:$0x3FAD];
	_ =	sdelay $0x3  }
0x37: {  	[smem:$0x3FAD] =	sst s10  }
0x38: {  	s10 =	sld [smem:$0x3FAE]  }
0x39: {  	_ = 	snop;
	(pc) =	sbr.ind lr, $3  }
0x3a: {  	_ = 	snop  }
0x3b: {  	_ = 	snop  }
0x3c: {  	p2 =	seq.s32 s10, $0x1;
	s10 =	sld [smem:$0x3FAD]  }
0x3d: {  	_ =	shalt  }
0x3e: {  	_ =	shalt  }
0x3f: {  	_ =	shalt  }
0x40: {  	_ =	shalt  }
0x41: {  	_ =	shalt  }
0x42: {  	_ =	shalt  }
0x43: {  	_ =	shalt  }
0x44: {  	_ =	shalt  }
0x45: {  	_ =	shalt  }
0x46: {  	_ =	shalt  }
0x47: {  	_ =	shalt  }
0x48: {  	_ =	shalt  }
0x49: {  	_ =	shalt  }
0x4a: {  	_ =	shalt  }
0x4b: {  	_ =	shalt  }
0x4c: {  	_ =	shalt  }
0x4d: {  	_ =	shalt  }
0x4e: {  	_ =	shalt  }
0x4f: {  	_ =	shalt  }
0x50: {  	_ =	shalt  }
0x51: {  	_ =	shalt  }
0x52: {  	_ =	shalt  }
0x53: {  	_ =	shalt  }
0x54: {  	_ =	shalt  }
0x55: {  	_ =	shalt  }
0x56: {  	_ =	shalt  }
0x57: {  	_ =	shalt  }
0x58: {  	_ =	shalt  }
0x59: {  	_ =	shalt  }
0x5a: {  	_ =	shalt  }
0x5b: {  	_ =	shalt  }
0x5c: {  	_ =	shalt  }
0x5d: {  	_ =	shalt  }
0x5e: {  	_ =	shalt  }
0x5f: {  	_ =	shalt  }
0x60: {  	_ =	shalt  }
0x61: {  	_ =	shalt  }
0x62: {  	_ =	shalt  }
0x63: {  	_ =	shalt  }
0x64: {  	_ =	shalt  }
0x65: {  	_ =	shalt  }
0x66: {  	_ =	shalt  }
0x67: {  	_ =	shalt  }
0x68: {  	_ =	shalt  }
0x69: {  	_ =	shalt  }
0x6a: {  	_ =	shalt  }
0x6b: {  	_ =	shalt  }
0x6c: {  	_ =	shalt  }
0x6d: {  	_ =	shalt  }
0x6e: {  	_ =	shalt  }
0x6f: {  	_ =	shalt  }
0x70: {  	_ =	shalt  }
0x71: {  	_ =	shalt  }
0x72: {  	_ =	shalt  }
0x73: {  	_ =	shalt  }
0x74: {  	_ =	shalt  }
0x75: {  	_ =	shalt  }
0x76: {  	_ =	shalt  }
0x77: {  	_ =	shalt  }
0x78: {  	_ =	shalt  }
0x79: {  	_ =	shalt  }
0x7a: {  	_ =	shalt  }
0x7b: {  	_ =	shalt  }
0x7c: {  	_ =	shalt  }
0x7d: {  	_ =	shalt  }
0x7e: {  	_ =	shalt  }
0x7f: {  	_ =	shalt  }
0x80: {  	_ =	shalt  }
0x81: {  	_ =	shalt  }
0x82: {  	_ =	shalt  }
0x83: {  	_ =	shalt  }
0x84: {  	_ =	shalt  }
0x85: {  	_ =	shalt  }
0x86: {  	_ =	shalt  }
0x87: {  	_ =	shalt  }
.Lfunc_end0:
.L_simem_size_0:
called_computation_lowered:
.L_overlay_start_0:
0x88: {  	s2 =	sld [smem:$0x3FD9]  }
0x89: {  	s3 =	sld [smem:$0x3FFE];
	_ =	sdelay $0x1  }
0x8a: {  	s1 =	srdreg.scid  }
0x8b: {  	s0 =	sand.u32 $0x1, s1  }
0x8c: {  	s16 =	sshll.u32 s0, $0xA;
	s2 =	sadd.s32 s3, s2  }
0x8d: {  	s2 =	sadd.s32 s2, s16  }
0x8e: {  	[smem:$0x3FB9] =	sst s2  }
0x8f: {  	_ = 	snop  }
0x90: {  	(tm) =	ssettm $0x1  }
0x91: {  	s17 =	sld [smem:$0x3FFB];
	_ =	sdelay $0x3  }
0x92: {  	_ =	strace s17  }
0x93: {  	s2 =	sld [smem:$0x3FFC];
	_ =	sdelay $0x3  }
0x94: {  	_ =	strace s2  }
0x95: {  	s2 =	sld [smem:$0x3FFD];
	_ =	sdelay $0x3  }
0x96: {  	_ =	strace s2  }
0x97: {  	_ =	strace $0x8FFFFFFF  }
0x98: {  	s18 =	sld [smem:$0x3FDB];
	_ =	sdelay $0x1  }
0x99: {  	s19 =	simm.s32 $_scs_section_size  }
0x9a: {  	s4 =	simm.s32 $_size__tile_overlayer_lowered;
	s5 =	simm.s32 $_tile_overlayer_lowered  }
0x9b: {  	s22 =	simm.s32 $0x1BFF;
	s21 =	sshll.u32 s5, $0x1;
	s2 =	sadd.s32 s19, s18  }
0x9c: {  	s6 =	simm.s32 $0x0;
	s20 =	sshll.u32 s4, $0x1;
	s4 =	sadd.s32 s21, s2  }
0x9d: {  	[timem:s6], [sflag:s22] =	dma.local [hbm:s4], s20  }
0x9e: {  	_ =	swait.ge [sflag:s22], s20  }
0x9f: {  	s3 =	ssub.s32 $0x0, s20;
	[sflag:s22] =	ssyncset.done $0x0  }
0xa0: {  	[sflag:s22] =	ssyncadd.s32 s3;
	_ =	sdelay $0x1  }
0xa1: {  	s23 =	simm.s32 $0x1B8B  }
0xa2: {  	_ =	swait.ge [sflag:s23], $0x1  }
0xa3: {  	[sflag:s23] =	ssyncset.done $0x0  }
0xa4: {  	s25 =	simm.s32 $0x1B8E;
	s24 =	sld [smem:$0x3FFE];
	[sflag:s23] =	ssyncadd.s32 $0xFFFFFFFF  }
0xa5: {  	s26 =	simm.s32 $execute0_lowered;
	[smem:$0x3FD2] =	sst s25  }
0xa6: {  	s4 =	sshll.u32 s26, $0x1;
	_ =	strace $0x80000046;
	[dreg:$0x1] =	wrdreg $0xFFFFFFFF  }
0xa7: {  	s28 =	simm.s32 $_size_execute0_lowered;
	s2 =	sadd.s32 s2, s4;
	[dreg:$0x0] =	wrdreg $0x0  }
0xa8: {  	s4 =	sshll.u32 s28, $0x1;
	[dreg:$0x2] =	wrdreg s2  }
0xa9: {  	[dreg:$0x3] =	wrdreg s4  }
0xaa: {  	[dreg:$0x4] =	wrdreg $0xC0  }
0xab: {  	_ =	task [dreg:s6], $0x5FFFF  }
0xac: {  	[dreg:$0x1] =	wrdreg $0xFFFFFFFF  }
0xad: {  	[dreg:$0x0] =	wrdreg $0x60  }
0xae: {  	[dreg:$0x2] =	wrdreg s24  }
0xaf: {  	[dreg:$0x3] =	wrdreg $0x68000  }
0xb0: {  	[dreg:$0x4] =	wrdreg $0x9  }
0xb1: {  	_ =	task.clear_ibuf [dreg:s6], $0x5FFFF;
	_ =	strace $0x90000046  }
0xb2: {  	s29 =	simm.s32 $0x9;
	_ =	strace $0x80000048  }
0xb3: {  	_ =	swait.ge [sflag:s29], $0x1  }
0xb4: {  	[sflag:s29] =	ssyncadd.s32 $0xFFFFFFFF  }
0xb5: {  	_ =	strace $0x90000048  }
0xb6: {  	_ =	sfence  }
0xb7: {  	s30 =	sld [smem:$0x0];
	_ =	sdelay $0x2  }
0xb8: {  	s31 =	sshll.u32 s1, $0xD;
	s1 =	sshrl.u32 s1, $0x2  }
0xb9: {  	s3 =	sand.u32 $0x4000, s31;
	s1 =	sadd.s32 s1, s30  }
0xba: {  	s0 =	sor.u32 s3, s0;
	s1 =	sshll.u32 s1, $0x11  }
0xbb: {  	s0 =	sor.u32 s1, s0  }
0xbc: {  	s0 =	sadd.s32 $0x8F2B, s0  }
0xbd: {  	[sflag:s0] =	ssyncadd.remote.s32 $0x1  }
0xbe: {  	_ =	sfence.sel $0xFFFF  }
0xbf: {  	[dreg:$0x0] =	wrdreg $0xFFFFFFFF;
	(pc) =	sbr.abs _section_cstart, $3  }
0xc0: {  	[dreg:$0x1] =	wrdreg $0xFFFFFFFF  }
0xc1: {  	_ =	task.clear_ibuf [dreg:s6], $0x2FFFF;
	_ =	strace $0x9FFFFFFF  }
0xc2: {  	(tm) =	ssettm $0x7FFFFFFF  }
0xc3: {  	_ =	shalt  }
tec
execute0_lowered:
.L_overlay_start_1:
0x0: {  	(tag) =	ssettag $0x1  }
0x1: {  	s0 =	srdreg.scid;
	s6 =	rddreg [dreg:$0x0]  }
0x2: {  	s9 =	stileid.u32;
	s1 =	rddreg [dreg:$0x1];
	s2 =	simm.s32 $0x0  }
0x3: {  	s3 =	sand.u32 $0x1, s0;
	[smem:$0x7FF] =	sst s2;
	s14 =	smul.u32 $0x2700, s9  }
0x4: {  	s8 =	smul.u32 $0x4E000, s9;
	s31 =	sshll.u32 s9, $0x6;
	s15 =	sadd.s32 $0x138000, s1  }
0x5: {  	p0 =	sne.s32 s9, $0x0;
	s0 =	sshll.u32 s3, $0x4;
	s5 =	smul.u32 $0x27180, s3  }
0x6: {  	s29 =	ssub.s32 $0x2, s3;
	s3 =	sadd.s32 $0x38000, s6;
	s4 =	sor.u32 s9, s0  }
0x7: {  	s0 =	rddreg [dreg:$0x2];
	_ =	strace $0x80000047;
	s10 =	sadd.s32 s14, s6  }
0x8: {  	s11 =	sshrl.u32 s29, $0x1;
	s30 =	sshrl.u32 s8, $0x2;
	s4 =	smul.u32 $0x500, s4  }
0x9: {  	s12 =	sadd.s32 s5, s6;
	s11 =	ssub.s32 s29, s11;
	s13 =	sadd.s32 s30, s1  }
0xa: {  	s5 =	sor.u32 $0x1C01, s31;
	s16 =	sadd.s32 $0x38800, s12;
	s8 =	smax.u32 s11, $0x1  }
0xb: {  	s9 =	sshrl.u32 s13, $0x3;
	s11 =	sshrl.u32 @!p0 s15, $0x3;
	s12 =	simm.s32 $0x2800  }
0xc: {  	s13 =	simm.s32 $0x80;
	s7 =	sadd.s32 s4, s6;
	s4 =	sadd.s32 $0x10E00, s10  }
0xd: {  	s6 =	sadd.s32 $0x37E00, s6;
	s10 =	simm.s32 $0x1;
	s14 =	sadd.s32 s14, s16  }
0xe: {  	s15 =	sadd.s32 @!p0 $0x27000, s16;
	s16 =	simm.s32 $0x0;
	s7 =	sadd.s32 $0x6E00, s7  }
.LBB2_1:
0xf: {  	[spmem:s9], [sflag:s5] =	dma.local [hbm:s4], $0x2700  }
0x10: {  	_ =	swait.ge [sflag:s10], $0x2700  }
0x11: {  	[sflag:s10] =	ssyncset.done $0x0  }
0x12: {  	s17 =	simm.s32 @!p0 $0x1;
	[sflag:s10] =	ssyncadd.s32 $0xFFFFD900  }
0x13: {  	[spmem:s11], [sflag:s5] =	dma.local @!p0 [hbm:s6], $0x180  }
0x14: {  	_ =	swait.ge @!p0 [sflag:s17], $0x180  }
0x15: {  	[sflag:s17] =	ssyncset.done @!p0 $0x0  }
0x16: {  	[sflag:s17] =	ssyncadd.s32 @!p0 $0xFFFFFE80  }
0x17: {  	[tilespmem:s2], [sflag:$0x1] =	stream.linear.gather [hbm4b:s7+s2], $0x2800, $0x38;
	[tilespmem:$0x1A0C0] =	vst v63  }
0x18: {  	_ =	swait.ge [sflag:s10], $0x2800  }
0x19: {  	[sflag:s10] =	ssyncset.done $0x0  }
0x1a: {  	[sflag:s10] =	ssyncadd.s32 $0xFFFFD800  }
0x1b: {  	[tilespmem:s12], [sflag:$0x1] =	stream.linear.gather [hbm4b:s3+s2], $0x4000, $0x38;
	[tilespmem:$0x1A0C0] =	vst v63  }
0x1c: {  	_ =	swait.ge [sflag:s10], $0x4000  }
0x1d: {  	[sflag:s10] =	ssyncset.done $0x0  }
0x1e: {  	[sflag:s10] =	ssyncadd.s32 $0xFFFFC000  }
0x1f: {  	s31 =	simm.s32 $0x0;
	[bflag:$0x0] =	sbarrier.arrive $0xFFFF  }
0x20: {  	[spmem:s1] =	stream.indirect.scatter.add.f32 [tilespmem:s12], [sflag:$0x1], $0x80, s31, s13, $0xb8;
	[tilespmem:$0x1A0C0] =	vst v63  }
0x21: {  	_ =	swait.ge [sflag:s10], $0x4000  }
0x22: {  	s17 =	simm.s32 $0x200;
	[sflag:s10] =	ssyncset.done $0x0  }
.LBB2_2:
0x23: {  	s18 =	sshra.s32 s17, $0x2;
	[sflag:s10] =	ssyncadd.s32 $0xFFFFC000;
	p1 =	sne.s32 s17, $0x9E00  }
0x24: {  	[spmem:s1] =	stream.indirect.scatter.add.f32 [tilespmem:s12], [sflag:$0x1], $0x80, s18, s13, $0xb8;
	[tilespmem:$0x1A0C0] =	vst v63  }
.Ltmp0:
0x25: {  	_ = 	snop;
	(pc) =	sbr.rel @p1 .LBB2_2-.Ltmp0, $4  }
0x26: {  	_ = 	snop  }
0x27: {  	s17 =	sadd.s32 $0x200, s17  }
0x28: {  	_ =	swait.ge [sflag:s10], $0x4000  }
0x29: {  	[sflag:s10] =	ssyncset.done $0x0  }
0x2a: {  	[sflag:s10] =	ssyncadd.s32 $0xFFFFC000  }
0x2b: {  	[bflag:$0x0] =	sbarrier.arrive $0xFFFF  }
0x2c: {  	[hbm:s14], [sflag:s5] =	dma.local [spmem:s9], $0x2700  }
0x2d: {  	s16 =	sadd.s32 $0x1, s16;
	_ =	swait.ge [sflag:s10], $0x2700  }
0x2e: {  	p1 =	sne.s32 s16, s8;
	[sflag:s10] =	ssyncset.done $0x0  }
.Ltmp1:
0x2f: {  	s17 =	simm.s32 @!p0 $0x1;
	[sflag:s10] =	ssyncadd.s32 $0xFFFFD900;
	(pc) =	sbr.rel @p1 .LBB2_1-.Ltmp1, $4  }
0x30: {  	[hbm:s15], [sflag:s5] =	dma.local @!p0 [spmem:s11], $0x180  }
0x31: {  	_ =	swait.ge @!p0 [sflag:s17], $0x180  }
0x32: {  	[sflag:s17] =	ssyncset.done @!p0 $0x0  }
0x33: {  	[sflag:s17] =	ssyncadd.s32 @!p0 $0xFFFFFE80  }
0x34: {  	_ =	sfence.sel $0x180000  }
0x35: {  	[bflag:$0x0] =	sbarrier.arrive $0xFFFF  }
0x36: {  	_ =	strace $0x90000047  }
0x37: {  	s0 =	sadd.s32 @!p0 $0x100000, s0;
	[bflag:$0x2] =	sbarrier.arrive $0xFFFF  }
0x38: {  	[sflag:s0] =	ssyncadd.tile.s32 @!p0 $0x1;
	_ =	shalt  }
.Lfunc_end2:
_tile_overlayer_lowered:
.L_overlay_start_2:
0x39: {  	(tag) =	ssettag $0x2  }
0x3a: {  	s0 =	rddreg [dreg:$0x0];
	s2 =	stileid.u32  }
0x3b: {  	s1 =	rddreg [dreg:$0x1];
	p0 =	sne.s32 s2, $0x0  }
0x3c: {  	s3 =	rddreg [dreg:$0x2];
	[bflag:$0x3] =	sbarrier.arrive $0xFFFF;
	s2 =	simm.s32 @!p0 $0x1C01  }
0x3d: {  	[timem:s3], [sflag:s2] =	dma.local @!p0 [hbm:s0], s1  }
0x3e: {  	s0 =	simm.s32 @!p0 $0x1  }
0x3f: {  	_ =	swait.ge @!p0 [sflag:s0], s1  }
0x40: {  	s1 =	ssub.s32 @!p0 $0x0, s1;
	[sflag:s0] =	ssyncset.done @!p0 $0x0  }
0x41: {  	[sflag:s0] =	ssyncadd.s32 @!p0 s1  }
0x42: {  	[bflag:$0x3] =	sbarrier.arrive $0xFFFF  }
0x43: {  	_ =	shalt  }

// kernel: kernel.17.cloned.1.call-start
scs
__scs_entry_jumppad:
0x0: {  	(pc) =	sbr.rel $0x88, $3  }
0x1: {  	(tag) =	ssettag $0x0;
	lr =	simm.s32 $0x1  }
0x2: {  	[smem:$0x3F92] =	sst lr;
	_ =	strace $0xD0000000  }
0x3: {  	_ = 	snop  }
0x4: {  	_ = 	snop  }
0x5: {  	_ = 	snop  }
0x6: {  	_ = 	snop  }
0x7: {  	_ = 	snop  }
__scs_overlays_trampoline_lowered:
0x8: {  	[smem:$0x3FA1] =	sst s0  }
0x9: {  	[smem:$0x3FA2] =	sst s1  }
0xa: {  	[smem:$0x3FA3] =	sst s2  }
0xb: {  	[smem:$0x3FA4] =	sst s3  }
0xc: {  	[smem:$0x3FA5] =	sst s4  }
0xd: {  	[smem:$0x3FA6] =	sst s5  }
0xe: {  	[smem:$0x3FA7] =	sst s6  }
0xf: {  	[smem:$0x3FA8] =	sst s7  }
0x10: {  	[smem:$0x3FA9] =	sst s8  }
0x11: {  	[smem:$0x3FAA] =	sst s9;
	s0 =	simm.s32 @!p0 $0x0  }
0x12: {  	s1 =	sld [smem:$0x3F90];
	s0 =	simm.s32 @p0 $0x1  }
0x13: {  	[smem:$0x3FAB] =	sst s0;
	s0 =	simm.s32 @!p1 $0x0  }
0x14: {  	s2 =	sld [smem:$0x3F8F];
	s0 =	simm.s32 @p1 $0x1  }
0x15: {  	[smem:$0x3FAC] =	sst s0;
	s0 =	simm.s32 @!p2 $0x0  }
0x16: {  	s3 =	sld [smem:$0x3FDB];
	s0 =	simm.s32 @p2 $0x1  }
0x17: {  	s4 =	simm.s32 $0x1BF5;
	[smem:$0x3FAE] =	sst s0  }
0x18: {  	s0 =	sld [smem:$0x3F91];
	_ =	swait.ge [sflag:s4], $0x0  }
0x19: {  	s7 =	sld [smem:$0x3F92]  }
0x1a: {  	s8 =	sadd.s32 $0xFFFFE003, lr  }
0x1b: {  	s9 =	sadd.s32 $0xFFFFFEF7, lr;
	s5 =	simm.s32 $0xFFFFFFFF;
	p2 =	slt.u32 s8, $0xFFFFF086  }
0x1c: {  	p1 =	slt.u32 s9, $0xF7A;
	s5 =	simm.s32 @!p2 $0x0  }
0x1d: {  	s5 =	simm.s32 @p1 $0x1;
	p0 =	seq.s32 s7, s2  }
0x1e: {  	s7 =	smul.u32 @!p0 $0xF7A, s2;
	p2 =	seq.s32 @!p0 s5, $0x0  }
0x1f: {  	s9 =	smul.u32 $0xF7A, s1;
	s8 =	simm.s32 @!p0 $0x1BF5;
	p2 =	por !p2, p0  }
0x20: {  	[sflag:s8] =	ssyncset.s32 @!p0 $0xFFFFF086;
	s6 =	sadd.s32 @!p0 s3, s7;
	s7 =	simm.s32 @!p0 $0x108  }
0x21: {  	s3 =	sadd.s32 s3, s9;
	s6 =	sadd.s32 @!p0 $0x88, s6;
	s7 =	simm.s32 @p2 $0x1082  }
0x22: {  	[simem:s7], [sflag:s8] =	dma.local @!p0 [hbm:s6], $0xF7A  }
0x23: {  	s9 =	sor.u32 $0xD0000000, s2;
	s6 =	simm.s32 $0x108;
	_ =	swait.ge @!p0 [sflag:s8], $0x0  }
0x24: {  	s3 =	sadd.s32 $0x88, s3;
	s6 =	simm.s32 @!p1 $0x1082;
	[sflag:s4] =	ssyncset.s32 $0xFFFFF086  }
0x25: {  	[simem:s6], [sflag:s4] =	dma.local [hbm:s3], $0xF7A  }
0x26: {  	[smem:$0x3F92] =	sst s1;
	(tag) =	ssettag s2;
	_ =	strace s9  }
0x27: {  	s1 =	sld [smem:$0x3FA2]  }
0x28: {  	s2 =	sld [smem:$0x3FA3]  }
0x29: {  	s4 =	sld [smem:$0x3FA5]  }
0x2a: {  	p0 =	seq.s32 s5, $0x0;
	s5 =	sld [smem:$0x3FA6]  }
0x2b: {  	s6 =	sld [smem:$0x3FA7]  }
0x2c: {  	s7 =	sld [smem:$0x3FA8]  }
0x2d: {  	s3 =	simm.s32 $0x108;
	s8 =	sld [smem:$0x3FA9]  }
0x2e: {  	s3 =	simm.s32 @!p0 $0x1082;
	s9 =	sld [smem:$0x3FAA]  }
0x2f: {  	lr =	sadd.s32 s0, s3;
	s0 =	sld [smem:$0x3FA1]  }
0x30: {  	s3 =	sld [smem:$0x3FA4]  }
0x31: {  	[smem:$0x3FAD] =	sst s10  }
0x32: {  	s10 =	sld [smem:$0x3FAB];
	_ =	sdelay $0x3  }
0x33: {  	p0 =	seq.s32 s10, $0x1;
	s10 =	sld [smem:$0x3FAD];
	_ =	sdelay $0x3  }
0x34: {  	[smem:$0x3FAD] =	sst s10  }
0x35: {  	s10 =	sld [smem:$0x3FAC];
	_ =	sdelay $0x3  }
0x36: {  	p1 =	seq.s32 s10, $0x1;
	s10 =	sld [smem:$0x3FAD];
	_ =	sdelay $0x3  }
0x37: {  	[smem:$0x3FAD] =	sst s10  }
0x38: {  	s10 =	sld [smem:$0x3FAE]  }
0x39: {  	_ = 	snop;
	(pc) =	sbr.ind lr, $3  }
0x3a: {  	_ = 	snop  }
0x3b: {  	_ = 	snop  }
0x3c: {  	p2 =	seq.s32 s10, $0x1;
	s10 =	sld [smem:$0x3FAD]  }
0x3d: {  	_ =	shalt  }
0x3e: {  	_ =	shalt  }
0x3f: {  	_ =	shalt  }
0x40: {  	_ =	shalt  }
0x41: {  	_ =	shalt  }
0x42: {  	_ =	shalt  }
0x43: {  	_ =	shalt  }
0x44: {  	_ =	shalt  }
0x45: {  	_ =	shalt  }
0x46: {  	_ =	shalt  }
0x47: {  	_ =	shalt  }
0x48: {  	_ =	shalt  }
0x49: {  	_ =	shalt  }
0x4a: {  	_ =	shalt  }
0x4b: {  	_ =	shalt  }
0x4c: {  	_ =	shalt  }
0x4d: {  	_ =	shalt  }
0x4e: {  	_ =	shalt  }
0x4f: {  	_ =	shalt  }
0x50: {  	_ =	shalt  }
0x51: {  	_ =	shalt  }
0x52: {  	_ =	shalt  }
0x53: {  	_ =	shalt  }
0x54: {  	_ =	shalt  }
0x55: {  	_ =	shalt  }
0x56: {  	_ =	shalt  }
0x57: {  	_ =	shalt  }
0x58: {  	_ =	shalt  }
0x59: {  	_ =	shalt  }
0x5a: {  	_ =	shalt  }
0x5b: {  	_ =	shalt  }
0x5c: {  	_ =	shalt  }
0x5d: {  	_ =	shalt  }
0x5e: {  	_ =	shalt  }
0x5f: {  	_ =	shalt  }
0x60: {  	_ =	shalt  }
0x61: {  	_ =	shalt  }
0x62: {  	_ =	shalt  }
0x63: {  	_ =	shalt  }
0x64: {  	_ =	shalt  }
0x65: {  	_ =	shalt  }
0x66: {  	_ =	shalt  }
0x67: {  	_ =	shalt  }
0x68: {  	_ =	shalt  }
0x69: {  	_ =	shalt  }
0x6a: {  	_ =	shalt  }
0x6b: {  	_ =	shalt  }
0x6c: {  	_ =	shalt  }
0x6d: {  	_ =	shalt  }
0x6e: {  	_ =	shalt  }
0x6f: {  	_ =	shalt  }
0x70: {  	_ =	shalt  }
0x71: {  	_ =	shalt  }
0x72: {  	_ =	shalt  }
0x73: {  	_ =	shalt  }
0x74: {  	_ =	shalt  }
0x75: {  	_ =	shalt  }
0x76: {  	_ =	shalt  }
0x77: {  	_ =	shalt  }
0x78: {  	_ =	shalt  }
0x79: {  	_ =	shalt  }
0x7a: {  	_ =	shalt  }
0x7b: {  	_ =	shalt  }
0x7c: {  	_ =	shalt  }
0x7d: {  	_ =	shalt  }
0x7e: {  	_ =	shalt  }
0x7f: {  	_ =	shalt  }
0x80: {  	_ =	shalt  }
0x81: {  	_ =	shalt  }
0x82: {  	_ =	shalt  }
0x83: {  	_ =	shalt  }
0x84: {  	_ =	shalt  }
0x85: {  	_ =	shalt  }
0x86: {  	_ =	shalt  }
0x87: {  	_ =	shalt  }
.Lfunc_end0:
.L_simem_size_0:
called_computation.1_lowered:
.L_overlay_start_0:
0x88: {  	s2 =	sld [smem:$0x3FD9]  }
0x89: {  	s3 =	sld [smem:$0x3FFE];
	_ =	sdelay $0x1  }
0x8a: {  	s1 =	srdreg.scid  }
0x8b: {  	s0 =	sand.u32 $0x1, s1  }
0x8c: {  	s16 =	sshll.u32 s0, $0xA;
	s2 =	sadd.s32 s3, s2  }
0x8d: {  	s2 =	sadd.s32 s2, s16  }
0x8e: {  	[smem:$0x3FB9] =	sst s2  }
0x8f: {  	_ = 	snop  }
0x90: {  	(tm) =	ssettm $0x1  }
0x91: {  	s17 =	sld [smem:$0x3FFB];
	_ =	sdelay $0x3  }
0x92: {  	_ =	strace s17  }
0x93: {  	s2 =	sld [smem:$0x3FFC];
	_ =	sdelay $0x3  }
0x94: {  	_ =	strace s2  }
0x95: {  	s2 =	sld [smem:$0x3FFD];
	_ =	sdelay $0x3  }
0x96: {  	_ =	strace s2  }
0x97: {  	_ =	strace $0x8FFFFFFF  }
0x98: {  	s18 =	sld [smem:$0x3FDB];
	_ =	sdelay $0x1  }
0x99: {  	s19 =	simm.s32 $_scs_section_size  }
0x9a: {  	s4 =	simm.s32 $_size__tile_overlayer_lowered;
	s5 =	simm.s32 $_tile_overlayer_lowered  }
0x9b: {  	s22 =	simm.s32 $0x1BFF;
	s21 =	sshll.u32 s5, $0x1;
	s2 =	sadd.s32 s19, s18  }
0x9c: {  	s6 =	simm.s32 $0x0;
	s20 =	sshll.u32 s4, $0x1;
	s4 =	sadd.s32 s21, s2  }
0x9d: {  	[timem:s6], [sflag:s22] =	dma.local [hbm:s4], s20  }
0x9e: {  	_ =	swait.ge [sflag:s22], s20  }
0x9f: {  	s3 =	ssub.s32 $0x0, s20;
	[sflag:s22] =	ssyncset.done $0x0  }
0xa0: {  	[sflag:s22] =	ssyncadd.s32 s3;
	_ =	sdelay $0x1  }
0xa1: {  	s23 =	simm.s32 $0x1B8B  }
0xa2: {  	_ =	swait.ge [sflag:s23], $0x1  }
0xa3: {  	[sflag:s23] =	ssyncset.done $0x0  }
0xa4: {  	s25 =	simm.s32 $0x1B8E;
	s24 =	sld [smem:$0x3FFE];
	[sflag:s23] =	ssyncadd.s32 $0xFFFFFFFF  }
0xa5: {  	s26 =	simm.s32 $execute0_lowered;
	[smem:$0x3FD2] =	sst s25  }
0xa6: {  	s4 =	sshll.u32 s26, $0x1;
	_ =	strace $0x80000049;
	[dreg:$0x1] =	wrdreg $0xFFFFFFFF  }
0xa7: {  	s28 =	simm.s32 $_size_execute0_lowered;
	s2 =	sadd.s32 s2, s4;
	[dreg:$0x0] =	wrdreg $0x0  }
0xa8: {  	s4 =	sshll.u32 s28, $0x1;
	[dreg:$0x2] =	wrdreg s2  }
0xa9: {  	[dreg:$0x3] =	wrdreg s4  }
0xaa: {  	[dreg:$0x4] =	wrdreg $0xC0  }
0xab: {  	_ =	task [dreg:s6], $0x5FFFF  }
0xac: {  	[dreg:$0x1] =	wrdreg $0xFFFFFFFF  }
0xad: {  	[dreg:$0x0] =	wrdreg $0x60  }
0xae: {  	[dreg:$0x2] =	wrdreg s24  }
0xaf: {  	[dreg:$0x3] =	wrdreg $0xA8000  }
0xb0: {  	[dreg:$0x4] =	wrdreg $0x9  }
0xb1: {  	_ =	task.clear_ibuf [dreg:s6], $0x5FFFF;
	_ =	strace $0x90000049  }
0xb2: {  	s29 =	simm.s32 $0x9;
	_ =	strace $0x8000004B  }
0xb3: {  	_ =	swait.ge [sflag:s29], $0x1  }
0xb4: {  	[sflag:s29] =	ssyncadd.s32 $0xFFFFFFFF  }
0xb5: {  	_ =	strace $0x9000004B  }
0xb6: {  	_ =	sfence  }
0xb7: {  	s30 =	sld [smem:$0x0];
	_ =	sdelay $0x2  }
0xb8: {  	s31 =	sshll.u32 s1, $0xD;
	s1 =	sshrl.u32 s1, $0x2  }
0xb9: {  	s3 =	sand.u32 $0x4000, s31;
	s1 =	sadd.s32 s1, s30  }
0xba: {  	s0 =	sor.u32 s3, s0;
	s1 =	sshll.u32 s1, $0x11  }
0xbb: {  	s0 =	sor.u32 s1, s0  }
0xbc: {  	s0 =	sadd.s32 $0x8F2B, s0  }
0xbd: {  	[sflag:s0] =	ssyncadd.remote.s32 $0x1  }
0xbe: {  	_ =	sfence.sel $0xFFFF  }
0xbf: {  	[dreg:$0x0] =	wrdreg $0xFFFFFFFF;
	(pc) =	sbr.abs _section_cstart, $3  }
0xc0: {  	[dreg:$0x1] =	wrdreg $0xFFFFFFFF  }
0xc1: {  	_ =	task.clear_ibuf [dreg:s6], $0x2FFFF;
	_ =	strace $0x9FFFFFFF  }
0xc2: {  	(tm) =	ssettm $0x7FFFFFFF  }
0xc3: {  	_ =	shalt  }
tec
execute0_lowered:
.L_overlay_start_1:
0x0: {  	(tag) =	ssettag $0x1  }
0x1: {  	s7 =	rddreg [dreg:$0x0]  }
0x2: {  	s1 =	rddreg [dreg:$0x1]  }
0x3: {  	s0 =	rddreg [dreg:$0x2]  }
0x4: {  	s2 =	simm.s32 $0x0;
	s14 =	stileid.u32;
	s4 =	srdreg.scid  }
0x5: {  	s18 =	simm.s32 $0x80;
	s19 =	simm.s32 $0x2800;
	s20 =	simm.s32 $0x6800  }
0x6: {  	s21 =	simm.s32 $0x1;
	s22 =	simm.s32 $0x2;
	s23 =	simm.s32 $0x2700  }
0x7: {  	s24 =	simm.s32 $0x2780;
	s25 =	simm.s32 $0x0;
	[smem:$0x7FF] =	sst s2  }
0x8: {  	s3 =	smul.u32 $0x2700, s14;
	s5 =	sand.u32 $0x1, s4;
	s4 =	sadd.s32 $0x38000, s7  }
0x9: {  	s12 =	sadd.s32 $0x86C00, s7;
	s13 =	sadd.s32 $0x6E00, s7;
	s8 =	smul.u32 $0x4E000, s14  }
0xa: {  	s31 =	sshll.u32 s14, $0x6;
	s17 =	sadd.s32 $0x138000, s1;
	p0 =	sne.s32 s14, $0x0  }
0xb: {  	_ =	strace $0x8000004A;
	s6 =	smul.u32 $0x27180, s5;
	s29 =	ssub.s32 $0x2, s5  }
0xc: {  	s5 =	sshll.u32 s5, $0x4;
	s9 =	sadd.s32 s3, s7;
	s11 =	sshrl.u32 s29, $0x1  }
0xd: {  	s8 =	sshrl.u32 s8, $0x2;
	s30 =	sor.u32 s14, s5;
	s10 =	sadd.s32 s6, s7  }
0xe: {  	s11 =	ssub.s32 s29, s11;
	s15 =	sadd.s32 s8, s1;
	s16 =	smul.u32 $0x2800, s30  }
0xf: {  	s5 =	sadd.s32 $0x10E00, s9;
	s6 =	sor.u32 $0x1C03, s31;
	s7 =	sadd.s32 $0x37E00, s7  }
0x10: {  	s8 =	sadd.s32 $0x90C00, s10;
	s9 =	smax.u32 s11, $0x1;
	s16 =	sshrl.u32 s16, $0x3  }
0x11: {  	s10 =	sadd.s32 s12, s16;
	s11 =	sadd.s32 s13, s16;
	s16 =	sadd.s32 $0x280, s16  }
0x12: {  	s14 =	sshrl.u32 s15, $0x3;
	s15 =	simm.s32 $0x3;
	s12 =	sadd.s32 s12, s16  }
0x13: {  	s13 =	sadd.s32 s13, s16;
	s16 =	sshrl.u32 @!p0 s17, $0x3;
	s17 =	simm.s32 $0x1400  }
.LBB2_1:
0x14: {  	[spmem:s14], [sflag:s6] =	dma.local [hbm:s5], $0x2700  }
0x15: {  	_ =	swait.ge [sflag:s15], $0x2700  }
0x16: {  	[sflag:s15] =	ssyncset.done $0x0  }
0x17: {  	s26 =	simm.s32 @!p0 $0x3;
	[sflag:s15] =	ssyncadd.s32 $0xFFFFD900  }
0x18: {  	[spmem:s16], [sflag:s6] =	dma.local @!p0 [hbm:s7], $0x180  }
0x19: {  	_ =	swait.ge @!p0 [sflag:s26], $0x180  }
0x1a: {  	[sflag:s26] =	ssyncset.done @!p0 $0x0  }
0x1b: {  	[sflag:s26] =	ssyncadd.s32 @!p0 $0xFFFFFE80  }
0x1c: {  	[bflag:$0x0] =	sbarrier.arrive $0xFFFF  }
0x1d: {  	[tilespmem:s2], [sflag:$0x3] =	stream.linear.gather [hbm4b:s10+s2], $0x1400, $0x38;
	[tilespmem:$0x1E0C0] =	vst v63  }
0x1e: {  	_ =	swait.ge [sflag:s15], $0x1400  }
0x1f: {  	[sflag:s15] =	ssyncset.done $0x0  }
0x20: {  	[sflag:s15] =	ssyncadd.s32 $0xFFFFEC00  }
0x21: {  	[tilespmem:s17], [sflag:$0x3] =	stream.linear.gather [hbm4b:s11+s2], $0x1400, $0x38;
	[tilespmem:$0x1E0C0] =	vst v63  }
0x22: {  	_ =	swait.ge [sflag:s15], $0x1400  }
0x23: {  	[sflag:s15] =	ssyncset.done $0x0  }
0x24: {  	[sflag:s15] =	ssyncadd.s32 $0xFFFFEC00  }
0x25: {  	[tilespmem:s19], [sflag:$0x1] =	stream.indirect.gather [hbm4b:s4+s18], $0x80, s2, s18, $0xb8;
	[tilespmem:$0x1E0C0] =	vst v63  }
0x26: {  	_ = 	snop  }
0x27: {  	[tilespmem:s20], [sflag:$0x2] =	stream.indirect.gather [hbm4b:s4+s18], $0x80, s18, s18, $0xb8;
	[tilespmem:$0x1E0C0] =	vst v63  }
0x28: {  	_ =	swait.ge [sflag:s21], $0x4000  }
0x29: {  	[sflag:s21] =	ssyncset.done $0x0  }
0x2a: {  	s29 =	simm.s32 $0x1400;
	[sflag:s21] =	ssyncadd.s32 $0xFFFFC000  }
0x2b: {  	[spmem:s1] =	stream.indirect.scatter.add.f32 [tilespmem:s19], [sflag:$0x3], $0x80, s29, s18, $0xb8;
	[tilespmem:$0x1E0C0] =	vst v63  }
0x2c: {  	_ =	swait.ge [sflag:s15], $0x4000  }
0x2d: {  	[sflag:s15] =	ssyncset.done $0x0  }
0x2e: {  	s30 =	simm.s32 $0x100;
	[sflag:s15] =	ssyncadd.s32 $0xFFFFC000  }
0x2f: {  	[tilespmem:s19], [sflag:$0x1] =	stream.indirect.gather [hbm4b:s4+s18], $0x80, s30, s18, $0xb8;
	[tilespmem:$0x1E0C0] =	vst v63  }
0x30: {  	_ =	swait.ge [sflag:s22], $0x4000  }
0x31: {  	[sflag:s22] =	ssyncset.done $0x0  }
0x32: {  	s31 =	simm.s32 $0x1480;
	[sflag:s22] =	ssyncadd.s32 $0xFFFFC000  }
0x33: {  	[spmem:s1] =	stream.indirect.scatter.add.f32 [tilespmem:s20], [sflag:$0x3], $0x80, s31, s18, $0xb8;
	[tilespmem:$0x1E0C0] =	vst v63  }
0x34: {  	_ =	swait.ge [sflag:s15], $0x4000  }
0x35: {  	[sflag:s15] =	ssyncset.done $0x0  }
0x36: {  	s28 =	simm.s32 $0x180;
	s26 =	simm.s32 $0x400;
	[sflag:s15] =	ssyncadd.s32 $0xFFFFC000  }
.LBB2_2:
0x37: {  	[tilespmem:s20], [sflag:$0x2] =	stream.indirect.gather [hbm4b:s4+s18], $0x80, s28, s18, $0xb8;
	[tilespmem:$0x1E0C0] =	vst v63  }
0x38: {  	s28 =	smov.u32 s26  }
0x39: {  	p1 =	sne.s32 s26, $0x4800;
	s26 =	sadd.s32 $0x400, s26;
	_ =	swait.ge [sflag:s21], $0x4000  }
0x3a: {  	s28 =	sshra.s32 s28, $0x2;
	[sflag:s21] =	ssyncset.done $0x0  }
0x3b: {  	s29 =	sadd.s32 $0x1400, s28;
	[sflag:s21] =	ssyncadd.s32 $0xFFFFC000  }
0x3c: {  	[spmem:s1] =	stream.indirect.scatter.add.f32 [tilespmem:s19], [sflag:$0x3], $0x80, s29, s18, $0xb8;
	[tilespmem:$0x1E0C0] =	vst v63  }
0x3d: {  	_ =	swait.ge [sflag:s15], $0x4000  }
0x3e: {  	[sflag:s15] =	ssyncset.done $0x0  }
0x3f: {  	s29 =	sadd.s32 $0x100, s28;
	[sflag:s15] =	ssyncadd.s32 $0xFFFFC000  }
0x40: {  	[tilespmem:s19], [sflag:$0x1] =	stream.indirect.gather [hbm4b:s4+s18], $0x80, s29, s18, $0xb8;
	[tilespmem:$0x1E0C0] =	vst v63  }
0x41: {  	_ =	swait.ge [sflag:s22], $0x4000  }
0x42: {  	[sflag:s22] =	ssyncset.done $0x0  }
.Ltmp0:
0x43: {  	s29 =	sadd.s32 $0x1480, s28;
	[sflag:s22] =	ssyncadd.s32 $0xFFFFC000;
	(pc) =	sbr.rel @p1 .LBB2_2-.Ltmp0, $4  }
0x44: {  	[spmem:s1] =	stream.indirect.scatter.add.f32 [tilespmem:s20], [sflag:$0x3], $0x80, s29, s18, $0xb8;
	[tilespmem:$0x1E0C0] =	vst v63  }
0x45: {  	_ =	swait.ge [sflag:s15], $0x4000  }
0x46: {  	[sflag:s15] =	ssyncset.done $0x0  }
0x47: {  	s28 =	sadd.s32 $0x180, s28;
	[sflag:s15] =	ssyncadd.s32 $0xFFFFC000  }
0x48: {  	[tilespmem:s20], [sflag:$0x2] =	stream.indirect.gather [hbm4b:s4+s18], $0x80, s28, s18, $0xb8;
	[tilespmem:$0x1E0C0] =	vst v63  }
0x49: {  	_ =	swait.ge [sflag:s21], $0x4000  }
0x4a: {  	[sflag:s21] =	ssyncset.done $0x0  }
0x4b: {  	[sflag:s21] =	ssyncadd.s32 $0xFFFFC000  }
0x4c: {  	[spmem:s1] =	stream.indirect.scatter.add.f32 [tilespmem:s19], [sflag:$0x3], $0x80, s23, s18, $0xb8;
	[tilespmem:$0x1E0C0] =	vst v63  }
0x4d: {  	_ =	swait.ge [sflag:s15], $0x4000  }
0x4e: {  	[sflag:s15] =	ssyncset.done $0x0  }
0x4f: {  	[sflag:s15] =	ssyncadd.s32 $0xFFFFC000  }
0x50: {  	_ =	swait.ge [sflag:s22], $0x4000  }
0x51: {  	[sflag:s22] =	ssyncset.done $0x0  }
0x52: {  	[sflag:s22] =	ssyncadd.s32 $0xFFFFC000  }
0x53: {  	[spmem:s1] =	stream.indirect.scatter.add.f32 [tilespmem:s20], [sflag:$0x3], $0x80, s24, s18, $0xb8;
	[tilespmem:$0x1E0C0] =	vst v63  }
0x54: {  	_ =	swait.ge [sflag:s15], $0x4000  }
0x55: {  	[sflag:s15] =	ssyncset.done $0x0  }
0x56: {  	s26 =	simm.s32 $0x0;
	[sflag:s15] =	ssyncadd.s32 $0xFFFFC000  }
0x57: {  	[tilespmem:s26], [sflag:$0x3] =	stream.linear.gather [hbm4b:s12+s26], $0x1400, $0x38;
	[tilespmem:$0x1E0C0] =	vst v63  }
0x58: {  	_ =	swait.ge [sflag:s15], $0x1400  }
0x59: {  	[sflag:s15] =	ssyncset.done $0x0  }
0x5a: {  	[sflag:s15] =	ssyncadd.s32 $0xFFFFEC00  }
0x5b: {  	[tilespmem:s17], [sflag:$0x3] =	stream.linear.gather [hbm4b:s13+s26], $0x1400, $0x38;
	[tilespmem:$0x1E0C0] =	vst v63  }
0x5c: {  	_ =	swait.ge [sflag:s15], $0x1400  }
0x5d: {  	[sflag:s15] =	ssyncset.done $0x0  }
0x5e: {  	[sflag:s15] =	ssyncadd.s32 $0xFFFFEC00  }
0x5f: {  	[tilespmem:s19], [sflag:$0x1] =	stream.indirect.gather [hbm4b:s4+s18], $0x80, s26, s18, $0xb8;
	[tilespmem:$0x1E0C0] =	vst v63  }
0x60: {  	_ = 	snop  }
0x61: {  	[tilespmem:s20], [sflag:$0x2] =	stream.indirect.gather [hbm4b:s4+s18], $0x80, s18, s18, $0xb8;
	[tilespmem:$0x1E0C0] =	vst v63  }
0x62: {  	_ =	swait.ge [sflag:s21], $0x4000  }
0x63: {  	[sflag:s21] =	ssyncset.done $0x0  }
0x64: {  	s29 =	simm.s32 $0x1400;
	[sflag:s21] =	ssyncadd.s32 $0xFFFFC000  }
0x65: {  	[spmem:s1] =	stream.indirect.scatter.add.f32 [tilespmem:s19], [sflag:$0x3], $0x80, s29, s18, $0xb8;
	[tilespmem:$0x1E0C0] =	vst v63  }
0x66: {  	_ =	swait.ge [sflag:s15], $0x4000  }
0x67: {  	[sflag:s15] =	ssyncset.done $0x0  }
0x68: {  	s30 =	simm.s32 $0x100;
	[sflag:s15] =	ssyncadd.s32 $0xFFFFC000  }
0x69: {  	[tilespmem:s19], [sflag:$0x1] =	stream.indirect.gather [hbm4b:s4+s18], $0x80, s30, s18, $0xb8;
	[tilespmem:$0x1E0C0] =	vst v63  }
0x6a: {  	_ =	swait.ge [sflag:s22], $0x4000  }
0x6b: {  	[sflag:s22] =	ssyncset.done $0x0  }
0x6c: {  	s31 =	simm.s32 $0x1480;
	[sflag:s22] =	ssyncadd.s32 $0xFFFFC000  }
0x6d: {  	[spmem:s1] =	stream.indirect.scatter.add.f32 [tilespmem:s20], [sflag:$0x3], $0x80, s31, s18, $0xb8;
	[tilespmem:$0x1E0C0] =	vst v63  }
0x6e: {  	_ =	swait.ge [sflag:s15], $0x4000  }
0x6f: {  	[sflag:s15] =	ssyncset.done $0x0  }
0x70: {  	s28 =	simm.s32 $0x180;
	s26 =	simm.s32 $0x400;
	[sflag:s15] =	ssyncadd.s32 $0xFFFFC000  }
.LBB2_4:
0x71: {  	[tilespmem:s20], [sflag:$0x2] =	stream.indirect.gather [hbm4b:s4+s18], $0x80, s28, s18, $0xb8;
	[tilespmem:$0x1E0C0] =	vst v63  }
0x72: {  	s28 =	smov.u32 s26  }
0x73: {  	p1 =	sne.s32 s26, $0x4800;
	s26 =	sadd.s32 $0x400, s26;
	_ =	swait.ge [sflag:s21], $0x4000  }
0x74: {  	s28 =	sshra.s32 s28, $0x2;
	[sflag:s21] =	ssyncset.done $0x0  }
0x75: {  	s29 =	sadd.s32 $0x1400, s28;
	[sflag:s21] =	ssyncadd.s32 $0xFFFFC000  }
0x76: {  	[spmem:s1] =	stream.indirect.scatter.add.f32 [tilespmem:s19], [sflag:$0x3], $0x80, s29, s18, $0xb8;
	[tilespmem:$0x1E0C0] =	vst v63  }
0x77: {  	_ =	swait.ge [sflag:s15], $0x4000  }
0x78: {  	[sflag:s15] =	ssyncset.done $0x0  }
0x79: {  	s29 =	sadd.s32 $0x100, s28;
	[sflag:s15] =	ssyncadd.s32 $0xFFFFC000  }
0x7a: {  	[tilespmem:s19], [sflag:$0x1] =	stream.indirect.gather [hbm4b:s4+s18], $0x80, s29, s18, $0xb8;
	[tilespmem:$0x1E0C0] =	vst v63  }
0x7b: {  	_ =	swait.ge [sflag:s22], $0x4000  }
0x7c: {  	[sflag:s22] =	ssyncset.done $0x0  }
.Ltmp1:
0x7d: {  	s29 =	sadd.s32 $0x1480, s28;
	[sflag:s22] =	ssyncadd.s32 $0xFFFFC000;
	(pc) =	sbr.rel @p1 .LBB2_4-.Ltmp1, $4  }
0x7e: {  	[spmem:s1] =	stream.indirect.scatter.add.f32 [tilespmem:s20], [sflag:$0x3], $0x80, s29, s18, $0xb8;
	[tilespmem:$0x1E0C0] =	vst v63  }
0x7f: {  	_ =	swait.ge [sflag:s15], $0x4000  }
0x80: {  	[sflag:s15] =	ssyncset.done $0x0  }
0x81: {  	s28 =	sadd.s32 $0x180, s28;
	[sflag:s15] =	ssyncadd.s32 $0xFFFFC000  }
0x82: {  	[tilespmem:s20], [sflag:$0x2] =	stream.indirect.gather [hbm4b:s4+s18], $0x80, s28, s18, $0xb8;
	[tilespmem:$0x1E0C0] =	vst v63  }
0x83: {  	_ =	swait.ge [sflag:s21], $0x4000  }
0x84: {  	[sflag:s21] =	ssyncset.done $0x0  }
0x85: {  	[sflag:s21] =	ssyncadd.s32 $0xFFFFC000  }
0x86: {  	[spmem:s1] =	stream.indirect.scatter.add.f32 [tilespmem:s19], [sflag:$0x3], $0x80, s23, s18, $0xb8;
	[tilespmem:$0x1E0C0] =	vst v63  }
0x87: {  	_ =	swait.ge [sflag:s15], $0x4000  }
0x88: {  	[sflag:s15] =	ssyncset.done $0x0  }
0x89: {  	[sflag:s15] =	ssyncadd.s32 $0xFFFFC000  }
0x8a: {  	_ =	swait.ge [sflag:s22], $0x4000  }
0x8b: {  	[sflag:s22] =	ssyncset.done $0x0  }
0x8c: {  	[sflag:s22] =	ssyncadd.s32 $0xFFFFC000  }
0x8d: {  	[spmem:s1] =	stream.indirect.scatter.add.f32 [tilespmem:s20], [sflag:$0x3], $0x80, s24, s18, $0xb8;
	[tilespmem:$0x1E0C0] =	vst v63  }
0x8e: {  	_ =	swait.ge [sflag:s15], $0x4000  }
0x8f: {  	[sflag:s15] =	ssyncset.done $0x0  }
0x90: {  	[sflag:s15] =	ssyncadd.s32 $0xFFFFC000  }
0x91: {  	s26 =	sadd.s32 s3, s8;
	[bflag:$0x0] =	sbarrier.arrive $0xFFFF  }
0x92: {  	[hbm:s26], [sflag:s6] =	dma.local [spmem:s14], $0x2700  }
0x93: {  	_ =	swait.ge [sflag:s15], $0x2700  }
0x94: {  	s25 =	sadd.s32 $0x1, s25;
	[sflag:s15] =	ssyncset.done $0x0  }
0x95: {  	p1 =	sne.s32 s25, s9;
	s26 =	sadd.s32 @!p0 $0x27000, s8;
	[sflag:s15] =	ssyncadd.s32 $0xFFFFD900  }
0x96: {  	[hbm:s26], [sflag:s6] =	dma.local @!p0 [spmem:s16], $0x180  }
.Ltmp2:
0x97: {  	_ = 	snop;
	(pc) =	sbr.rel @p1 .LBB2_1-.Ltmp2, $4  }
0x98: {  	s26 =	simm.s32 @!p0 $0x3  }
0x99: {  	_ =	swait.ge @!p0 [sflag:s26], $0x180  }
0x9a: {  	[sflag:s26] =	ssyncset.done @!p0 $0x0  }
0x9b: {  	[sflag:s26] =	ssyncadd.s32 @!p0 $0xFFFFFE80  }
0x9c: {  	_ =	sfence.sel $0x180000  }
0x9d: {  	[bflag:$0x0] =	sbarrier.arrive $0xFFFF  }
0x9e: {  	_ =	strace $0x9000004A  }
0x9f: {  	s0 =	sadd.s32 @!p0 $0x100000, s0;
	[bflag:$0x2] =	sbarrier.arrive $0xFFFF  }
0xa0: {  	[sflag:s0] =	ssyncadd.tile.s32 @!p0 $0x1;
	_ =	shalt  }
.Lfunc_end2:
_tile_overlayer_lowered:
.L_overlay_start_2:
0xa1: {  	(tag) =	ssettag $0x2  }
0xa2: {  	s0 =	rddreg [dreg:$0x0];
	s2 =	stileid.u32  }
0xa3: {  	s1 =	rddreg [dreg:$0x1];
	p0 =	sne.s32 s2, $0x0  }
0xa4: {  	s3 =	rddreg [dreg:$0x2];
	[bflag:$0x3] =	sbarrier.arrive $0xFFFF;
	s2 =	simm.s32 @!p0 $0x1C03  }
0xa5: {  	[timem:s3], [sflag:s2] =	dma.local @!p0 [hbm:s0], s1  }
0xa6: {  	s0 =	simm.s32 @!p0 $0x3  }
0xa7: {  	_ =	swait.ge @!p0 [sflag:s0], s1  }
0xa8: {  	s1 =	ssub.s32 @!p0 $0x0, s1;
	[sflag:s0] =	ssyncset.done @!p0 $0x0  }
0xa9: {  	[sflag:s0] =	ssyncadd.s32 @!p0 s1  }
0xaa: {  	[bflag:$0x3] =	sbarrier.arrive $0xFFFF  }
0xab: {  	_ =	shalt  }

// kernel: kernel.20.cloned.1.call-start
scs
__scs_entry_jumppad:
0x0: {  	(pc) =	sbr.rel $0x88, $3  }
0x1: {  	(tag) =	ssettag $0x0;
	lr =	simm.s32 $0x1  }
0x2: {  	[smem:$0x3F92] =	sst lr;
	_ =	strace $0xD0000000  }
0x3: {  	_ = 	snop  }
0x4: {  	_ = 	snop  }
0x5: {  	_ = 	snop  }
0x6: {  	_ = 	snop  }
0x7: {  	_ = 	snop  }
__scs_overlays_trampoline_lowered:
0x8: {  	[smem:$0x3FA1] =	sst s0  }
0x9: {  	[smem:$0x3FA2] =	sst s1  }
0xa: {  	[smem:$0x3FA3] =	sst s2  }
0xb: {  	[smem:$0x3FA4] =	sst s3  }
0xc: {  	[smem:$0x3FA5] =	sst s4  }
0xd: {  	[smem:$0x3FA6] =	sst s5  }
0xe: {  	[smem:$0x3FA7] =	sst s6  }
0xf: {  	[smem:$0x3FA8] =	sst s7  }
0x10: {  	[smem:$0x3FA9] =	sst s8  }
0x11: {  	[smem:$0x3FAA] =	sst s9;
	s0 =	simm.s32 @!p0 $0x0  }
0x12: {  	s1 =	sld [smem:$0x3F90];
	s0 =	simm.s32 @p0 $0x1  }
0x13: {  	[smem:$0x3FAB] =	sst s0;
	s0 =	simm.s32 @!p1 $0x0  }
0x14: {  	s2 =	sld [smem:$0x3F8F];
	s0 =	simm.s32 @p1 $0x1  }
0x15: {  	[smem:$0x3FAC] =	sst s0;
	s0 =	simm.s32 @!p2 $0x0  }
0x16: {  	s3 =	sld [smem:$0x3FDB];
	s0 =	simm.s32 @p2 $0x1  }
0x17: {  	s4 =	simm.s32 $0x1BF5;
	[smem:$0x3FAE] =	sst s0  }
0x18: {  	s0 =	sld [smem:$0x3F91];
	_ =	swait.ge [sflag:s4], $0x0  }
0x19: {  	s7 =	sld [smem:$0x3F92]  }
0x1a: {  	s8 =	sadd.s32 $0xFFFFE003, lr  }
0x1b: {  	s9 =	sadd.s32 $0xFFFFFEF7, lr;
	s5 =	simm.s32 $0xFFFFFFFF;
	p2 =	slt.u32 s8, $0xFFFFF086  }
0x1c: {  	p1 =	slt.u32 s9, $0xF7A;
	s5 =	simm.s32 @!p2 $0x0  }
0x1d: {  	s5 =	simm.s32 @p1 $0x1;
	p0 =	seq.s32 s7, s2  }
0x1e: {  	s7 =	smul.u32 @!p0 $0xF7A, s2;
	p2 =	seq.s32 @!p0 s5, $0x0  }
0x1f: {  	s9 =	smul.u32 $0xF7A, s1;
	s8 =	simm.s32 @!p0 $0x1BF5;
	p2 =	por !p2, p0  }
0x20: {  	[sflag:s8] =	ssyncset.s32 @!p0 $0xFFFFF086;
	s6 =	sadd.s32 @!p0 s3, s7;
	s7 =	simm.s32 @!p0 $0x108  }
0x21: {  	s3 =	sadd.s32 s3, s9;
	s6 =	sadd.s32 @!p0 $0x88, s6;
	s7 =	simm.s32 @p2 $0x1082  }
0x22: {  	[simem:s7], [sflag:s8] =	dma.local @!p0 [hbm:s6], $0xF7A  }
0x23: {  	s9 =	sor.u32 $0xD0000000, s2;
	s6 =	simm.s32 $0x108;
	_ =	swait.ge @!p0 [sflag:s8], $0x0  }
0x24: {  	s3 =	sadd.s32 $0x88, s3;
	s6 =	simm.s32 @!p1 $0x1082;
	[sflag:s4] =	ssyncset.s32 $0xFFFFF086  }
0x25: {  	[simem:s6], [sflag:s4] =	dma.local [hbm:s3], $0xF7A  }
0x26: {  	[smem:$0x3F92] =	sst s1;
	(tag) =	ssettag s2;
	_ =	strace s9  }
0x27: {  	s1 =	sld [smem:$0x3FA2]  }
0x28: {  	s2 =	sld [smem:$0x3FA3]  }
0x29: {  	s4 =	sld [smem:$0x3FA5]  }
0x2a: {  	p0 =	seq.s32 s5, $0x0;
	s5 =	sld [smem:$0x3FA6]  }
0x2b: {  	s6 =	sld [smem:$0x3FA7]  }
0x2c: {  	s7 =	sld [smem:$0x3FA8]  }
0x2d: {  	s3 =	simm.s32 $0x108;
	s8 =	sld [smem:$0x3FA9]  }
0x2e: {  	s3 =	simm.s32 @!p0 $0x1082;
	s9 =	sld [smem:$0x3FAA]  }
0x2f: {  	lr =	sadd.s32 s0, s3;
	s0 =	sld [smem:$0x3FA1]  }
0x30: {  	s3 =	sld [smem:$0x3FA4]  }
0x31: {  	[smem:$0x3FAD] =	sst s10  }
0x32: {  	s10 =	sld [smem:$0x3FAB];
	_ =	sdelay $0x3  }
0x33: {  	p0 =	seq.s32 s10, $0x1;
	s10 =	sld [smem:$0x3FAD];
	_ =	sdelay $0x3  }
0x34: {  	[smem:$0x3FAD] =	sst s10  }
0x35: {  	s10 =	sld [smem:$0x3FAC];
	_ =	sdelay $0x3  }
0x36: {  	p1 =	seq.s32 s10, $0x1;
	s10 =	sld [smem:$0x3FAD];
	_ =	sdelay $0x3  }
0x37: {  	[smem:$0x3FAD] =	sst s10  }
0x38: {  	s10 =	sld [smem:$0x3FAE]  }
0x39: {  	_ = 	snop;
	(pc) =	sbr.ind lr, $3  }
0x3a: {  	_ = 	snop  }
0x3b: {  	_ = 	snop  }
0x3c: {  	p2 =	seq.s32 s10, $0x1;
	s10 =	sld [smem:$0x3FAD]  }
0x3d: {  	_ =	shalt  }
0x3e: {  	_ =	shalt  }
0x3f: {  	_ =	shalt  }
0x40: {  	_ =	shalt  }
0x41: {  	_ =	shalt  }
0x42: {  	_ =	shalt  }
0x43: {  	_ =	shalt  }
0x44: {  	_ =	shalt  }
0x45: {  	_ =	shalt  }
0x46: {  	_ =	shalt  }
0x47: {  	_ =	shalt  }
0x48: {  	_ =	shalt  }
0x49: {  	_ =	shalt  }
0x4a: {  	_ =	shalt  }
0x4b: {  	_ =	shalt  }
0x4c: {  	_ =	shalt  }
0x4d: {  	_ =	shalt  }
0x4e: {  	_ =	shalt  }
0x4f: {  	_ =	shalt  }
0x50: {  	_ =	shalt  }
0x51: {  	_ =	shalt  }
0x52: {  	_ =	shalt  }
0x53: {  	_ =	shalt  }
0x54: {  	_ =	shalt  }
0x55: {  	_ =	shalt  }
0x56: {  	_ =	shalt  }
0x57: {  	_ =	shalt  }
0x58: {  	_ =	shalt  }
0x59: {  	_ =	shalt  }
0x5a: {  	_ =	shalt  }
0x5b: {  	_ =	shalt  }
0x5c: {  	_ =	shalt  }
0x5d: {  	_ =	shalt  }
0x5e: {  	_ =	shalt  }
0x5f: {  	_ =	shalt  }
0x60: {  	_ =	shalt  }
0x61: {  	_ =	shalt  }
0x62: {  	_ =	shalt  }
0x63: {  	_ =	shalt  }
0x64: {  	_ =	shalt  }
0x65: {  	_ =	shalt  }
0x66: {  	_ =	shalt  }
0x67: {  	_ =	shalt  }
0x68: {  	_ =	shalt  }
0x69: {  	_ =	shalt  }
0x6a: {  	_ =	shalt  }
0x6b: {  	_ =	shalt  }
0x6c: {  	_ =	shalt  }
0x6d: {  	_ =	shalt  }
0x6e: {  	_ =	shalt  }
0x6f: {  	_ =	shalt  }
0x70: {  	_ =	shalt  }
0x71: {  	_ =	shalt  }
0x72: {  	_ =	shalt  }
0x73: {  	_ =	shalt  }
0x74: {  	_ =	shalt  }
0x75: {  	_ =	shalt  }
0x76: {  	_ =	shalt  }
0x77: {  	_ =	shalt  }
0x78: {  	_ =	shalt  }
0x79: {  	_ =	shalt  }
0x7a: {  	_ =	shalt  }
0x7b: {  	_ =	shalt  }
0x7c: {  	_ =	shalt  }
0x7d: {  	_ =	shalt  }
0x7e: {  	_ =	shalt  }
0x7f: {  	_ =	shalt  }
0x80: {  	_ =	shalt  }
0x81: {  	_ =	shalt  }
0x82: {  	_ =	shalt  }
0x83: {  	_ =	shalt  }
0x84: {  	_ =	shalt  }
0x85: {  	_ =	shalt  }
0x86: {  	_ =	shalt  }
0x87: {  	_ =	shalt  }
.Lfunc_end0:
.L_simem_size_0:
called_computation.2_lowered:
.L_overlay_start_0:
0x88: {  	s2 =	sld [smem:$0x3FD9]  }
0x89: {  	s3 =	sld [smem:$0x3FFE];
	_ =	sdelay $0x1  }
0x8a: {  	s1 =	srdreg.scid  }
0x8b: {  	s0 =	sand.u32 $0x1, s1  }
0x8c: {  	s16 =	sshll.u32 s0, $0xA;
	s2 =	sadd.s32 s3, s2  }
0x8d: {  	s2 =	sadd.s32 s2, s16  }
0x8e: {  	[smem:$0x3FB9] =	sst s2  }
0x8f: {  	_ = 	snop  }
0x90: {  	(tm) =	ssettm $0x1  }
0x91: {  	s17 =	sld [smem:$0x3FFB];
	_ =	sdelay $0x3  }
0x92: {  	_ =	strace s17  }
0x93: {  	s2 =	sld [smem:$0x3FFC];
	_ =	sdelay $0x3  }
0x94: {  	_ =	strace s2  }
0x95: {  	s2 =	sld [smem:$0x3FFD];
	_ =	sdelay $0x3  }
0x96: {  	_ =	strace s2  }
0x97: {  	_ =	strace $0x8FFFFFFF  }
0x98: {  	s18 =	sld [smem:$0x3FDB];
	_ =	sdelay $0x1  }
0x99: {  	s19 =	simm.s32 $_scs_section_size  }
0x9a: {  	s4 =	simm.s32 $_size__tile_overlayer_lowered;
	s5 =	simm.s32 $_tile_overlayer_lowered  }
0x9b: {  	s22 =	simm.s32 $0x1BFF;
	s21 =	sshll.u32 s5, $0x1;
	s2 =	sadd.s32 s19, s18  }
0x9c: {  	s6 =	simm.s32 $0x0;
	s20 =	sshll.u32 s4, $0x1;
	s4 =	sadd.s32 s21, s2  }
0x9d: {  	[timem:s6], [sflag:s22] =	dma.local [hbm:s4], s20  }
0x9e: {  	_ =	swait.ge [sflag:s22], s20  }
0x9f: {  	s3 =	ssub.s32 $0x0, s20;
	[sflag:s22] =	ssyncset.done $0x0  }
0xa0: {  	[sflag:s22] =	ssyncadd.s32 s3;
	_ =	sdelay $0x1  }
0xa1: {  	s23 =	simm.s32 $0x1B8B  }
0xa2: {  	_ =	swait.ge [sflag:s23], $0x1  }
0xa3: {  	[sflag:s23] =	ssyncset.done $0x0  }
0xa4: {  	s25 =	simm.s32 $0x1B8E;
	s24 =	sld [smem:$0x3FFE];
	[sflag:s23] =	ssyncadd.s32 $0xFFFFFFFF  }
0xa5: {  	s26 =	simm.s32 $execute0_lowered;
	[smem:$0x3FD2] =	sst s25  }
0xa6: {  	s4 =	sshll.u32 s26, $0x1;
	_ =	strace $0x8000004C;
	[dreg:$0x1] =	wrdreg $0xFFFFFFFF  }
0xa7: {  	s28 =	simm.s32 $_size_execute0_lowered;
	s2 =	sadd.s32 s2, s4;
	[dreg:$0x0] =	wrdreg $0x0  }
0xa8: {  	s4 =	sshll.u32 s28, $0x1;
	[dreg:$0x2] =	wrdreg s2  }
0xa9: {  	[dreg:$0x3] =	wrdreg s4  }
0xaa: {  	[dreg:$0x4] =	wrdreg $0xC0  }
0xab: {  	_ =	task [dreg:s6], $0x5FFFF  }
0xac: {  	[dreg:$0x1] =	wrdreg $0xFFFFFFFF  }
0xad: {  	[dreg:$0x0] =	wrdreg $0x60  }
0xae: {  	[dreg:$0x2] =	wrdreg s24  }
0xaf: {  	[dreg:$0x3] =	wrdreg $0xA8000  }
0xb0: {  	[dreg:$0x4] =	wrdreg $0x9  }
0xb1: {  	_ =	task.clear_ibuf [dreg:s6], $0x5FFFF;
	_ =	strace $0x9000004C  }
0xb2: {  	s29 =	simm.s32 $0x9;
	_ =	strace $0x8000004E  }
0xb3: {  	_ =	swait.ge [sflag:s29], $0x1  }
0xb4: {  	[sflag:s29] =	ssyncadd.s32 $0xFFFFFFFF  }
0xb5: {  	_ =	strace $0x9000004E  }
0xb6: {  	_ =	sfence  }
0xb7: {  	s30 =	sld [smem:$0x0];
	_ =	sdelay $0x2  }
0xb8: {  	s31 =	sshll.u32 s1, $0xD;
	s1 =	sshrl.u32 s1, $0x2  }
0xb9: {  	s3 =	sand.u32 $0x4000, s31;
	s1 =	sadd.s32 s1, s30  }
0xba: {  	s0 =	sor.u32 s3, s0;
	s1 =	sshll.u32 s1, $0x11  }
0xbb: {  	s0 =	sor.u32 s1, s0  }
0xbc: {  	s0 =	sadd.s32 $0x8F2B, s0  }
0xbd: {  	[sflag:s0] =	ssyncadd.remote.s32 $0x1  }
0xbe: {  	_ =	sfence.sel $0xFFFF  }
0xbf: {  	[dreg:$0x0] =	wrdreg $0xFFFFFFFF;
	(pc) =	sbr.abs _section_cstart, $3  }
0xc0: {  	[dreg:$0x1] =	wrdreg $0xFFFFFFFF  }
0xc1: {  	_ =	task.clear_ibuf [dreg:s6], $0x2FFFF;
	_ =	strace $0x9FFFFFFF  }
0xc2: {  	(tm) =	ssettm $0x7FFFFFFF  }
0xc3: {  	_ =	shalt  }
tec
execute0_lowered:
.L_overlay_start_1:
0x0: {  	(tag) =	ssettag $0x1  }
0x1: {  	s7 =	rddreg [dreg:$0x0]  }
0x2: {  	s1 =	rddreg [dreg:$0x1]  }
0x3: {  	s0 =	rddreg [dreg:$0x2]  }
0x4: {  	s2 =	simm.s32 $0x0;
	s14 =	stileid.u32;
	s4 =	srdreg.scid  }
0x5: {  	s18 =	simm.s32 $0x80;
	s19 =	simm.s32 $0x2800;
	s20 =	simm.s32 $0x6800  }
0x6: {  	s21 =	simm.s32 $0x1;
	s22 =	simm.s32 $0x2;
	s23 =	simm.s32 $0x2700  }
0x7: {  	s24 =	simm.s32 $0x2780;
	s25 =	simm.s32 $0x0;
	[smem:$0x7FF] =	sst s2  }
0x8: {  	s3 =	smul.u32 $0x2700, s14;
	s5 =	sand.u32 $0x1, s4;
	s4 =	sadd.s32 $0x38000, s7  }
0x9: {  	s12 =	sadd.s32 $0x86C00, s7;
	s13 =	sadd.s32 $0x6E00, s7;
	s8 =	smul.u32 $0x4E000, s14  }
0xa: {  	s31 =	sshll.u32 s14, $0x6;
	s17 =	sadd.s32 $0x138000, s1;
	p0 =	sne.s32 s14, $0x0  }
0xb: {  	_ =	strace $0x8000004D;
	s6 =	smul.u32 $0x27180, s5;
	s29 =	ssub.s32 $0x2, s5  }
0xc: {  	s5 =	sshll.u32 s5, $0x4;
	s9 =	sadd.s32 s3, s7;
	s11 =	sshrl.u32 s29, $0x1  }
0xd: {  	s8 =	sshrl.u32 s8, $0x2;
	s30 =	sor.u32 s14, s5;
	s10 =	sadd.s32 s6, s7  }
0xe: {  	s11 =	ssub.s32 s29, s11;
	s15 =	sadd.s32 s8, s1;
	s16 =	smul.u32 $0x2800, s30  }
0xf: {  	s5 =	sadd.s32 $0x10E00, s9;
	s6 =	sor.u32 $0x1C03, s31;
	s7 =	sadd.s32 $0x37E00, s7  }
0x10: {  	s8 =	sadd.s32 $0x90C00, s10;
	s9 =	smax.u32 s11, $0x1;
	s16 =	sshrl.u32 s16, $0x3  }
0x11: {  	s10 =	sadd.s32 s12, s16;
	s11 =	sadd.s32 s13, s16;
	s16 =	sadd.s32 $0x280, s16  }
0x12: {  	s14 =	sshrl.u32 s15, $0x3;
	s15 =	simm.s32 $0x3;
	s12 =	sadd.s32 s12, s16  }
0x13: {  	s13 =	sadd.s32 s13, s16;
	s16 =	sshrl.u32 @!p0 s17, $0x3;
	s17 =	simm.s32 $0x1400  }
.LBB2_1:
0x14: {  	[spmem:s14], [sflag:s6] =	dma.local [hbm:s5], $0x2700  }
0x15: {  	_ =	swait.ge [sflag:s15], $0x2700  }
0x16: {  	[sflag:s15] =	ssyncset.done $0x0  }
0x17: {  	s26 =	simm.s32 @!p0 $0x3;
	[sflag:s15] =	ssyncadd.s32 $0xFFFFD900  }
0x18: {  	[spmem:s16], [sflag:s6] =	dma.local @!p0 [hbm:s7], $0x180  }
0x19: {  	_ =	swait.ge @!p0 [sflag:s26], $0x180  }
0x1a: {  	[sflag:s26] =	ssyncset.done @!p0 $0x0  }
0x1b: {  	[sflag:s26] =	ssyncadd.s32 @!p0 $0xFFFFFE80  }
0x1c: {  	[bflag:$0x0] =	sbarrier.arrive $0xFFFF  }
0x1d: {  	[tilespmem:s2], [sflag:$0x3] =	stream.linear.gather [hbm4b:s10+s2], $0x1400, $0x38;
	[tilespmem:$0x1E0C0] =	vst v63  }
0x1e: {  	_ =	swait.ge [sflag:s15], $0x1400  }
0x1f: {  	[sflag:s15] =	ssyncset.done $0x0  }
0x20: {  	[sflag:s15] =	ssyncadd.s32 $0xFFFFEC00  }
0x21: {  	[tilespmem:s17], [sflag:$0x3] =	stream.linear.gather [hbm4b:s11+s2], $0x1400, $0x38;
	[tilespmem:$0x1E0C0] =	vst v63  }
0x22: {  	_ =	swait.ge [sflag:s15], $0x1400  }
0x23: {  	[sflag:s15] =	ssyncset.done $0x0  }
0x24: {  	[sflag:s15] =	ssyncadd.s32 $0xFFFFEC00  }
0x25: {  	[tilespmem:s19], [sflag:$0x1] =	stream.indirect.gather [hbm4b:s4+s18], $0x80, s2, s18, $0xb8;
	[tilespmem:$0x1E0C0] =	vst v63  }
0x26: {  	_ = 	snop  }
0x27: {  	[tilespmem:s20], [sflag:$0x2] =	stream.indirect.gather [hbm4b:s4+s18], $0x80, s18, s18, $0xb8;
	[tilespmem:$0x1E0C0] =	vst v63  }
0x28: {  	_ =	swait.ge [sflag:s21], $0x4000  }
0x29: {  	[sflag:s21] =	ssyncset.done $0x0  }
0x2a: {  	s29 =	simm.s32 $0x1400;
	[sflag:s21] =	ssyncadd.s32 $0xFFFFC000  }
0x2b: {  	[spmem:s1] =	stream.indirect.scatter.add.f32 [tilespmem:s19], [sflag:$0x3], $0x80, s29, s18, $0xb8;
	[tilespmem:$0x1E0C0] =	vst v63  }
0x2c: {  	_ =	swait.ge [sflag:s15], $0x4000  }
0x2d: {  	[sflag:s15] =	ssyncset.done $0x0  }
0x2e: {  	s30 =	simm.s32 $0x100;
	[sflag:s15] =	ssyncadd.s32 $0xFFFFC000  }
0x2f: {  	[tilespmem:s19], [sflag:$0x1] =	stream.indirect.gather [hbm4b:s4+s18], $0x80, s30, s18, $0xb8;
	[tilespmem:$0x1E0C0] =	vst v63  }
0x30: {  	_ =	swait.ge [sflag:s22], $0x4000  }
0x31: {  	[sflag:s22] =	ssyncset.done $0x0  }
0x32: {  	s31 =	simm.s32 $0x1480;
	[sflag:s22] =	ssyncadd.s32 $0xFFFFC000  }
0x33: {  	[spmem:s1] =	stream.indirect.scatter.add.f32 [tilespmem:s20], [sflag:$0x3], $0x80, s31, s18, $0xb8;
	[tilespmem:$0x1E0C0] =	vst v63  }
0x34: {  	_ =	swait.ge [sflag:s15], $0x4000  }
0x35: {  	[sflag:s15] =	ssyncset.done $0x0  }
0x36: {  	s28 =	simm.s32 $0x180;
	s26 =	simm.s32 $0x400;
	[sflag:s15] =	ssyncadd.s32 $0xFFFFC000  }
.LBB2_2:
0x37: {  	[tilespmem:s20], [sflag:$0x2] =	stream.indirect.gather [hbm4b:s4+s18], $0x80, s28, s18, $0xb8;
	[tilespmem:$0x1E0C0] =	vst v63  }
0x38: {  	s28 =	smov.u32 s26  }
0x39: {  	p1 =	sne.s32 s26, $0x4800;
	s26 =	sadd.s32 $0x400, s26;
	_ =	swait.ge [sflag:s21], $0x4000  }
0x3a: {  	s28 =	sshra.s32 s28, $0x2;
	[sflag:s21] =	ssyncset.done $0x0  }
0x3b: {  	s29 =	sadd.s32 $0x1400, s28;
	[sflag:s21] =	ssyncadd.s32 $0xFFFFC000  }
0x3c: {  	[spmem:s1] =	stream.indirect.scatter.add.f32 [tilespmem:s19], [sflag:$0x3], $0x80, s29, s18, $0xb8;
	[tilespmem:$0x1E0C0] =	vst v63  }
0x3d: {  	_ =	swait.ge [sflag:s15], $0x4000  }
0x3e: {  	[sflag:s15] =	ssyncset.done $0x0  }
0x3f: {  	s29 =	sadd.s32 $0x100, s28;
	[sflag:s15] =	ssyncadd.s32 $0xFFFFC000  }
0x40: {  	[tilespmem:s19], [sflag:$0x1] =	stream.indirect.gather [hbm4b:s4+s18], $0x80, s29, s18, $0xb8;
	[tilespmem:$0x1E0C0] =	vst v63  }
0x41: {  	_ =	swait.ge [sflag:s22], $0x4000  }
0x42: {  	[sflag:s22] =	ssyncset.done $0x0  }
.Ltmp0:
0x43: {  	s29 =	sadd.s32 $0x1480, s28;
	[sflag:s22] =	ssyncadd.s32 $0xFFFFC000;
	(pc) =	sbr.rel @p1 .LBB2_2-.Ltmp0, $4  }
0x44: {  	[spmem:s1] =	stream.indirect.scatter.add.f32 [tilespmem:s20], [sflag:$0x3], $0x80, s29, s18, $0xb8;
	[tilespmem:$0x1E0C0] =	vst v63  }
0x45: {  	_ =	swait.ge [sflag:s15], $0x4000  }
0x46: {  	[sflag:s15] =	ssyncset.done $0x0  }
0x47: {  	s28 =	sadd.s32 $0x180, s28;
	[sflag:s15] =	ssyncadd.s32 $0xFFFFC000  }
0x48: {  	[tilespmem:s20], [sflag:$0x2] =	stream.indirect.gather [hbm4b:s4+s18], $0x80, s28, s18, $0xb8;
	[tilespmem:$0x1E0C0] =	vst v63  }
0x49: {  	_ =	swait.ge [sflag:s21], $0x4000  }
0x4a: {  	[sflag:s21] =	ssyncset.done $0x0  }
0x4b: {  	[sflag:s21] =	ssyncadd.s32 $0xFFFFC000  }
0x4c: {  	[spmem:s1] =	stream.indirect.scatter.add.f32 [tilespmem:s19], [sflag:$0x3], $0x80, s23, s18, $0xb8;
	[tilespmem:$0x1E0C0] =	vst v63  }
0x4d: {  	_ =	swait.ge [sflag:s15], $0x4000  }
0x4e: {  	[sflag:s15] =	ssyncset.done $0x0  }
0x4f: {  	[sflag:s15] =	ssyncadd.s32 $0xFFFFC000  }
0x50: {  	_ =	swait.ge [sflag:s22], $0x4000  }
0x51: {  	[sflag:s22] =	ssyncset.done $0x0  }
0x52: {  	[sflag:s22] =	ssyncadd.s32 $0xFFFFC000  }
0x53: {  	[spmem:s1] =	stream.indirect.scatter.add.f32 [tilespmem:s20], [sflag:$0x3], $0x80, s24, s18, $0xb8;
	[tilespmem:$0x1E0C0] =	vst v63  }
0x54: {  	_ =	swait.ge [sflag:s15], $0x4000  }
0x55: {  	[sflag:s15] =	ssyncset.done $0x0  }
0x56: {  	s26 =	simm.s32 $0x0;
	[sflag:s15] =	ssyncadd.s32 $0xFFFFC000  }
0x57: {  	[tilespmem:s26], [sflag:$0x3] =	stream.linear.gather [hbm4b:s12+s26], $0x1400, $0x38;
	[tilespmem:$0x1E0C0] =	vst v63  }
0x58: {  	_ =	swait.ge [sflag:s15], $0x1400  }
0x59: {  	[sflag:s15] =	ssyncset.done $0x0  }
0x5a: {  	[sflag:s15] =	ssyncadd.s32 $0xFFFFEC00  }
0x5b: {  	[tilespmem:s17], [sflag:$0x3] =	stream.linear.gather [hbm4b:s13+s26], $0x1400, $0x38;
	[tilespmem:$0x1E0C0] =	vst v63  }
0x5c: {  	_ =	swait.ge [sflag:s15], $0x1400  }
0x5d: {  	[sflag:s15] =	ssyncset.done $0x0  }
0x5e: {  	[sflag:s15] =	ssyncadd.s32 $0xFFFFEC00  }
0x5f: {  	[tilespmem:s19], [sflag:$0x1] =	stream.indirect.gather [hbm4b:s4+s18], $0x80, s26, s18, $0xb8;
	[tilespmem:$0x1E0C0] =	vst v63  }
0x60: {  	_ = 	snop  }
0x61: {  	[tilespmem:s20], [sflag:$0x2] =	stream.indirect.gather [hbm4b:s4+s18], $0x80, s18, s18, $0xb8;
	[tilespmem:$0x1E0C0] =	vst v63  }
0x62: {  	_ =	swait.ge [sflag:s21], $0x4000  }
0x63: {  	[sflag:s21] =	ssyncset.done $0x0  }
0x64: {  	s29 =	simm.s32 $0x1400;
	[sflag:s21] =	ssyncadd.s32 $0xFFFFC000  }
0x65: {  	[spmem:s1] =	stream.indirect.scatter.add.f32 [tilespmem:s19], [sflag:$0x3], $0x80, s29, s18, $0xb8;
	[tilespmem:$0x1E0C0] =	vst v63  }
0x66: {  	_ =	swait.ge [sflag:s15], $0x4000  }
0x67: {  	[sflag:s15] =	ssyncset.done $0x0  }
0x68: {  	s30 =	simm.s32 $0x100;
	[sflag:s15] =	ssyncadd.s32 $0xFFFFC000  }
0x69: {  	[tilespmem:s19], [sflag:$0x1] =	stream.indirect.gather [hbm4b:s4+s18], $0x80, s30, s18, $0xb8;
	[tilespmem:$0x1E0C0] =	vst v63  }
0x6a: {  	_ =	swait.ge [sflag:s22], $0x4000  }
0x6b: {  	[sflag:s22] =	ssyncset.done $0x0  }
0x6c: {  	s31 =	simm.s32 $0x1480;
	[sflag:s22] =	ssyncadd.s32 $0xFFFFC000  }
0x6d: {  	[spmem:s1] =	stream.indirect.scatter.add.f32 [tilespmem:s20], [sflag:$0x3], $0x80, s31, s18, $0xb8;
	[tilespmem:$0x1E0C0] =	vst v63  }
0x6e: {  	_ =	swait.ge [sflag:s15], $0x4000  }
0x6f: {  	[sflag:s15] =	ssyncset.done $0x0  }
0x70: {  	s28 =	simm.s32 $0x180;
	s26 =	simm.s32 $0x400;
	[sflag:s15] =	ssyncadd.s32 $0xFFFFC000  }
.LBB2_4:
0x71: {  	[tilespmem:s20], [sflag:$0x2] =	stream.indirect.gather [hbm4b:s4+s18], $0x80, s28, s18, $0xb8;
	[tilespmem:$0x1E0C0] =	vst v63  }
0x72: {  	s28 =	smov.u32 s26  }
0x73: {  	p1 =	sne.s32 s26, $0x4800;
	s26 =	sadd.s32 $0x400, s26;
	_ =	swait.ge [sflag:s21], $0x4000  }
0x74: {  	s28 =	sshra.s32 s28, $0x2;
	[sflag:s21] =	ssyncset.done $0x0  }
0x75: {  	s29 =	sadd.s32 $0x1400, s28;
	[sflag:s21] =	ssyncadd.s32 $0xFFFFC000  }
0x76: {  	[spmem:s1] =	stream.indirect.scatter.add.f32 [tilespmem:s19], [sflag:$0x3], $0x80, s29, s18, $0xb8;
	[tilespmem:$0x1E0C0] =	vst v63  }
0x77: {  	_ =	swait.ge [sflag:s15], $0x4000  }
0x78: {  	[sflag:s15] =	ssyncset.done $0x0  }
0x79: {  	s29 =	sadd.s32 $0x100, s28;
	[sflag:s15] =	ssyncadd.s32 $0xFFFFC000  }
0x7a: {  	[tilespmem:s19], [sflag:$0x1] =	stream.indirect.gather [hbm4b:s4+s18], $0x80, s29, s18, $0xb8;
	[tilespmem:$0x1E0C0] =	vst v63  }
0x7b: {  	_ =	swait.ge [sflag:s22], $0x4000  }
0x7c: {  	[sflag:s22] =	ssyncset.done $0x0  }
.Ltmp1:
0x7d: {  	s29 =	sadd.s32 $0x1480, s28;
	[sflag:s22] =	ssyncadd.s32 $0xFFFFC000;
	(pc) =	sbr.rel @p1 .LBB2_4-.Ltmp1, $4  }
0x7e: {  	[spmem:s1] =	stream.indirect.scatter.add.f32 [tilespmem:s20], [sflag:$0x3], $0x80, s29, s18, $0xb8;
	[tilespmem:$0x1E0C0] =	vst v63  }
0x7f: {  	_ =	swait.ge [sflag:s15], $0x4000  }
0x80: {  	[sflag:s15] =	ssyncset.done $0x0  }
0x81: {  	s28 =	sadd.s32 $0x180, s28;
	[sflag:s15] =	ssyncadd.s32 $0xFFFFC000  }
0x82: {  	[tilespmem:s20], [sflag:$0x2] =	stream.indirect.gather [hbm4b:s4+s18], $0x80, s28, s18, $0xb8;
	[tilespmem:$0x1E0C0] =	vst v63  }
0x83: {  	_ =	swait.ge [sflag:s21], $0x4000  }
0x84: {  	[sflag:s21] =	ssyncset.done $0x0  }
0x85: {  	[sflag:s21] =	ssyncadd.s32 $0xFFFFC000  }
0x86: {  	[spmem:s1] =	stream.indirect.scatter.add.f32 [tilespmem:s19], [sflag:$0x3], $0x80, s23, s18, $0xb8;
	[tilespmem:$0x1E0C0] =	vst v63  }
0x87: {  	_ =	swait.ge [sflag:s15], $0x4000  }
0x88: {  	[sflag:s15] =	ssyncset.done $0x0  }
0x89: {  	[sflag:s15] =	ssyncadd.s32 $0xFFFFC000  }
0x8a: {  	_ =	swait.ge [sflag:s22], $0x4000  }
0x8b: {  	[sflag:s22] =	ssyncset.done $0x0  }
0x8c: {  	[sflag:s22] =	ssyncadd.s32 $0xFFFFC000  }
0x8d: {  	[spmem:s1] =	stream.indirect.scatter.add.f32 [tilespmem:s20], [sflag:$0x3], $0x80, s24, s18, $0xb8;
	[tilespmem:$0x1E0C0] =	vst v63  }
0x8e: {  	_ =	swait.ge [sflag:s15], $0x4000  }
0x8f: {  	[sflag:s15] =	ssyncset.done $0x0  }
0x90: {  	[sflag:s15] =	ssyncadd.s32 $0xFFFFC000  }
0x91: {  	s26 =	sadd.s32 s3, s8;
	[bflag:$0x0] =	sbarrier.arrive $0xFFFF  }
0x92: {  	[hbm:s26], [sflag:s6] =	dma.local [spmem:s14], $0x2700  }
0x93: {  	_ =	swait.ge [sflag:s15], $0x2700  }
0x94: {  	s25 =	sadd.s32 $0x1, s25;
	[sflag:s15] =	ssyncset.done $0x0  }
0x95: {  	p1 =	sne.s32 s25, s9;
	s26 =	sadd.s32 @!p0 $0x27000, s8;
	[sflag:s15] =	ssyncadd.s32 $0xFFFFD900  }
0x96: {  	[hbm:s26], [sflag:s6] =	dma.local @!p0 [spmem:s16], $0x180  }
.Ltmp2:
0x97: {  	_ = 	snop;
	(pc) =	sbr.rel @p1 .LBB2_1-.Ltmp2, $4  }
0x98: {  	s26 =	simm.s32 @!p0 $0x3  }
0x99: {  	_ =	swait.ge @!p0 [sflag:s26], $0x180  }
0x9a: {  	[sflag:s26] =	ssyncset.done @!p0 $0x0  }
0x9b: {  	[sflag:s26] =	ssyncadd.s32 @!p0 $0xFFFFFE80  }
0x9c: {  	_ =	sfence.sel $0x180000  }
0x9d: {  	[bflag:$0x0] =	sbarrier.arrive $0xFFFF  }
0x9e: {  	_ =	strace $0x9000004D  }
0x9f: {  	s0 =	sadd.s32 @!p0 $0x100000, s0;
	[bflag:$0x2] =	sbarrier.arrive $0xFFFF  }
0xa0: {  	[sflag:s0] =	ssyncadd.tile.s32 @!p0 $0x1;
	_ =	shalt  }
.Lfunc_end2:
_tile_overlayer_lowered:
.L_overlay_start_2:
0xa1: {  	(tag) =	ssettag $0x2  }
0xa2: {  	s0 =	rddreg [dreg:$0x0];
	s2 =	stileid.u32  }
0xa3: {  	s1 =	rddreg [dreg:$0x1];
	p0 =	sne.s32 s2, $0x0  }
0xa4: {  	s3 =	rddreg [dreg:$0x2];
	[bflag:$0x3] =	sbarrier.arrive $0xFFFF;
	s2 =	simm.s32 @!p0 $0x1C03  }
0xa5: {  	[timem:s3], [sflag:s2] =	dma.local @!p0 [hbm:s0], s1  }
0xa6: {  	s0 =	simm.s32 @!p0 $0x3  }
0xa7: {  	_ =	swait.ge @!p0 [sflag:s0], s1  }
0xa8: {  	s1 =	ssub.s32 @!p0 $0x0, s1;
	[sflag:s0] =	ssyncset.done @!p0 $0x0  }
0xa9: {  	[sflag:s0] =	ssyncadd.s32 @!p0 s1  }
0xaa: {  	[bflag:$0x3] =	sbarrier.arrive $0xFFFF  }
0xab: {  	_ =	shalt  }

// kernel: kernel.23.cloned.1.call-start
scs
__scs_entry_jumppad:
0x0: {  	(pc) =	sbr.rel $0x88, $3  }
0x1: {  	(tag) =	ssettag $0x0;
	lr =	simm.s32 $0x1  }
0x2: {  	[smem:$0x3F92] =	sst lr;
	_ =	strace $0xD0000000  }
0x3: {  	_ = 	snop  }
0x4: {  	_ = 	snop  }
0x5: {  	_ = 	snop  }
0x6: {  	_ = 	snop  }
0x7: {  	_ = 	snop  }
__scs_overlays_trampoline_lowered:
0x8: {  	[smem:$0x3FA1] =	sst s0  }
0x9: {  	[smem:$0x3FA2] =	sst s1  }
0xa: {  	[smem:$0x3FA3] =	sst s2  }
0xb: {  	[smem:$0x3FA4] =	sst s3  }
0xc: {  	[smem:$0x3FA5] =	sst s4  }
0xd: {  	[smem:$0x3FA6] =	sst s5  }
0xe: {  	[smem:$0x3FA7] =	sst s6  }
0xf: {  	[smem:$0x3FA8] =	sst s7  }
0x10: {  	[smem:$0x3FA9] =	sst s8  }
0x11: {  	[smem:$0x3FAA] =	sst s9;
	s0 =	simm.s32 @!p0 $0x0  }
0x12: {  	s1 =	sld [smem:$0x3F90];
	s0 =	simm.s32 @p0 $0x1  }
0x13: {  	[smem:$0x3FAB] =	sst s0;
	s0 =	simm.s32 @!p1 $0x0  }
0x14: {  	s2 =	sld [smem:$0x3F8F];
	s0 =	simm.s32 @p1 $0x1  }
0x15: {  	[smem:$0x3FAC] =	sst s0;
	s0 =	simm.s32 @!p2 $0x0  }
0x16: {  	s3 =	sld [smem:$0x3FDB];
	s0 =	simm.s32 @p2 $0x1  }
0x17: {  	s4 =	simm.s32 $0x1BF5;
	[smem:$0x3FAE] =	sst s0  }
0x18: {  	s0 =	sld [smem:$0x3F91];
	_ =	swait.ge [sflag:s4], $0x0  }
0x19: {  	s7 =	sld [smem:$0x3F92]  }
0x1a: {  	s8 =	sadd.s32 $0xFFFFE003, lr  }
0x1b: {  	s9 =	sadd.s32 $0xFFFFFEF7, lr;
	s5 =	simm.s32 $0xFFFFFFFF;
	p2 =	slt.u32 s8, $0xFFFFF086  }
0x1c: {  	p1 =	slt.u32 s9, $0xF7A;
	s5 =	simm.s32 @!p2 $0x0  }
0x1d: {  	s5 =	simm.s32 @p1 $0x1;
	p0 =	seq.s32 s7, s2  }
0x1e: {  	s7 =	smul.u32 @!p0 $0xF7A, s2;
	p2 =	seq.s32 @!p0 s5, $0x0  }
0x1f: {  	s9 =	smul.u32 $0xF7A, s1;
	s8 =	simm.s32 @!p0 $0x1BF5;
	p2 =	por !p2, p0  }
0x20: {  	[sflag:s8] =	ssyncset.s32 @!p0 $0xFFFFF086;
	s6 =	sadd.s32 @!p0 s3, s7;
	s7 =	simm.s32 @!p0 $0x108  }
0x21: {  	s3 =	sadd.s32 s3, s9;
	s6 =	sadd.s32 @!p0 $0x88, s6;
	s7 =	simm.s32 @p2 $0x1082  }
0x22: {  	[simem:s7], [sflag:s8] =	dma.local @!p0 [hbm:s6], $0xF7A  }
0x23: {  	s9 =	sor.u32 $0xD0000000, s2;
	s6 =	simm.s32 $0x108;
	_ =	swait.ge @!p0 [sflag:s8], $0x0  }
0x24: {  	s3 =	sadd.s32 $0x88, s3;
	s6 =	simm.s32 @!p1 $0x1082;
	[sflag:s4] =	ssyncset.s32 $0xFFFFF086  }
0x25: {  	[simem:s6], [sflag:s4] =	dma.local [hbm:s3], $0xF7A  }
0x26: {  	[smem:$0x3F92] =	sst s1;
	(tag) =	ssettag s2;
	_ =	strace s9  }
0x27: {  	s1 =	sld [smem:$0x3FA2]  }
0x28: {  	s2 =	sld [smem:$0x3FA3]  }
0x29: {  	s4 =	sld [smem:$0x3FA5]  }
0x2a: {  	p0 =	seq.s32 s5, $0x0;
	s5 =	sld [smem:$0x3FA6]  }
0x2b: {  	s6 =	sld [smem:$0x3FA7]  }
0x2c: {  	s7 =	sld [smem:$0x3FA8]  }
0x2d: {  	s3 =	simm.s32 $0x108;
	s8 =	sld [smem:$0x3FA9]  }
0x2e: {  	s3 =	simm.s32 @!p0 $0x1082;
	s9 =	sld [smem:$0x3FAA]  }
0x2f: {  	lr =	sadd.s32 s0, s3;
	s0 =	sld [smem:$0x3FA1]  }
0x30: {  	s3 =	sld [smem:$0x3FA4]  }
0x31: {  	[smem:$0x3FAD] =	sst s10  }
0x32: {  	s10 =	sld [smem:$0x3FAB];
	_ =	sdelay $0x3  }
0x33: {  	p0 =	seq.s32 s10, $0x1;
	s10 =	sld [smem:$0x3FAD];
	_ =	sdelay $0x3  }
0x34: {  	[smem:$0x3FAD] =	sst s10  }
0x35: {  	s10 =	sld [smem:$0x3FAC];
	_ =	sdelay $0x3  }
0x36: {  	p1 =	seq.s32 s10, $0x1;
	s10 =	sld [smem:$0x3FAD];
	_ =	sdelay $0x3  }
0x37: {  	[smem:$0x3FAD] =	sst s10  }
0x38: {  	s10 =	sld [smem:$0x3FAE]  }
0x39: {  	_ = 	snop;
	(pc) =	sbr.ind lr, $3  }
0x3a: {  	_ = 	snop  }
0x3b: {  	_ = 	snop  }
0x3c: {  	p2 =	seq.s32 s10, $0x1;
	s10 =	sld [smem:$0x3FAD]  }
0x3d: {  	_ =	shalt  }
0x3e: {  	_ =	shalt  }
0x3f: {  	_ =	shalt  }
0x40: {  	_ =	shalt  }
0x41: {  	_ =	shalt  }
0x42: {  	_ =	shalt  }
0x43: {  	_ =	shalt  }
0x44: {  	_ =	shalt  }
0x45: {  	_ =	shalt  }
0x46: {  	_ =	shalt  }
0x47: {  	_ =	shalt  }
0x48: {  	_ =	shalt  }
0x49: {  	_ =	shalt  }
0x4a: {  	_ =	shalt  }
0x4b: {  	_ =	shalt  }
0x4c: {  	_ =	shalt  }
0x4d: {  	_ =	shalt  }
0x4e: {  	_ =	shalt  }
0x4f: {  	_ =	shalt  }
0x50: {  	_ =	shalt  }
0x51: {  	_ =	shalt  }
0x52: {  	_ =	shalt  }
0x53: {  	_ =	shalt  }
0x54: {  	_ =	shalt  }
0x55: {  	_ =	shalt  }
0x56: {  	_ =	shalt  }
0x57: {  	_ =	shalt  }
0x58: {  	_ =	shalt  }
0x59: {  	_ =	shalt  }
0x5a: {  	_ =	shalt  }
0x5b: {  	_ =	shalt  }
0x5c: {  	_ =	shalt  }
0x5d: {  	_ =	shalt  }
0x5e: {  	_ =	shalt  }
0x5f: {  	_ =	shalt  }
0x60: {  	_ =	shalt  }
0x61: {  	_ =	shalt  }
0x62: {  	_ =	shalt  }
0x63: {  	_ =	shalt  }
0x64: {  	_ =	shalt  }
0x65: {  	_ =	shalt  }
0x66: {  	_ =	shalt  }
0x67: {  	_ =	shalt  }
0x68: {  	_ =	shalt  }
0x69: {  	_ =	shalt  }
0x6a: {  	_ =	shalt  }
0x6b: {  	_ =	shalt  }
0x6c: {  	_ =	shalt  }
0x6d: {  	_ =	shalt  }
0x6e: {  	_ =	shalt  }
0x6f: {  	_ =	shalt  }
0x70: {  	_ =	shalt  }
0x71: {  	_ =	shalt  }
0x72: {  	_ =	shalt  }
0x73: {  	_ =	shalt  }
0x74: {  	_ =	shalt  }
0x75: {  	_ =	shalt  }
0x76: {  	_ =	shalt  }
0x77: {  	_ =	shalt  }
0x78: {  	_ =	shalt  }
0x79: {  	_ =	shalt  }
0x7a: {  	_ =	shalt  }
0x7b: {  	_ =	shalt  }
0x7c: {  	_ =	shalt  }
0x7d: {  	_ =	shalt  }
0x7e: {  	_ =	shalt  }
0x7f: {  	_ =	shalt  }
0x80: {  	_ =	shalt  }
0x81: {  	_ =	shalt  }
0x82: {  	_ =	shalt  }
0x83: {  	_ =	shalt  }
0x84: {  	_ =	shalt  }
0x85: {  	_ =	shalt  }
0x86: {  	_ =	shalt  }
0x87: {  	_ =	shalt  }
.Lfunc_end0:
.L_simem_size_0:
called_computation.3_lowered:
.L_overlay_start_0:
0x88: {  	s2 =	sld [smem:$0x3FD9]  }
0x89: {  	s3 =	sld [smem:$0x3FFE];
	_ =	sdelay $0x1  }
0x8a: {  	s1 =	srdreg.scid  }
0x8b: {  	s0 =	sand.u32 $0x1, s1  }
0x8c: {  	s16 =	sshll.u32 s0, $0xA;
	s2 =	sadd.s32 s3, s2  }
0x8d: {  	s2 =	sadd.s32 s2, s16  }
0x8e: {  	[smem:$0x3FB9] =	sst s2  }
0x8f: {  	_ = 	snop  }
0x90: {  	(tm) =	ssettm $0x1  }
0x91: {  	s17 =	sld [smem:$0x3FFB];
	_ =	sdelay $0x3  }
0x92: {  	_ =	strace s17  }
0x93: {  	s2 =	sld [smem:$0x3FFC];
	_ =	sdelay $0x3  }
0x94: {  	_ =	strace s2  }
0x95: {  	s2 =	sld [smem:$0x3FFD];
	_ =	sdelay $0x3  }
0x96: {  	_ =	strace s2  }
0x97: {  	_ =	strace $0x8FFFFFFF  }
0x98: {  	s18 =	sld [smem:$0x3FDB];
	_ =	sdelay $0x1  }
0x99: {  	s19 =	simm.s32 $_scs_section_size  }
0x9a: {  	s4 =	simm.s32 $_size__tile_overlayer_lowered;
	s5 =	simm.s32 $_tile_overlayer_lowered  }
0x9b: {  	s22 =	simm.s32 $0x1BFF;
	s21 =	sshll.u32 s5, $0x1;
	s2 =	sadd.s32 s19, s18  }
0x9c: {  	s6 =	simm.s32 $0x0;
	s20 =	sshll.u32 s4, $0x1;
	s4 =	sadd.s32 s21, s2  }
0x9d: {  	[timem:s6], [sflag:s22] =	dma.local [hbm:s4], s20  }
0x9e: {  	_ =	swait.ge [sflag:s22], s20  }
0x9f: {  	s3 =	ssub.s32 $0x0, s20;
	[sflag:s22] =	ssyncset.done $0x0  }
0xa0: {  	[sflag:s22] =	ssyncadd.s32 s3;
	_ =	sdelay $0x1  }
0xa1: {  	s23 =	simm.s32 $0x1B8B  }
0xa2: {  	_ =	swait.ge [sflag:s23], $0x1  }
0xa3: {  	[sflag:s23] =	ssyncset.done $0x0  }
0xa4: {  	s25 =	simm.s32 $0x1B8E;
	s24 =	sld [smem:$0x3FFE];
	[sflag:s23] =	ssyncadd.s32 $0xFFFFFFFF  }
0xa5: {  	s26 =	simm.s32 $execute0_lowered;
	[smem:$0x3FD2] =	sst s25  }
0xa6: {  	s4 =	sshll.u32 s26, $0x1;
	_ =	strace $0x8000004F;
	[dreg:$0x1] =	wrdreg $0xFFFFFFFF  }
0xa7: {  	s28 =	simm.s32 $_size_execute0_lowered;
	s2 =	sadd.s32 s2, s4;
	[dreg:$0x0] =	wrdreg $0x0  }
0xa8: {  	s4 =	sshll.u32 s28, $0x1;
	[dreg:$0x2] =	wrdreg s2  }
0xa9: {  	[dreg:$0x3] =	wrdreg s4  }
0xaa: {  	[dreg:$0x4] =	wrdreg $0xC0  }
0xab: {  	_ =	task [dreg:s6], $0x5FFFF  }
0xac: {  	[dreg:$0x1] =	wrdreg $0xFFFFFFFF  }
0xad: {  	[dreg:$0x0] =	wrdreg $0x60  }
0xae: {  	[dreg:$0x2] =	wrdreg s24  }
0xaf: {  	[dreg:$0x3] =	wrdreg $0xA8000  }
0xb0: {  	[dreg:$0x4] =	wrdreg $0x9  }
0xb1: {  	_ =	task.clear_ibuf [dreg:s6], $0x5FFFF;
	_ =	strace $0x9000004F  }
0xb2: {  	s29 =	simm.s32 $0x9;
	_ =	strace $0x80000051  }
0xb3: {  	_ =	swait.ge [sflag:s29], $0x1  }
0xb4: {  	[sflag:s29] =	ssyncadd.s32 $0xFFFFFFFF  }
0xb5: {  	_ =	strace $0x90000051  }
0xb6: {  	_ =	sfence  }
0xb7: {  	s30 =	sld [smem:$0x0];
	_ =	sdelay $0x2  }
0xb8: {  	s31 =	sshll.u32 s1, $0xD;
	s1 =	sshrl.u32 s1, $0x2  }
0xb9: {  	s3 =	sand.u32 $0x4000, s31;
	s1 =	sadd.s32 s1, s30  }
0xba: {  	s0 =	sor.u32 s3, s0;
	s1 =	sshll.u32 s1, $0x11  }
0xbb: {  	s0 =	sor.u32 s1, s0  }
0xbc: {  	s0 =	sadd.s32 $0x8F2B, s0  }
0xbd: {  	[sflag:s0] =	ssyncadd.remote.s32 $0x1  }
0xbe: {  	_ =	sfence.sel $0xFFFF  }
0xbf: {  	[dreg:$0x0] =	wrdreg $0xFFFFFFFF;
	(pc) =	sbr.abs _section_cstart, $3  }
0xc0: {  	[dreg:$0x1] =	wrdreg $0xFFFFFFFF  }
0xc1: {  	_ =	task.clear_ibuf [dreg:s6], $0x2FFFF;
	_ =	strace $0x9FFFFFFF  }
0xc2: {  	(tm) =	ssettm $0x7FFFFFFF  }
0xc3: {  	_ =	shalt  }
tec
execute0_lowered:
.L_overlay_start_1:
0x0: {  	(tag) =	ssettag $0x1  }
0x1: {  	s7 =	rddreg [dreg:$0x0]  }
0x2: {  	s1 =	rddreg [dreg:$0x1]  }
0x3: {  	s0 =	rddreg [dreg:$0x2]  }
0x4: {  	s2 =	simm.s32 $0x0;
	s14 =	stileid.u32;
	s4 =	srdreg.scid  }
0x5: {  	s18 =	simm.s32 $0x80;
	s19 =	simm.s32 $0x2800;
	s20 =	simm.s32 $0x6800  }
0x6: {  	s21 =	simm.s32 $0x1;
	s22 =	simm.s32 $0x2;
	s23 =	simm.s32 $0x2700  }
0x7: {  	s24 =	simm.s32 $0x2780;
	s25 =	simm.s32 $0x0;
	[smem:$0x7FF] =	sst s2  }
0x8: {  	s3 =	smul.u32 $0x2700, s14;
	s5 =	sand.u32 $0x1, s4;
	s4 =	sadd.s32 $0x38000, s7  }
0x9: {  	s12 =	sadd.s32 $0x86C00, s7;
	s13 =	sadd.s32 $0x6E00, s7;
	s8 =	smul.u32 $0x4E000, s14  }
0xa: {  	s31 =	sshll.u32 s14, $0x6;
	s17 =	sadd.s32 $0x138000, s1;
	p0 =	sne.s32 s14, $0x0  }
0xb: {  	_ =	strace $0x80000050;
	s6 =	smul.u32 $0x27180, s5;
	s29 =	ssub.s32 $0x2, s5  }
0xc: {  	s5 =	sshll.u32 s5, $0x4;
	s9 =	sadd.s32 s3, s7;
	s11 =	sshrl.u32 s29, $0x1  }
0xd: {  	s8 =	sshrl.u32 s8, $0x2;
	s30 =	sor.u32 s14, s5;
	s10 =	sadd.s32 s6, s7  }
0xe: {  	s11 =	ssub.s32 s29, s11;
	s15 =	sadd.s32 s8, s1;
	s16 =	smul.u32 $0x2800, s30  }
0xf: {  	s5 =	sadd.s32 $0x10E00, s9;
	s6 =	sor.u32 $0x1C03, s31;
	s7 =	sadd.s32 $0x37E00, s7  }
0x10: {  	s8 =	sadd.s32 $0x90C00, s10;
	s9 =	smax.u32 s11, $0x1;
	s16 =	sshrl.u32 s16, $0x3  }
0x11: {  	s10 =	sadd.s32 s12, s16;
	s11 =	sadd.s32 s13, s16;
	s16 =	sadd.s32 $0x280, s16  }
0x12: {  	s14 =	sshrl.u32 s15, $0x3;
	s15 =	simm.s32 $0x3;
	s12 =	sadd.s32 s12, s16  }
0x13: {  	s13 =	sadd.s32 s13, s16;
	s16 =	sshrl.u32 @!p0 s17, $0x3;
	s17 =	simm.s32 $0x1400  }
.LBB2_1:
0x14: {  	[spmem:s14], [sflag:s6] =	dma.local [hbm:s5], $0x2700  }
0x15: {  	_ =	swait.ge [sflag:s15], $0x2700  }
0x16: {  	[sflag:s15] =	ssyncset.done $0x0  }
0x17: {  	s26 =	simm.s32 @!p0 $0x3;
	[sflag:s15] =	ssyncadd.s32 $0xFFFFD900  }
0x18: {  	[spmem:s16], [sflag:s6] =	dma.local @!p0 [hbm:s7], $0x180  }
0x19: {  	_ =	swait.ge @!p0 [sflag:s26], $0x180  }
0x1a: {  	[sflag:s26] =	ssyncset.done @!p0 $0x0  }
0x1b: {  	[sflag:s26] =	ssyncadd.s32 @!p0 $0xFFFFFE80  }
0x1c: {  	[bflag:$0x0] =	sbarrier.arrive $0xFFFF  }
0x1d: {  	[tilespmem:s2], [sflag:$0x3] =	stream.linear.gather [hbm4b:s10+s2], $0x1400, $0x38;
	[tilespmem:$0x1E0C0] =	vst v63  }
0x1e: {  	_ =	swait.ge [sflag:s15], $0x1400  }
0x1f: {  	[sflag:s15] =	ssyncset.done $0x0  }
0x20: {  	[sflag:s15] =	ssyncadd.s32 $0xFFFFEC00  }
0x21: {  	[tilespmem:s17], [sflag:$0x3] =	stream.linear.gather [hbm4b:s11+s2], $0x1400, $0x38;
	[tilespmem:$0x1E0C0] =	vst v63  }
0x22: {  	_ =	swait.ge [sflag:s15], $0x1400  }
0x23: {  	[sflag:s15] =	ssyncset.done $0x0  }
0x24: {  	[sflag:s15] =	ssyncadd.s32 $0xFFFFEC00  }
0x25: {  	[tilespmem:s19], [sflag:$0x1] =	stream.indirect.gather [hbm4b:s4+s18], $0x80, s2, s18, $0xb8;
	[tilespmem:$0x1E0C0] =	vst v63  }
0x26: {  	_ = 	snop  }
0x27: {  	[tilespmem:s20], [sflag:$0x2] =	stream.indirect.gather [hbm4b:s4+s18], $0x80, s18, s18, $0xb8;
	[tilespmem:$0x1E0C0] =	vst v63  }
0x28: {  	_ =	swait.ge [sflag:s21], $0x4000  }
0x29: {  	[sflag:s21] =	ssyncset.done $0x0  }
0x2a: {  	s29 =	simm.s32 $0x1400;
	[sflag:s21] =	ssyncadd.s32 $0xFFFFC000  }
0x2b: {  	[spmem:s1] =	stream.indirect.scatter.add.f32 [tilespmem:s19], [sflag:$0x3], $0x80, s29, s18, $0xb8;
	[tilespmem:$0x1E0C0] =	vst v63  }
0x2c: {  	_ =	swait.ge [sflag:s15], $0x4000  }
0x2d: {  	[sflag:s15] =	ssyncset.done $0x0  }
0x2e: {  	s30 =	simm.s32 $0x100;
	[sflag:s15] =	ssyncadd.s32 $0xFFFFC000  }
0x2f: {  	[tilespmem:s19], [sflag:$0x1] =	stream.indirect.gather [hbm4b:s4+s18], $0x80, s30, s18, $0xb8;
	[tilespmem:$0x1E0C0] =	vst v63  }
0x30: {  	_ =	swait.ge [sflag:s22], $0x4000  }
0x31: {  	[sflag:s22] =	ssyncset.done $0x0  }
0x32: {  	s31 =	simm.s32 $0x1480;
	[sflag:s22] =	ssyncadd.s32 $0xFFFFC000  }
0x33: {  	[spmem:s1] =	stream.indirect.scatter.add.f32 [tilespmem:s20], [sflag:$0x3], $0x80, s31, s18, $0xb8;
	[tilespmem:$0x1E0C0] =	vst v63  }
0x34: {  	_ =	swait.ge [sflag:s15], $0x4000  }
0x35: {  	[sflag:s15] =	ssyncset.done $0x0  }
0x36: {  	s28 =	simm.s32 $0x180;
	s26 =	simm.s32 $0x400;
	[sflag:s15] =	ssyncadd.s32 $0xFFFFC000  }
.LBB2_2:
0x37: {  	[tilespmem:s20], [sflag:$0x2] =	stream.indirect.gather [hbm4b:s4+s18], $0x80, s28, s18, $0xb8;
	[tilespmem:$0x1E0C0] =	vst v63  }
0x38: {  	s28 =	smov.u32 s26  }
0x39: {  	p1 =	sne.s32 s26, $0x4800;
	s26 =	sadd.s32 $0x400, s26;
	_ =	swait.ge [sflag:s21], $0x4000  }
0x3a: {  	s28 =	sshra.s32 s28, $0x2;
	[sflag:s21] =	ssyncset.done $0x0  }
0x3b: {  	s29 =	sadd.s32 $0x1400, s28;
	[sflag:s21] =	ssyncadd.s32 $0xFFFFC000  }
0x3c: {  	[spmem:s1] =	stream.indirect.scatter.add.f32 [tilespmem:s19], [sflag:$0x3], $0x80, s29, s18, $0xb8;
	[tilespmem:$0x1E0C0] =	vst v63  }
0x3d: {  	_ =	swait.ge [sflag:s15], $0x4000  }
0x3e: {  	[sflag:s15] =	ssyncset.done $0x0  }
0x3f: {  	s29 =	sadd.s32 $0x100, s28;
	[sflag:s15] =	ssyncadd.s32 $0xFFFFC000  }
0x40: {  	[tilespmem:s19], [sflag:$0x1] =	stream.indirect.gather [hbm4b:s4+s18], $0x80, s29, s18, $0xb8;
	[tilespmem:$0x1E0C0] =	vst v63  }
0x41: {  	_ =	swait.ge [sflag:s22], $0x4000  }
0x42: {  	[sflag:s22] =	ssyncset.done $0x0  }
.Ltmp0:
0x43: {  	s29 =	sadd.s32 $0x1480, s28;
	[sflag:s22] =	ssyncadd.s32 $0xFFFFC000;
	(pc) =	sbr.rel @p1 .LBB2_2-.Ltmp0, $4  }
0x44: {  	[spmem:s1] =	stream.indirect.scatter.add.f32 [tilespmem:s20], [sflag:$0x3], $0x80, s29, s18, $0xb8;
	[tilespmem:$0x1E0C0] =	vst v63  }
0x45: {  	_ =	swait.ge [sflag:s15], $0x4000  }
0x46: {  	[sflag:s15] =	ssyncset.done $0x0  }
0x47: {  	s28 =	sadd.s32 $0x180, s28;
	[sflag:s15] =	ssyncadd.s32 $0xFFFFC000  }
0x48: {  	[tilespmem:s20], [sflag:$0x2] =	stream.indirect.gather [hbm4b:s4+s18], $0x80, s28, s18, $0xb8;
	[tilespmem:$0x1E0C0] =	vst v63  }
0x49: {  	_ =	swait.ge [sflag:s21], $0x4000  }
0x4a: {  	[sflag:s21] =	ssyncset.done $0x0  }
0x4b: {  	[sflag:s21] =	ssyncadd.s32 $0xFFFFC000  }
0x4c: {  	[spmem:s1] =	stream.indirect.scatter.add.f32 [tilespmem:s19], [sflag:$0x3], $0x80, s23, s18, $0xb8;
	[tilespmem:$0x1E0C0] =	vst v63  }
0x4d: {  	_ =	swait.ge [sflag:s15], $0x4000  }
0x4e: {  	[sflag:s15] =	ssyncset.done $0x0  }
0x4f: {  	[sflag:s15] =	ssyncadd.s32 $0xFFFFC000  }
0x50: {  	_ =	swait.ge [sflag:s22], $0x4000  }
0x51: {  	[sflag:s22] =	ssyncset.done $0x0  }
0x52: {  	[sflag:s22] =	ssyncadd.s32 $0xFFFFC000  }
0x53: {  	[spmem:s1] =	stream.indirect.scatter.add.f32 [tilespmem:s20], [sflag:$0x3], $0x80, s24, s18, $0xb8;
	[tilespmem:$0x1E0C0] =	vst v63  }
0x54: {  	_ =	swait.ge [sflag:s15], $0x4000  }
0x55: {  	[sflag:s15] =	ssyncset.done $0x0  }
0x56: {  	s26 =	simm.s32 $0x0;
	[sflag:s15] =	ssyncadd.s32 $0xFFFFC000  }
0x57: {  	[tilespmem:s26], [sflag:$0x3] =	stream.linear.gather [hbm4b:s12+s26], $0x1400, $0x38;
	[tilespmem:$0x1E0C0] =	vst v63  }
0x58: {  	_ =	swait.ge [sflag:s15], $0x1400  }
0x59: {  	[sflag:s15] =	ssyncset.done $0x0  }
0x5a: {  	[sflag:s15] =	ssyncadd.s32 $0xFFFFEC00  }
0x5b: {  	[tilespmem:s17], [sflag:$0x3] =	stream.linear.gather [hbm4b:s13+s26], $0x1400, $0x38;
	[tilespmem:$0x1E0C0] =	vst v63  }
0x5c: {  	_ =	swait.ge [sflag:s15], $0x1400  }
0x5d: {  	[sflag:s15] =	ssyncset.done $0x0  }
0x5e: {  	[sflag:s15] =	ssyncadd.s32 $0xFFFFEC00  }
0x5f: {  	[tilespmem:s19], [sflag:$0x1] =	stream.indirect.gather [hbm4b:s4+s18], $0x80, s26, s18, $0xb8;
	[tilespmem:$0x1E0C0] =	vst v63  }
0x60: {  	_ = 	snop  }
0x61: {  	[tilespmem:s20], [sflag:$0x2] =	stream.indirect.gather [hbm4b:s4+s18], $0x80, s18, s18, $0xb8;
	[tilespmem:$0x1E0C0] =	vst v63  }
0x62: {  	_ =	swait.ge [sflag:s21], $0x4000  }
0x63: {  	[sflag:s21] =	ssyncset.done $0x0  }
0x64: {  	s29 =	simm.s32 $0x1400;
	[sflag:s21] =	ssyncadd.s32 $0xFFFFC000  }
0x65: {  	[spmem:s1] =	stream.indirect.scatter.add.f32 [tilespmem:s19], [sflag:$0x3], $0x80, s29, s18, $0xb8;
	[tilespmem:$0x1E0C0] =	vst v63  }
0x66: {  	_ =	swait.ge [sflag:s15], $0x4000  }
0x67: {  	[sflag:s15] =	ssyncset.done $0x0  }
0x68: {  	s30 =	simm.s32 $0x100;
	[sflag:s15] =	ssyncadd.s32 $0xFFFFC000  }
0x69: {  	[tilespmem:s19], [sflag:$0x1] =	stream.indirect.gather [hbm4b:s4+s18], $0x80, s30, s18, $0xb8;
	[tilespmem:$0x1E0C0] =	vst v63  }
0x6a: {  	_ =	swait.ge [sflag:s22], $0x4000  }
0x6b: {  	[sflag:s22] =	ssyncset.done $0x0  }
0x6c: {  	s31 =	simm.s32 $0x1480;
	[sflag:s22] =	ssyncadd.s32 $0xFFFFC000  }
0x6d: {  	[spmem:s1] =	stream.indirect.scatter.add.f32 [tilespmem:s20], [sflag:$0x3], $0x80, s31, s18, $0xb8;
	[tilespmem:$0x1E0C0] =	vst v63  }
0x6e: {  	_ =	swait.ge [sflag:s15], $0x4000  }
0x6f: {  	[sflag:s15] =	ssyncset.done $0x0  }
0x70: {  	s28 =	simm.s32 $0x180;
	s26 =	simm.s32 $0x400;
	[sflag:s15] =	ssyncadd.s32 $0xFFFFC000  }
.LBB2_4:
0x71: {  	[tilespmem:s20], [sflag:$0x2] =	stream.indirect.gather [hbm4b:s4+s18], $0x80, s28, s18, $0xb8;
	[tilespmem:$0x1E0C0] =	vst v63  }
0x72: {  	s28 =	smov.u32 s26  }
0x73: {  	p1 =	sne.s32 s26, $0x4800;
	s26 =	sadd.s32 $0x400, s26;
	_ =	swait.ge [sflag:s21], $0x4000  }
0x74: {  	s28 =	sshra.s32 s28, $0x2;
	[sflag:s21] =	ssyncset.done $0x0  }
0x75: {  	s29 =	sadd.s32 $0x1400, s28;
	[sflag:s21] =	ssyncadd.s32 $0xFFFFC000  }
0x76: {  	[spmem:s1] =	stream.indirect.scatter.add.f32 [tilespmem:s19], [sflag:$0x3], $0x80, s29, s18, $0xb8;
	[tilespmem:$0x1E0C0] =	vst v63  }
0x77: {  	_ =	swait.ge [sflag:s15], $0x4000  }
0x78: {  	[sflag:s15] =	ssyncset.done $0x0  }
0x79: {  	s29 =	sadd.s32 $0x100, s28;
	[sflag:s15] =	ssyncadd.s32 $0xFFFFC000  }
0x7a: {  	[tilespmem:s19], [sflag:$0x1] =	stream.indirect.gather [hbm4b:s4+s18], $0x80, s29, s18, $0xb8;
	[tilespmem:$0x1E0C0] =	vst v63  }
0x7b: {  	_ =	swait.ge [sflag:s22], $0x4000  }
0x7c: {  	[sflag:s22] =	ssyncset.done $0x0  }
.Ltmp1:
0x7d: {  	s29 =	sadd.s32 $0x1480, s28;
	[sflag:s22] =	ssyncadd.s32 $0xFFFFC000;
	(pc) =	sbr.rel @p1 .LBB2_4-.Ltmp1, $4  }
0x7e: {  	[spmem:s1] =	stream.indirect.scatter.add.f32 [tilespmem:s20], [sflag:$0x3], $0x80, s29, s18, $0xb8;
	[tilespmem:$0x1E0C0] =	vst v63  }
0x7f: {  	_ =	swait.ge [sflag:s15], $0x4000  }
0x80: {  	[sflag:s15] =	ssyncset.done $0x0  }
0x81: {  	s28 =	sadd.s32 $0x180, s28;
	[sflag:s15] =	ssyncadd.s32 $0xFFFFC000  }
0x82: {  	[tilespmem:s20], [sflag:$0x2] =	stream.indirect.gather [hbm4b:s4+s18], $0x80, s28, s18, $0xb8;
	[tilespmem:$0x1E0C0] =	vst v63  }
0x83: {  	_ =	swait.ge [sflag:s21], $0x4000  }
0x84: {  	[sflag:s21] =	ssyncset.done $0x0  }
0x85: {  	[sflag:s21] =	ssyncadd.s32 $0xFFFFC000  }
0x86: {  	[spmem:s1] =	stream.indirect.scatter.add.f32 [tilespmem:s19], [sflag:$0x3], $0x80, s23, s18, $0xb8;
	[tilespmem:$0x1E0C0] =	vst v63  }
0x87: {  	_ =	swait.ge [sflag:s15], $0x4000  }
0x88: {  	[sflag:s15] =	ssyncset.done $0x0  }
0x89: {  	[sflag:s15] =	ssyncadd.s32 $0xFFFFC000  }
0x8a: {  	_ =	swait.ge [sflag:s22], $0x4000  }
0x8b: {  	[sflag:s22] =	ssyncset.done $0x0  }
0x8c: {  	[sflag:s22] =	ssyncadd.s32 $0xFFFFC000  }
0x8d: {  	[spmem:s1] =	stream.indirect.scatter.add.f32 [tilespmem:s20], [sflag:$0x3], $0x80, s24, s18, $0xb8;
	[tilespmem:$0x1E0C0] =	vst v63  }
0x8e: {  	_ =	swait.ge [sflag:s15], $0x4000  }
0x8f: {  	[sflag:s15] =	ssyncset.done $0x0  }
0x90: {  	[sflag:s15] =	ssyncadd.s32 $0xFFFFC000  }
0x91: {  	s26 =	sadd.s32 s3, s8;
	[bflag:$0x0] =	sbarrier.arrive $0xFFFF  }
0x92: {  	[hbm:s26], [sflag:s6] =	dma.local [spmem:s14], $0x2700  }
0x93: {  	_ =	swait.ge [sflag:s15], $0x2700  }
0x94: {  	s25 =	sadd.s32 $0x1, s25;
	[sflag:s15] =	ssyncset.done $0x0  }
0x95: {  	p1 =	sne.s32 s25, s9;
	s26 =	sadd.s32 @!p0 $0x27000, s8;
	[sflag:s15] =	ssyncadd.s32 $0xFFFFD900  }
0x96: {  	[hbm:s26], [sflag:s6] =	dma.local @!p0 [spmem:s16], $0x180  }
.Ltmp2:
0x97: {  	_ = 	snop;
	(pc) =	sbr.rel @p1 .LBB2_1-.Ltmp2, $4  }
0x98: {  	s26 =	simm.s32 @!p0 $0x3  }
0x99: {  	_ =	swait.ge @!p0 [sflag:s26], $0x180  }
0x9a: {  	[sflag:s26] =	ssyncset.done @!p0 $0x0  }
0x9b: {  	[sflag:s26] =	ssyncadd.s32 @!p0 $0xFFFFFE80  }
0x9c: {  	_ =	sfence.sel $0x180000  }
0x9d: {  	[bflag:$0x0] =	sbarrier.arrive $0xFFFF  }
0x9e: {  	_ =	strace $0x90000050  }
0x9f: {  	s0 =	sadd.s32 @!p0 $0x100000, s0;
	[bflag:$0x2] =	sbarrier.arrive $0xFFFF  }
0xa0: {  	[sflag:s0] =	ssyncadd.tile.s32 @!p0 $0x1;
	_ =	shalt  }
.Lfunc_end2:
_tile_overlayer_lowered:
.L_overlay_start_2:
0xa1: {  	(tag) =	ssettag $0x2  }
0xa2: {  	s0 =	rddreg [dreg:$0x0];
	s2 =	stileid.u32  }
0xa3: {  	s1 =	rddreg [dreg:$0x1];
	p0 =	sne.s32 s2, $0x0  }
0xa4: {  	s3 =	rddreg [dreg:$0x2];
	[bflag:$0x3] =	sbarrier.arrive $0xFFFF;
	s2 =	simm.s32 @!p0 $0x1C03  }
0xa5: {  	[timem:s3], [sflag:s2] =	dma.local @!p0 [hbm:s0], s1  }
0xa6: {  	s0 =	simm.s32 @!p0 $0x3  }
0xa7: {  	_ =	swait.ge @!p0 [sflag:s0], s1  }
0xa8: {  	s1 =	ssub.s32 @!p0 $0x0, s1;
	[sflag:s0] =	ssyncset.done @!p0 $0x0  }
0xa9: {  	[sflag:s0] =	ssyncadd.s32 @!p0 s1  }
0xaa: {  	[bflag:$0x3] =	sbarrier.arrive $0xFFFF  }
0xab: {  	_ =	shalt  }

// kernel: kernel.26.cloned.1.call-start
scs
__scs_entry_jumppad:
0x0: {  	(pc) =	sbr.rel $0x88, $3  }
0x1: {  	(tag) =	ssettag $0x0;
	lr =	simm.s32 $0x1  }
0x2: {  	[smem:$0x3F92] =	sst lr;
	_ =	strace $0xD0000000  }
0x3: {  	_ = 	snop  }
0x4: {  	_ = 	snop  }
0x5: {  	_ = 	snop  }
0x6: {  	_ = 	snop  }
0x7: {  	_ = 	snop  }
__scs_overlays_trampoline_lowered:
0x8: {  	[smem:$0x3FA1] =	sst s0  }
0x9: {  	[smem:$0x3FA2] =	sst s1  }
0xa: {  	[smem:$0x3FA3] =	sst s2  }
0xb: {  	[smem:$0x3FA4] =	sst s3  }
0xc: {  	[smem:$0x3FA5] =	sst s4  }
0xd: {  	[smem:$0x3FA6] =	sst s5  }
0xe: {  	[smem:$0x3FA7] =	sst s6  }
0xf: {  	[smem:$0x3FA8] =	sst s7  }
0x10: {  	[smem:$0x3FA9] =	sst s8  }
0x11: {  	[smem:$0x3FAA] =	sst s9;
	s0 =	simm.s32 @!p0 $0x0  }
0x12: {  	s1 =	sld [smem:$0x3F90];
	s0 =	simm.s32 @p0 $0x1  }
0x13: {  	[smem:$0x3FAB] =	sst s0;
	s0 =	simm.s32 @!p1 $0x0  }
0x14: {  	s2 =	sld [smem:$0x3F8F];
	s0 =	simm.s32 @p1 $0x1  }
0x15: {  	[smem:$0x3FAC] =	sst s0;
	s0 =	simm.s32 @!p2 $0x0  }
0x16: {  	s3 =	sld [smem:$0x3FDB];
	s0 =	simm.s32 @p2 $0x1  }
0x17: {  	s4 =	simm.s32 $0x1BF5;
	[smem:$0x3FAE] =	sst s0  }
0x18: {  	s0 =	sld [smem:$0x3F91];
	_ =	swait.ge [sflag:s4], $0x0  }
0x19: {  	s7 =	sld [smem:$0x3F92]  }
0x1a: {  	s8 =	sadd.s32 $0xFFFFE003, lr  }
0x1b: {  	s9 =	sadd.s32 $0xFFFFFEF7, lr;
	s5 =	simm.s32 $0xFFFFFFFF;
	p2 =	slt.u32 s8, $0xFFFFF086  }
0x1c: {  	p1 =	slt.u32 s9, $0xF7A;
	s5 =	simm.s32 @!p2 $0x0  }
0x1d: {  	s5 =	simm.s32 @p1 $0x1;
	p0 =	seq.s32 s7, s2  }
0x1e: {  	s7 =	smul.u32 @!p0 $0xF7A, s2;
	p2 =	seq.s32 @!p0 s5, $0x0  }
0x1f: {  	s9 =	smul.u32 $0xF7A, s1;
	s8 =	simm.s32 @!p0 $0x1BF5;
	p2 =	por !p2, p0  }
0x20: {  	[sflag:s8] =	ssyncset.s32 @!p0 $0xFFFFF086;
	s6 =	sadd.s32 @!p0 s3, s7;
	s7 =	simm.s32 @!p0 $0x108  }
0x21: {  	s3 =	sadd.s32 s3, s9;
	s6 =	sadd.s32 @!p0 $0x88, s6;
	s7 =	simm.s32 @p2 $0x1082  }
0x22: {  	[simem:s7], [sflag:s8] =	dma.local @!p0 [hbm:s6], $0xF7A  }
0x23: {  	s9 =	sor.u32 $0xD0000000, s2;
	s6 =	simm.s32 $0x108;
	_ =	swait.ge @!p0 [sflag:s8], $0x0  }
0x24: {  	s3 =	sadd.s32 $0x88, s3;
	s6 =	simm.s32 @!p1 $0x1082;
	[sflag:s4] =	ssyncset.s32 $0xFFFFF086  }
0x25: {  	[simem:s6], [sflag:s4] =	dma.local [hbm:s3], $0xF7A  }
0x26: {  	[smem:$0x3F92] =	sst s1;
	(tag) =	ssettag s2;
	_ =	strace s9  }
0x27: {  	s1 =	sld [smem:$0x3FA2]  }
0x28: {  	s2 =	sld [smem:$0x3FA3]  }
0x29: {  	s4 =	sld [smem:$0x3FA5]  }
0x2a: {  	p0 =	seq.s32 s5, $0x0;
	s5 =	sld [smem:$0x3FA6]  }
0x2b: {  	s6 =	sld [smem:$0x3FA7]  }
0x2c: {  	s7 =	sld [smem:$0x3FA8]  }
0x2d: {  	s3 =	simm.s32 $0x108;
	s8 =	sld [smem:$0x3FA9]  }
0x2e: {  	s3 =	simm.s32 @!p0 $0x1082;
	s9 =	sld [smem:$0x3FAA]  }
0x2f: {  	lr =	sadd.s32 s0, s3;
	s0 =	sld [smem:$0x3FA1]  }
0x30: {  	s3 =	sld [smem:$0x3FA4]  }
0x31: {  	[smem:$0x3FAD] =	sst s10  }
0x32: {  	s10 =	sld [smem:$0x3FAB];
	_ =	sdelay $0x3  }
0x33: {  	p0 =	seq.s32 s10, $0x1;
	s10 =	sld [smem:$0x3FAD];
	_ =	sdelay $0x3  }
0x34: {  	[smem:$0x3FAD] =	sst s10  }
0x35: {  	s10 =	sld [smem:$0x3FAC];
	_ =	sdelay $0x3  }
0x36: {  	p1 =	seq.s32 s10, $0x1;
	s10 =	sld [smem:$0x3FAD];
	_ =	sdelay $0x3  }
0x37: {  	[smem:$0x3FAD] =	sst s10  }
0x38: {  	s10 =	sld [smem:$0x3FAE]  }
0x39: {  	_ = 	snop;
	(pc) =	sbr.ind lr, $3  }
0x3a: {  	_ = 	snop  }
0x3b: {  	_ = 	snop  }
0x3c: {  	p2 =	seq.s32 s10, $0x1;
	s10 =	sld [smem:$0x3FAD]  }
0x3d: {  	_ =	shalt  }
0x3e: {  	_ =	shalt  }
0x3f: {  	_ =	shalt  }
0x40: {  	_ =	shalt  }
0x41: {  	_ =	shalt  }
0x42: {  	_ =	shalt  }
0x43: {  	_ =	shalt  }
0x44: {  	_ =	shalt  }
0x45: {  	_ =	shalt  }
0x46: {  	_ =	shalt  }
0x47: {  	_ =	shalt  }
0x48: {  	_ =	shalt  }
0x49: {  	_ =	shalt  }
0x4a: {  	_ =	shalt  }
0x4b: {  	_ =	shalt  }
0x4c: {  	_ =	shalt  }
0x4d: {  	_ =	shalt  }
0x4e: {  	_ =	shalt  }
0x4f: {  	_ =	shalt  }
0x50: {  	_ =	shalt  }
0x51: {  	_ =	shalt  }
0x52: {  	_ =	shalt  }
0x53: {  	_ =	shalt  }
0x54: {  	_ =	shalt  }
0x55: {  	_ =	shalt  }
0x56: {  	_ =	shalt  }
0x57: {  	_ =	shalt  }
0x58: {  	_ =	shalt  }
0x59: {  	_ =	shalt  }
0x5a: {  	_ =	shalt  }
0x5b: {  	_ =	shalt  }
0x5c: {  	_ =	shalt  }
0x5d: {  	_ =	shalt  }
0x5e: {  	_ =	shalt  }
0x5f: {  	_ =	shalt  }
0x60: {  	_ =	shalt  }
0x61: {  	_ =	shalt  }
0x62: {  	_ =	shalt  }
0x63: {  	_ =	shalt  }
0x64: {  	_ =	shalt  }
0x65: {  	_ =	shalt  }
0x66: {  	_ =	shalt  }
0x67: {  	_ =	shalt  }
0x68: {  	_ =	shalt  }
0x69: {  	_ =	shalt  }
0x6a: {  	_ =	shalt  }
0x6b: {  	_ =	shalt  }
0x6c: {  	_ =	shalt  }
0x6d: {  	_ =	shalt  }
0x6e: {  	_ =	shalt  }
0x6f: {  	_ =	shalt  }
0x70: {  	_ =	shalt  }
0x71: {  	_ =	shalt  }
0x72: {  	_ =	shalt  }
0x73: {  	_ =	shalt  }
0x74: {  	_ =	shalt  }
0x75: {  	_ =	shalt  }
0x76: {  	_ =	shalt  }
0x77: {  	_ =	shalt  }
0x78: {  	_ =	shalt  }
0x79: {  	_ =	shalt  }
0x7a: {  	_ =	shalt  }
0x7b: {  	_ =	shalt  }
0x7c: {  	_ =	shalt  }
0x7d: {  	_ =	shalt  }
0x7e: {  	_ =	shalt  }
0x7f: {  	_ =	shalt  }
0x80: {  	_ =	shalt  }
0x81: {  	_ =	shalt  }
0x82: {  	_ =	shalt  }
0x83: {  	_ =	shalt  }
0x84: {  	_ =	shalt  }
0x85: {  	_ =	shalt  }
0x86: {  	_ =	shalt  }
0x87: {  	_ =	shalt  }
.Lfunc_end0:
.L_simem_size_0:
called_computation.4_lowered:
.L_overlay_start_0:
0x88: {  	s2 =	sld [smem:$0x3FD9]  }
0x89: {  	s3 =	sld [smem:$0x3FFE];
	_ =	sdelay $0x1  }
0x8a: {  	s1 =	srdreg.scid  }
0x8b: {  	s0 =	sand.u32 $0x1, s1  }
0x8c: {  	s16 =	sshll.u32 s0, $0xA;
	s2 =	sadd.s32 s3, s2  }
0x8d: {  	s2 =	sadd.s32 s2, s16  }
0x8e: {  	[smem:$0x3FB9] =	sst s2  }
0x8f: {  	_ = 	snop  }
0x90: {  	(tm) =	ssettm $0x1  }
0x91: {  	s17 =	sld [smem:$0x3FFB];
	_ =	sdelay $0x3  }
0x92: {  	_ =	strace s17  }
0x93: {  	s2 =	sld [smem:$0x3FFC];
	_ =	sdelay $0x3  }
0x94: {  	_ =	strace s2  }
0x95: {  	s2 =	sld [smem:$0x3FFD];
	_ =	sdelay $0x3  }
0x96: {  	_ =	strace s2  }
0x97: {  	_ =	strace $0x8FFFFFFF  }
0x98: {  	s18 =	sld [smem:$0x3FDB];
	_ =	sdelay $0x1  }
0x99: {  	s19 =	simm.s32 $_scs_section_size  }
0x9a: {  	s4 =	simm.s32 $_size__tile_overlayer_lowered;
	s5 =	simm.s32 $_tile_overlayer_lowered  }
0x9b: {  	s22 =	simm.s32 $0x1BFF;
	s21 =	sshll.u32 s5, $0x1;
	s2 =	sadd.s32 s19, s18  }
0x9c: {  	s6 =	simm.s32 $0x0;
	s20 =	sshll.u32 s4, $0x1;
	s4 =	sadd.s32 s21, s2  }
0x9d: {  	[timem:s6], [sflag:s22] =	dma.local [hbm:s4], s20  }
0x9e: {  	_ =	swait.ge [sflag:s22], s20  }
0x9f: {  	s3 =	ssub.s32 $0x0, s20;
	[sflag:s22] =	ssyncset.done $0x0  }
0xa0: {  	[sflag:s22] =	ssyncadd.s32 s3;
	_ =	sdelay $0x1  }
0xa1: {  	s23 =	simm.s32 $0x1B8B  }
0xa2: {  	_ =	swait.ge [sflag:s23], $0x1  }
0xa3: {  	[sflag:s23] =	ssyncset.done $0x0  }
0xa4: {  	s25 =	simm.s32 $0x1B8E;
	s24 =	sld [smem:$0x3FFE];
	[sflag:s23] =	ssyncadd.s32 $0xFFFFFFFF  }
0xa5: {  	s26 =	simm.s32 $execute0_lowered;
	[smem:$0x3FD2] =	sst s25  }
0xa6: {  	s4 =	sshll.u32 s26, $0x1;
	_ =	strace $0x80000052;
	[dreg:$0x1] =	wrdreg $0xFFFFFFFF  }
0xa7: {  	s28 =	simm.s32 $_size_execute0_lowered;
	s2 =	sadd.s32 s2, s4;
	[dreg:$0x0] =	wrdreg $0x0  }
0xa8: {  	s4 =	sshll.u32 s28, $0x1;
	[dreg:$0x2] =	wrdreg s2  }
0xa9: {  	[dreg:$0x3] =	wrdreg s4  }
0xaa: {  	[dreg:$0x4] =	wrdreg $0xC0  }
0xab: {  	_ =	task [dreg:s6], $0x5FFFF  }
0xac: {  	[dreg:$0x1] =	wrdreg $0xFFFFFFFF  }
0xad: {  	[dreg:$0x0] =	wrdreg $0x60  }
0xae: {  	[dreg:$0x2] =	wrdreg s24  }
0xaf: {  	[dreg:$0x3] =	wrdreg $0xA8000  }
0xb0: {  	[dreg:$0x4] =	wrdreg $0x9  }
0xb1: {  	_ =	task.clear_ibuf [dreg:s6], $0x5FFFF;
	_ =	strace $0x90000052  }
0xb2: {  	s29 =	simm.s32 $0x9;
	_ =	strace $0x80000054  }
0xb3: {  	_ =	swait.ge [sflag:s29], $0x1  }
0xb4: {  	[sflag:s29] =	ssyncadd.s32 $0xFFFFFFFF  }
0xb5: {  	_ =	strace $0x90000054  }
0xb6: {  	_ =	sfence  }
0xb7: {  	s30 =	sld [smem:$0x0];
	_ =	sdelay $0x2  }
0xb8: {  	s31 =	sshll.u32 s1, $0xD;
	s1 =	sshrl.u32 s1, $0x2  }
0xb9: {  	s3 =	sand.u32 $0x4000, s31;
	s1 =	sadd.s32 s1, s30  }
0xba: {  	s0 =	sor.u32 s3, s0;
	s1 =	sshll.u32 s1, $0x11  }
0xbb: {  	s0 =	sor.u32 s1, s0  }
0xbc: {  	s0 =	sadd.s32 $0x8F2B, s0  }
0xbd: {  	[sflag:s0] =	ssyncadd.remote.s32 $0x1  }
0xbe: {  	_ =	sfence.sel $0xFFFF  }
0xbf: {  	[dreg:$0x0] =	wrdreg $0xFFFFFFFF;
	(pc) =	sbr.abs _section_cstart, $3  }
0xc0: {  	[dreg:$0x1] =	wrdreg $0xFFFFFFFF  }
0xc1: {  	_ =	task.clear_ibuf [dreg:s6], $0x2FFFF;
	_ =	strace $0x9FFFFFFF  }
0xc2: {  	(tm) =	ssettm $0x7FFFFFFF  }
0xc3: {  	_ =	shalt  }
tec
execute0_lowered:
.L_overlay_start_1:
0x0: {  	(tag) =	ssettag $0x1  }
0x1: {  	s7 =	rddreg [dreg:$0x0]  }
0x2: {  	s1 =	rddreg [dreg:$0x1]  }
0x3: {  	s0 =	rddreg [dreg:$0x2]  }
0x4: {  	s2 =	simm.s32 $0x0;
	s14 =	stileid.u32;
	s4 =	srdreg.scid  }
0x5: {  	s18 =	simm.s32 $0x80;
	s19 =	simm.s32 $0x2800;
	s20 =	simm.s32 $0x6800  }
0x6: {  	s21 =	simm.s32 $0x1;
	s22 =	simm.s32 $0x2;
	s23 =	simm.s32 $0x2700  }
0x7: {  	s24 =	simm.s32 $0x2780;
	s25 =	simm.s32 $0x0;
	[smem:$0x7FF] =	sst s2  }
0x8: {  	s3 =	smul.u32 $0x2700, s14;
	s5 =	sand.u32 $0x1, s4;
	s4 =	sadd.s32 $0x38000, s7  }
0x9: {  	s12 =	sadd.s32 $0x86C00, s7;
	s13 =	sadd.s32 $0x6E00, s7;
	s8 =	smul.u32 $0x4E000, s14  }
0xa: {  	s31 =	sshll.u32 s14, $0x6;
	s17 =	sadd.s32 $0x138000, s1;
	p0 =	sne.s32 s14, $0x0  }
0xb: {  	_ =	strace $0x80000053;
	s6 =	smul.u32 $0x27180, s5;
	s29 =	ssub.s32 $0x2, s5  }
0xc: {  	s5 =	sshll.u32 s5, $0x4;
	s9 =	sadd.s32 s3, s7;
	s11 =	sshrl.u32 s29, $0x1  }
0xd: {  	s8 =	sshrl.u32 s8, $0x2;
	s30 =	sor.u32 s14, s5;
	s10 =	sadd.s32 s6, s7  }
0xe: {  	s11 =	ssub.s32 s29, s11;
	s15 =	sadd.s32 s8, s1;
	s16 =	smul.u32 $0x2800, s30  }
0xf: {  	s5 =	sadd.s32 $0x10E00, s9;
	s6 =	sor.u32 $0x1C03, s31;
	s7 =	sadd.s32 $0x37E00, s7  }
0x10: {  	s8 =	sadd.s32 $0x90C00, s10;
	s9 =	smax.u32 s11, $0x1;
	s16 =	sshrl.u32 s16, $0x3  }
0x11: {  	s10 =	sadd.s32 s12, s16;
	s11 =	sadd.s32 s13, s16;
	s16 =	sadd.s32 $0x280, s16  }
0x12: {  	s14 =	sshrl.u32 s15, $0x3;
	s15 =	simm.s32 $0x3;
	s12 =	sadd.s32 s12, s16  }
0x13: {  	s13 =	sadd.s32 s13, s16;
	s16 =	sshrl.u32 @!p0 s17, $0x3;
	s17 =	simm.s32 $0x1400  }
.LBB2_1:
0x14: {  	[spmem:s14], [sflag:s6] =	dma.local [hbm:s5], $0x2700  }
0x15: {  	_ =	swait.ge [sflag:s15], $0x2700  }
0x16: {  	[sflag:s15] =	ssyncset.done $0x0  }
0x17: {  	s26 =	simm.s32 @!p0 $0x3;
	[sflag:s15] =	ssyncadd.s32 $0xFFFFD900  }
0x18: {  	[spmem:s16], [sflag:s6] =	dma.local @!p0 [hbm:s7], $0x180  }
0x19: {  	_ =	swait.ge @!p0 [sflag:s26], $0x180  }
0x1a: {  	[sflag:s26] =	ssyncset.done @!p0 $0x0  }
0x1b: {  	[sflag:s26] =	ssyncadd.s32 @!p0 $0xFFFFFE80  }
0x1c: {  	[bflag:$0x0] =	sbarrier.arrive $0xFFFF  }
0x1d: {  	[tilespmem:s2], [sflag:$0x3] =	stream.linear.gather [hbm4b:s10+s2], $0x1400, $0x38;
	[tilespmem:$0x1E0C0] =	vst v63  }
0x1e: {  	_ =	swait.ge [sflag:s15], $0x1400  }
0x1f: {  	[sflag:s15] =	ssyncset.done $0x0  }
0x20: {  	[sflag:s15] =	ssyncadd.s32 $0xFFFFEC00  }
0x21: {  	[tilespmem:s17], [sflag:$0x3] =	stream.linear.gather [hbm4b:s11+s2], $0x1400, $0x38;
	[tilespmem:$0x1E0C0] =	vst v63  }
0x22: {  	_ =	swait.ge [sflag:s15], $0x1400  }
0x23: {  	[sflag:s15] =	ssyncset.done $0x0  }
0x24: {  	[sflag:s15] =	ssyncadd.s32 $0xFFFFEC00  }
0x25: {  	[tilespmem:s19], [sflag:$0x1] =	stream.indirect.gather [hbm4b:s4+s18], $0x80, s2, s18, $0xb8;
	[tilespmem:$0x1E0C0] =	vst v63  }
0x26: {  	_ = 	snop  }
0x27: {  	[tilespmem:s20], [sflag:$0x2] =	stream.indirect.gather [hbm4b:s4+s18], $0x80, s18, s18, $0xb8;
	[tilespmem:$0x1E0C0] =	vst v63  }
0x28: {  	_ =	swait.ge [sflag:s21], $0x4000  }
0x29: {  	[sflag:s21] =	ssyncset.done $0x0  }
0x2a: {  	s29 =	simm.s32 $0x1400;
	[sflag:s21] =	ssyncadd.s32 $0xFFFFC000  }
0x2b: {  	[spmem:s1] =	stream.indirect.scatter.add.f32 [tilespmem:s19], [sflag:$0x3], $0x80, s29, s18, $0xb8;
	[tilespmem:$0x1E0C0] =	vst v63  }
0x2c: {  	_ =	swait.ge [sflag:s15], $0x4000  }
0x2d: {  	[sflag:s15] =	ssyncset.done $0x0  }
0x2e: {  	s30 =	simm.s32 $0x100;
	[sflag:s15] =	ssyncadd.s32 $0xFFFFC000  }
0x2f: {  	[tilespmem:s19], [sflag:$0x1] =	stream.indirect.gather [hbm4b:s4+s18], $0x80, s30, s18, $0xb8;
	[tilespmem:$0x1E0C0] =	vst v63  }
0x30: {  	_ =	swait.ge [sflag:s22], $0x4000  }
0x31: {  	[sflag:s22] =	ssyncset.done $0x0  }
0x32: {  	s31 =	simm.s32 $0x1480;
	[sflag:s22] =	ssyncadd.s32 $0xFFFFC000  }
0x33: {  	[spmem:s1] =	stream.indirect.scatter.add.f32 [tilespmem:s20], [sflag:$0x3], $0x80, s31, s18, $0xb8;
	[tilespmem:$0x1E0C0] =	vst v63  }
0x34: {  	_ =	swait.ge [sflag:s15], $0x4000  }
0x35: {  	[sflag:s15] =	ssyncset.done $0x0  }
0x36: {  	s28 =	simm.s32 $0x180;
	s26 =	simm.s32 $0x400;
	[sflag:s15] =	ssyncadd.s32 $0xFFFFC000  }
.LBB2_2:
0x37: {  	[tilespmem:s20], [sflag:$0x2] =	stream.indirect.gather [hbm4b:s4+s18], $0x80, s28, s18, $0xb8;
	[tilespmem:$0x1E0C0] =	vst v63  }
0x38: {  	s28 =	smov.u32 s26  }
0x39: {  	p1 =	sne.s32 s26, $0x4800;
	s26 =	sadd.s32 $0x400, s26;
	_ =	swait.ge [sflag:s21], $0x4000  }
0x3a: {  	s28 =	sshra.s32 s28, $0x2;
	[sflag:s21] =	ssyncset.done $0x0  }
0x3b: {  	s29 =	sadd.s32 $0x1400, s28;
	[sflag:s21] =	ssyncadd.s32 $0xFFFFC000  }
0x3c: {  	[spmem:s1] =	stream.indirect.scatter.add.f32 [tilespmem:s19], [sflag:$0x3], $0x80, s29, s18, $0xb8;
	[tilespmem:$0x1E0C0] =	vst v63  }
0x3d: {  	_ =	swait.ge [sflag:s15], $0x4000  }
0x3e: {  	[sflag:s15] =	ssyncset.done $0x0  }
0x3f: {  	s29 =	sadd.s32 $0x100, s28;
	[sflag:s15] =	ssyncadd.s32 $0xFFFFC000  }
0x40: {  	[tilespmem:s19], [sflag:$0x1] =	stream.indirect.gather [hbm4b:s4+s18], $0x80, s29, s18, $0xb8;
	[tilespmem:$0x1E0C0] =	vst v63  }
0x41: {  	_ =	swait.ge [sflag:s22], $0x4000  }
0x42: {  	[sflag:s22] =	ssyncset.done $0x0  }
.Ltmp0:
0x43: {  	s29 =	sadd.s32 $0x1480, s28;
	[sflag:s22] =	ssyncadd.s32 $0xFFFFC000;
	(pc) =	sbr.rel @p1 .LBB2_2-.Ltmp0, $4  }
0x44: {  	[spmem:s1] =	stream.indirect.scatter.add.f32 [tilespmem:s20], [sflag:$0x3], $0x80, s29, s18, $0xb8;
	[tilespmem:$0x1E0C0] =	vst v63  }
0x45: {  	_ =	swait.ge [sflag:s15], $0x4000  }
0x46: {  	[sflag:s15] =	ssyncset.done $0x0  }
0x47: {  	s28 =	sadd.s32 $0x180, s28;
	[sflag:s15] =	ssyncadd.s32 $0xFFFFC000  }
0x48: {  	[tilespmem:s20], [sflag:$0x2] =	stream.indirect.gather [hbm4b:s4+s18], $0x80, s28, s18, $0xb8;
	[tilespmem:$0x1E0C0] =	vst v63  }
0x49: {  	_ =	swait.ge [sflag:s21], $0x4000  }
0x4a: {  	[sflag:s21] =	ssyncset.done $0x0  }
0x4b: {  	[sflag:s21] =	ssyncadd.s32 $0xFFFFC000  }
0x4c: {  	[spmem:s1] =	stream.indirect.scatter.add.f32 [tilespmem:s19], [sflag:$0x3], $0x80, s23, s18, $0xb8;
	[tilespmem:$0x1E0C0] =	vst v63  }
0x4d: {  	_ =	swait.ge [sflag:s15], $0x4000  }
0x4e: {  	[sflag:s15] =	ssyncset.done $0x0  }
0x4f: {  	[sflag:s15] =	ssyncadd.s32 $0xFFFFC000  }
0x50: {  	_ =	swait.ge [sflag:s22], $0x4000  }
0x51: {  	[sflag:s22] =	ssyncset.done $0x0  }
0x52: {  	[sflag:s22] =	ssyncadd.s32 $0xFFFFC000  }
0x53: {  	[spmem:s1] =	stream.indirect.scatter.add.f32 [tilespmem:s20], [sflag:$0x3], $0x80, s24, s18, $0xb8;
	[tilespmem:$0x1E0C0] =	vst v63  }
0x54: {  	_ =	swait.ge [sflag:s15], $0x4000  }
0x55: {  	[sflag:s15] =	ssyncset.done $0x0  }
0x56: {  	s26 =	simm.s32 $0x0;
	[sflag:s15] =	ssyncadd.s32 $0xFFFFC000  }
0x57: {  	[tilespmem:s26], [sflag:$0x3] =	stream.linear.gather [hbm4b:s12+s26], $0x1400, $0x38;
	[tilespmem:$0x1E0C0] =	vst v63  }
0x58: {  	_ =	swait.ge [sflag:s15], $0x1400  }
0x59: {  	[sflag:s15] =	ssyncset.done $0x0  }
0x5a: {  	[sflag:s15] =	ssyncadd.s32 $0xFFFFEC00  }
0x5b: {  	[tilespmem:s17], [sflag:$0x3] =	stream.linear.gather [hbm4b:s13+s26], $0x1400, $0x38;
	[tilespmem:$0x1E0C0] =	vst v63  }
0x5c: {  	_ =	swait.ge [sflag:s15], $0x1400  }
0x5d: {  	[sflag:s15] =	ssyncset.done $0x0  }
0x5e: {  	[sflag:s15] =	ssyncadd.s32 $0xFFFFEC00  }
0x5f: {  	[tilespmem:s19], [sflag:$0x1] =	stream.indirect.gather [hbm4b:s4+s18], $0x80, s26, s18, $0xb8;
	[tilespmem:$0x1E0C0] =	vst v63  }
0x60: {  	_ = 	snop  }
0x61: {  	[tilespmem:s20], [sflag:$0x2] =	stream.indirect.gather [hbm4b:s4+s18], $0x80, s18, s18, $0xb8;
	[tilespmem:$0x1E0C0] =	vst v63  }
0x62: {  	_ =	swait.ge [sflag:s21], $0x4000  }
0x63: {  	[sflag:s21] =	ssyncset.done $0x0  }
0x64: {  	s29 =	simm.s32 $0x1400;
	[sflag:s21] =	ssyncadd.s32 $0xFFFFC000  }
0x65: {  	[spmem:s1] =	stream.indirect.scatter.add.f32 [tilespmem:s19], [sflag:$0x3], $0x80, s29, s18, $0xb8;
	[tilespmem:$0x1E0C0] =	vst v63  }
0x66: {  	_ =	swait.ge [sflag:s15], $0x4000  }
0x67: {  	[sflag:s15] =	ssyncset.done $0x0  }
0x68: {  	s30 =	simm.s32 $0x100;
	[sflag:s15] =	ssyncadd.s32 $0xFFFFC000  }
0x69: {  	[tilespmem:s19], [sflag:$0x1] =	stream.indirect.gather [hbm4b:s4+s18], $0x80, s30, s18, $0xb8;
	[tilespmem:$0x1E0C0] =	vst v63  }
0x6a: {  	_ =	swait.ge [sflag:s22], $0x4000  }
0x6b: {  	[sflag:s22] =	ssyncset.done $0x0  }
0x6c: {  	s31 =	simm.s32 $0x1480;
	[sflag:s22] =	ssyncadd.s32 $0xFFFFC000  }
0x6d: {  	[spmem:s1] =	stream.indirect.scatter.add.f32 [tilespmem:s20], [sflag:$0x3], $0x80, s31, s18, $0xb8;
	[tilespmem:$0x1E0C0] =	vst v63  }
0x6e: {  	_ =	swait.ge [sflag:s15], $0x4000  }
0x6f: {  	[sflag:s15] =	ssyncset.done $0x0  }
0x70: {  	s28 =	simm.s32 $0x180;
	s26 =	simm.s32 $0x400;
	[sflag:s15] =	ssyncadd.s32 $0xFFFFC000  }
.LBB2_4:
0x71: {  	[tilespmem:s20], [sflag:$0x2] =	stream.indirect.gather [hbm4b:s4+s18], $0x80, s28, s18, $0xb8;
	[tilespmem:$0x1E0C0] =	vst v63  }
0x72: {  	s28 =	smov.u32 s26  }
0x73: {  	p1 =	sne.s32 s26, $0x4800;
	s26 =	sadd.s32 $0x400, s26;
	_ =	swait.ge [sflag:s21], $0x4000  }
0x74: {  	s28 =	sshra.s32 s28, $0x2;
	[sflag:s21] =	ssyncset.done $0x0  }
0x75: {  	s29 =	sadd.s32 $0x1400, s28;
	[sflag:s21] =	ssyncadd.s32 $0xFFFFC000  }
0x76: {  	[spmem:s1] =	stream.indirect.scatter.add.f32 [tilespmem:s19], [sflag:$0x3], $0x80, s29, s18, $0xb8;
	[tilespmem:$0x1E0C0] =	vst v63  }
0x77: {  	_ =	swait.ge [sflag:s15], $0x4000  }
0x78: {  	[sflag:s15] =	ssyncset.done $0x0  }
0x79: {  	s29 =	sadd.s32 $0x100, s28;
	[sflag:s15] =	ssyncadd.s32 $0xFFFFC000  }
0x7a: {  	[tilespmem:s19], [sflag:$0x1] =	stream.indirect.gather [hbm4b:s4+s18], $0x80, s29, s18, $0xb8;
	[tilespmem:$0x1E0C0] =	vst v63  }
0x7b: {  	_ =	swait.ge [sflag:s22], $0x4000  }
0x7c: {  	[sflag:s22] =	ssyncset.done $0x0  }
.Ltmp1:
0x7d: {  	s29 =	sadd.s32 $0x1480, s28;
	[sflag:s22] =	ssyncadd.s32 $0xFFFFC000;
	(pc) =	sbr.rel @p1 .LBB2_4-.Ltmp1, $4  }
0x7e: {  	[spmem:s1] =	stream.indirect.scatter.add.f32 [tilespmem:s20], [sflag:$0x3], $0x80, s29, s18, $0xb8;
	[tilespmem:$0x1E0C0] =	vst v63  }
0x7f: {  	_ =	swait.ge [sflag:s15], $0x4000  }
0x80: {  	[sflag:s15] =	ssyncset.done $0x0  }
0x81: {  	s28 =	sadd.s32 $0x180, s28;
	[sflag:s15] =	ssyncadd.s32 $0xFFFFC000  }
0x82: {  	[tilespmem:s20], [sflag:$0x2] =	stream.indirect.gather [hbm4b:s4+s18], $0x80, s28, s18, $0xb8;
	[tilespmem:$0x1E0C0] =	vst v63  }
0x83: {  	_ =	swait.ge [sflag:s21], $0x4000  }
0x84: {  	[sflag:s21] =	ssyncset.done $0x0  }
0x85: {  	[sflag:s21] =	ssyncadd.s32 $0xFFFFC000  }
0x86: {  	[spmem:s1] =	stream.indirect.scatter.add.f32 [tilespmem:s19], [sflag:$0x3], $0x80, s23, s18, $0xb8;
	[tilespmem:$0x1E0C0] =	vst v63  }
0x87: {  	_ =	swait.ge [sflag:s15], $0x4000  }
0x88: {  	[sflag:s15] =	ssyncset.done $0x0  }
0x89: {  	[sflag:s15] =	ssyncadd.s32 $0xFFFFC000  }
0x8a: {  	_ =	swait.ge [sflag:s22], $0x4000  }
0x8b: {  	[sflag:s22] =	ssyncset.done $0x0  }
0x8c: {  	[sflag:s22] =	ssyncadd.s32 $0xFFFFC000  }
0x8d: {  	[spmem:s1] =	stream.indirect.scatter.add.f32 [tilespmem:s20], [sflag:$0x3], $0x80, s24, s18, $0xb8;
	[tilespmem:$0x1E0C0] =	vst v63  }
0x8e: {  	_ =	swait.ge [sflag:s15], $0x4000  }
0x8f: {  	[sflag:s15] =	ssyncset.done $0x0  }
0x90: {  	[sflag:s15] =	ssyncadd.s32 $0xFFFFC000  }
0x91: {  	s26 =	sadd.s32 s3, s8;
	[bflag:$0x0] =	sbarrier.arrive $0xFFFF  }
0x92: {  	[hbm:s26], [sflag:s6] =	dma.local [spmem:s14], $0x2700  }
0x93: {  	_ =	swait.ge [sflag:s15], $0x2700  }
0x94: {  	s25 =	sadd.s32 $0x1, s25;
	[sflag:s15] =	ssyncset.done $0x0  }
0x95: {  	p1 =	sne.s32 s25, s9;
	s26 =	sadd.s32 @!p0 $0x27000, s8;
	[sflag:s15] =	ssyncadd.s32 $0xFFFFD900  }
0x96: {  	[hbm:s26], [sflag:s6] =	dma.local @!p0 [spmem:s16], $0x180  }
.Ltmp2:
0x97: {  	_ = 	snop;
	(pc) =	sbr.rel @p1 .LBB2_1-.Ltmp2, $4  }
0x98: {  	s26 =	simm.s32 @!p0 $0x3  }
0x99: {  	_ =	swait.ge @!p0 [sflag:s26], $0x180  }
0x9a: {  	[sflag:s26] =	ssyncset.done @!p0 $0x0  }
0x9b: {  	[sflag:s26] =	ssyncadd.s32 @!p0 $0xFFFFFE80  }
0x9c: {  	_ =	sfence.sel $0x180000  }
0x9d: {  	[bflag:$0x0] =	sbarrier.arrive $0xFFFF  }
0x9e: {  	_ =	strace $0x90000053  }
0x9f: {  	s0 =	sadd.s32 @!p0 $0x100000, s0;
	[bflag:$0x2] =	sbarrier.arrive $0xFFFF  }
0xa0: {  	[sflag:s0] =	ssyncadd.tile.s32 @!p0 $0x1;
	_ =	shalt  }
.Lfunc_end2:
_tile_overlayer_lowered:
.L_overlay_start_2:
0xa1: {  	(tag) =	ssettag $0x2  }
0xa2: {  	s0 =	rddreg [dreg:$0x0];
	s2 =	stileid.u32  }
0xa3: {  	s1 =	rddreg [dreg:$0x1];
	p0 =	sne.s32 s2, $0x0  }
0xa4: {  	s3 =	rddreg [dreg:$0x2];
	[bflag:$0x3] =	sbarrier.arrive $0xFFFF;
	s2 =	simm.s32 @!p0 $0x1C03  }
0xa5: {  	[timem:s3], [sflag:s2] =	dma.local @!p0 [hbm:s0], s1  }
0xa6: {  	s0 =	simm.s32 @!p0 $0x3  }
0xa7: {  	_ =	swait.ge @!p0 [sflag:s0], s1  }
0xa8: {  	s1 =	ssub.s32 @!p0 $0x0, s1;
	[sflag:s0] =	ssyncset.done @!p0 $0x0  }
0xa9: {  	[sflag:s0] =	ssyncadd.s32 @!p0 s1  }
0xaa: {  	[bflag:$0x3] =	sbarrier.arrive $0xFFFF  }
0xab: {  	_ =	shalt  }

</sc_bundles>
